<compile_context>
chip_gen: v7x
topology: tpu7x:2x2x1
jax: 0.10.2.dev20260603
libtpu: 0.0.44.dev20260713+nightly
codegen_flags: <defaults>
</compile_context>

<pallas_src>
import functools

import jax
import jax.numpy as jnp
from jax import lax
from jax.experimental import pallas as pl
from jax.experimental.pallas import tpu as pltpu
from jax.experimental.pallas import tpu_sc as plsc

N = 10000
E = 320000
D = 128

NC, NS = 2, 16
NW = NC * NS
ROWS_PER_TILE = 640
NPAD = NS * ROWS_PER_TILE
CHUNK = 128
TOTAL_CHUNKS = 2560
EPAD = TOTAL_CHUNKS * CHUNK

CPT0, CPT1 = 144, 16
STAGES0 = (48, 48, 48)
STAGES1 = (16,)
IDXBUF = max(max(STAGES0), max(STAGES1))

DEG_CPT = TOTAL_CHUNKS // NW

_mesh = plsc.VectorSubcoreMesh(
    core_axis_name="c", subcore_axis_name="s", num_cores=NC, num_subcores=NS
)


@functools.partial(
    pl.kernel,
    out_type=jax.ShapeDtypeStruct((NC, NPAD), jnp.float32),
    mesh=_mesh,
    scratch_types=[
        pltpu.VMEM((DEG_CPT, CHUNK), jnp.int32),
        pltpu.VMEM((CHUNK,), jnp.float32),
        pltpu.VMEM_SHARED((NPAD,), jnp.float32),
    ],
)
def _deg_kernel(dst_hbm, ones_hbm, z_hbm, out_hbm, dst_v, ones_v, acc):
    c = lax.axis_index("c")
    s = lax.axis_index("s")
    wid = c * NS + s
    rows = pl.ds(s * ROWS_PER_TILE, ROWS_PER_TILE)
    pltpu.sync_copy(dst_hbm.at[pl.ds(wid * DEG_CPT, DEG_CPT)], dst_v)
    pltpu.sync_copy(ones_hbm, ones_v)
    pltpu.sync_copy(z_hbm.at[rows], acc.at[rows])
    plsc.subcore_barrier()

    def body(j, carry):
        pltpu.sync_copy(ones_v, acc.at[dst_v.at[j]], add=True)
        return carry

    lax.fori_loop(0, DEG_CPT, body, 0)
    plsc.subcore_barrier()
    pltpu.sync_copy(acc.at[rows], out_hbm.at[c].at[rows])


@functools.partial(
    pl.kernel,
    out_type=jax.ShapeDtypeStruct((NC, NPAD, D), jnp.float32),
    mesh=_mesh,
    scratch_types=[
        pltpu.VMEM((IDXBUF, CHUNK), jnp.int32),
        pltpu.VMEM((IDXBUF, CHUNK), jnp.int32),
        pltpu.VMEM((2, CHUNK, D), jnp.float32),
        pltpu.VMEM_SHARED((NPAD, D), jnp.float32),
        pltpu.SemaphoreType.DMA,
    ],
)
def _scatter_kernel(h_hbm, src_hbm, dst_hbm, z_hbm, out_hbm,
                    src_v, dst_v, rows_v, acc, sem):
    c = lax.axis_index("c")
    s = lax.axis_index("s")
    rows = pl.ds(s * ROWS_PER_TILE, ROWS_PER_TILE)
    pltpu.sync_copy(z_hbm, rows_v.at[0])
    for k in range(ROWS_PER_TILE // CHUNK):
        pltpu.sync_copy(rows_v.at[0],
                        acc.at[pl.ds(s * ROWS_PER_TILE + k * CHUNK, CHUNK)])
    plsc.subcore_barrier()

    def run_side(side_base, cpt, stages):
        tile_base = side_base + s * cpt
        off = 0
        for stage in stages:
            chunks = pl.ds(tile_base + off, stage)
            off += stage
            idx = pl.ds(0, stage)
            pltpu.sync_copy(src_hbm.at[chunks], src_v.at[idx])
            pltpu.sync_copy(dst_hbm.at[chunks], dst_v.at[idx])
            pltpu.async_copy(h_hbm.at[src_v.at[0]], rows_v.at[0], sem)

            def body(j, carry):
                b = lax.rem(j, 2)
                pltpu.make_async_copy(h_hbm.at[src_v.at[j]], rows_v.at[b], sem).wait()

                @pl.when(j < stage - 1)
                def _():
                    pltpu.async_copy(h_hbm.at[src_v.at[j + 1]], rows_v.at[1 - b], sem)

                pltpu.sync_copy(rows_v.at[b], acc.at[dst_v.at[j]], add=True)
                return carry

            lax.fori_loop(0, stage, body, 0)

    @pl.when(c == 0)
    def _():
        run_side(0, CPT0, STAGES0)

    @pl.when(c == 1)
    def _():
        run_side(NS * CPT0, CPT1, STAGES1)

    plsc.subcore_barrier()
    pltpu.sync_copy(acc.at[rows], out_hbm.at[c].at[rows])


_R = 400


def _dis_block(deg_ref):
    v = deg_ref[...]
    deg = v[0] + v[1] + 1.0
    return lax.rsqrt(deg)


def _prep_body(deg_ref, x_ref, w_ref, out_ref):
    dis = _dis_block(deg_ref)
    h = jnp.dot(x_ref[...], w_ref[...], preferred_element_type=jnp.float32)
    out_ref[...] = h * dis


def _mid_body(deg_ref, s_ref, h_ref, b_ref, w_ref, out_ref):
    dis = _dis_block(deg_ref)
    sv = s_ref[...]
    z = dis * (sv[0] + sv[1] + h_ref[...]) + b_ref[...]
    z = jnp.maximum(z, 0.0)
    out_ref[...] = jnp.dot(z, w_ref[...], preferred_element_type=jnp.float32) * dis


def _final_body(deg_ref, s_ref, h_ref, b_ref, out_ref):
    dis = _dis_block(deg_ref)
    sv = s_ref[...]
    z = dis * (sv[0] + sv[1] + h_ref[...]) + b_ref[...]
    out_ref[...] = jnp.maximum(z, 0.0)


_deg_spec = pl.BlockSpec((NC, _R, 1), lambda i: (0, i, 0))
_row_spec = pl.BlockSpec((_R, D), lambda i: (i, 0))
_part_spec = pl.BlockSpec((NC, _R, D), lambda i: (0, i, 0))
_w_spec = pl.BlockSpec((D, D), lambda i: (0, 0))
_b_spec = pl.BlockSpec((1, D), lambda i: (0, 0))
_out_shape = jax.ShapeDtypeStruct((N, D), jnp.float32)


def _tc_prep(degp, x, w1):
    return pl.pallas_call(
        _prep_body,
        grid=(N // _R,),
        in_specs=[_deg_spec, _row_spec, _w_spec],
        out_specs=_row_spec,
        out_shape=_out_shape,
    )(degp, x, w1)


def _tc_mid(degp, s1, h1s, b1, w2):
    return pl.pallas_call(
        _mid_body,
        grid=(N // _R,),
        in_specs=[_deg_spec, _part_spec, _row_spec, _b_spec, _w_spec],
        out_specs=_row_spec,
        out_shape=_out_shape,
    )(degp, s1, h1s, b1, w2)


def _tc_final(degp, s2, h2s, b2):
    return pl.pallas_call(
        _final_body,
        grid=(N // _R,),
        in_specs=[_deg_spec, _part_spec, _row_spec, _b_spec],
        out_specs=_row_spec,
        out_shape=_out_shape,
    )(degp, s2, h2s, b2)


@jax.jit
def _gcn(x, edge_index, w1, b1, w2, b2):
    src = edge_index[0].astype(jnp.int32)
    dst = edge_index[1].astype(jnp.int32)
    pad = EPAD - E
    src_p = jnp.concatenate([src, jnp.zeros((pad,), jnp.int32)])
    dst_p = jnp.concatenate([dst, jnp.full((pad,), N, jnp.int32)])
    src_p = src_p.reshape(TOTAL_CHUNKS, CHUNK)
    dst_p = dst_p.reshape(TOTAL_CHUNKS, CHUNK)
    ones1 = jnp.ones((CHUNK,), jnp.float32)
    z1 = jnp.zeros((NPAD,), jnp.float32)
    z128 = jnp.zeros((CHUNK, D), jnp.float32)
    b1r = b1.reshape(1, D)
    b2r = b2.reshape(1, D)

    degp = _deg_kernel(dst_p, ones1, z1).reshape(NC, NPAD, 1)
    h1s = _tc_prep(degp, x, w1)
    s1 = _scatter_kernel(h1s, src_p, dst_p, z128)
    h2s = _tc_mid(degp, s1, h1s, b1r, w2)
    s2 = _scatter_kernel(h2s, src_p, dst_p, z128)
    return _tc_final(degp, s2, h2s, b2r)


def kernel(x, edge_index, W1, b1, W2, b2):
    return _gcn(x, edge_index, W1, b1, W2, b2)

# --- scband reference (transcript-rebuilt; emitter-appended) ---
"""Pipeline reference for scband-gcn-87737591923115 (READ-ONLY COPY).

The authoritative reference and input builder live on the scoring server;
editing this copy changes nothing except your own understanding.
"""

import jax, jax.numpy as jnp
import numpy as np

N_NODES = 10000
N_EDGES = 320000
D_IN = 128
D_HID = 128
D_OUT = 128


def gcn_conv(x, src, dst, W, b, num_nodes):
    # PyG GCNConv: linear transform, then symmetric-normalized propagation
    # with self-loops, then bias.
    x = x @ W
    # add self loops
    loop = jnp.arange(num_nodes, dtype=src.dtype)
    src_sl = jnp.concatenate([src, loop])
    dst_sl = jnp.concatenate([dst, loop])
    # degree computed on dst (in-degree) including self loops
    deg = jnp.zeros((num_nodes,), dtype=x.dtype).at[dst_sl].add(1.0)
    deg_inv_sqrt = jnp.where(deg > 0, jax.lax.rsqrt(deg), 0.0)
    norm = deg_inv_sqrt[src_sl] * deg_inv_sqrt[dst_sl]
    msgs = x[src_sl] * norm[:, None]
    out = jnp.zeros((num_nodes, x.shape[1]), dtype=x.dtype).at[dst_sl].add(msgs)
    return out + b


def setup_inputs(seed: int = 0) -> dict:
    key = jax.random.key(seed)
    k_x, k_e, k_w1, k_b1, k_w2, k_b2 = jax.random.split(key, 6)
    x = jax.random.normal(k_x, (N_NODES, D_IN), dtype=jnp.float32)
    edge_index = jax.random.randint(k_e, (2, N_EDGES), 0, N_NODES, dtype=jnp.int64)
    s1 = 1.0 / np.sqrt(D_IN)
    W1 = jax.random.uniform(k_w1, (D_IN, D_HID), dtype=jnp.float32, minval=-s1, maxval=s1)
    b1 = jax.random.uniform(k_b1, (D_HID,), dtype=jnp.float32, minval=-s1, maxval=s1)
    s2 = 1.0 / np.sqrt(D_HID)
    W2 = jax.random.uniform(k_w2, (D_HID, D_OUT), dtype=jnp.float32, minval=-s2, maxval=s2)
    b2 = jax.random.uniform(k_b2, (D_OUT,), dtype=jnp.float32, minval=-s2, maxval=s2)
    return {"x": x, "edge_index": edge_index, "W1": W1, "b1": b1, "W2": W2, "b2": b2}


def reference(x, edge_index, W1, b1, W2, b2):
    src = edge_index[0]
    dst = edge_index[1]
    h = gcn_conv(x, src, dst, W1, b1, N_NODES)
    h = jax.nn.relu(h)
    h = gcn_conv(h, src, dst, W2, b2, N_NODES)
    h = jax.nn.relu(h)
    return h

if __name__ == "__main__":
    import jax
    _d = setup_inputs()
    print(jax.jit(kernel)(*tuple(_d.values())))

</pallas_src>

<mosaic_0001>
#map = affine_map<(d0, d1) -> (0, 0)>
#map1 = affine_map<(d0, d1) -> (0, 0, 0)>
module attributes {stable_mosaic.version = 14 : i64} {
  func.func @_scatter_kernel(%arg0: i32, %arg1: i32, %arg2: memref<10000x128xf32, #tpu.memory_space<hbm>>, %arg3: memref<2560x128xi32, #tpu.memory_space<hbm>>, %arg4: memref<2560x128xi32, #tpu.memory_space<hbm>>, %arg5: memref<128x128xf32, #tpu.memory_space<hbm>>, %arg6: memref<2x10240x128xf32, #tpu.memory_space<hbm>>, %arg7: memref<48x128xi32, #tpu.memory_space<vmem>>, %arg8: memref<48x128xi32, #tpu.memory_space<vmem>>, %arg9: memref<2x128x128xf32, #tpu.memory_space<vmem>>, %arg10: memref<10240x128xf32, #tpu.memory_space<vmem_shared>>, %arg11: memref<!tpu.dma_semaphore, #tpu.memory_space<semaphore_mem>>) attributes {dimension_semantics = [#tpu.dimension_semantics<core_parallel>, #tpu.dimension_semantics<subcore_parallel>], iteration_bounds = array<i64: 2, 16>, scalar_prefetch = 0 : i64, scratch_operands = 5 : i64, tpu.core_type = #tpu.core_type<sc_vector_subcore>, window_params = [{transform_indices = #map}, {transform_indices = #map}, {transform_indices = #map}, {transform_indices = #map}, {transform_indices = #map1}]} {
    %mul3A = arith.constant 640 : i32
    %mul3A_0 = arith.muli %arg1, %mul3A : i32
    %run_scoped3A = arith.constant 0 : i32
    "tpu.region"() ({
      %run_scoped3A_33 = tpu.sem_alloc : memref<!tpu.dma_semaphore, #tpu.memory_space<semaphore_mem>>
      %dma_start3A = arith.constant 0 : i32
      %dma_start3A_34 = arith.constant 0 : i32
      %dma_start3A_35 = tpu.memref_slice %arg9[%run_scoped3A, %dma_start3A, %dma_start3A_34] : memref<2x128x128xf32, #tpu.memory_space<vmem>> -> memref<1x128x128xf32, #tpu.memory_space<vmem>>
      %dma_start3A_36 = tpu.memref_squeeze %dma_start3A_35 : memref<1x128x128xf32, #tpu.memory_space<vmem>> -> memref<128x128xf32, #tpu.memory_space<vmem>>
      %dma_start3A_37 = arith.constant 0 : i32
      %dma_start3A_38 = arith.constant 0 : i32
      %dma_start3A_39 = tpu.memref_slice %arg9[%run_scoped3A, %dma_start3A_37, %dma_start3A_38] : memref<2x128x128xf32, #tpu.memory_space<vmem>> -> memref<1x128x128xf32, #tpu.memory_space<vmem>>
      %dma_start3A_40 = tpu.memref_squeeze %dma_start3A_39 : memref<1x128x128xf32, #tpu.memory_space<vmem>> -> memref<128x128xf32, #tpu.memory_space<vmem>>
      tpu.enqueue_dma source(%arg5 : memref<128x128xf32, #tpu.memory_space<hbm>>) target(%dma_start3A_40 : memref<128x128xf32, #tpu.memory_space<vmem>>) target_semaphore(%run_scoped3A_33 : memref<!tpu.dma_semaphore, #tpu.memory_space<semaphore_mem>>)
      %dma_wait3A = arith.constant 0 : i32
      %dma_wait3A_41 = arith.constant 0 : i32
      %dma_wait3A_42 = tpu.memref_slice %arg9[%run_scoped3A, %dma_wait3A, %dma_wait3A_41] : memref<2x128x128xf32, #tpu.memory_space<vmem>> -> memref<1x128x128xf32, #tpu.memory_space<vmem>>
      %dma_wait3A_43 = tpu.memref_squeeze %dma_wait3A_42 : memref<1x128x128xf32, #tpu.memory_space<vmem>> -> memref<128x128xf32, #tpu.memory_space<vmem>>
      %dma_wait3A_44 = arith.constant 0 : i32
      %dma_wait3A_45 = arith.constant 0 : i32
      %dma_wait3A_46 = tpu.memref_slice %arg9[%run_scoped3A, %dma_wait3A_44, %dma_wait3A_45] : memref<2x128x128xf32, #tpu.memory_space<vmem>> -> memref<1x128x128xf32, #tpu.memory_space<vmem>>
      %dma_wait3A_47 = tpu.memref_squeeze %dma_wait3A_46 : memref<1x128x128xf32, #tpu.memory_space<vmem>> -> memref<128x128xf32, #tpu.memory_space<vmem>>
      tpu.wait_dma2 semaphore(%run_scoped3A_33 : memref<!tpu.dma_semaphore, #tpu.memory_space<semaphore_mem>>) src(%arg5 : memref<128x128xf32, #tpu.memory_space<hbm>>) dst(%dma_wait3A_47 : memref<128x128xf32, #tpu.memory_space<vmem>>)
      tpu.yield
    }) : () -> ()
    %mul3A_1 = arith.constant 640 : i32
    %mul3A_2 = arith.muli %arg1, %mul3A_1 : i32
    %add3A = arith.constant 0 : i32
    %add3A_3 = arith.addi %mul3A_2, %add3A : i32
    %run_scoped3A_4 = arith.constant 0 : i32
    "tpu.region"() ({
      %run_scoped3A_33 = tpu.sem_alloc : memref<!tpu.dma_semaphore, #tpu.memory_space<semaphore_mem>>
      %dma_start3A = arith.constant 0 : i32
      %dma_start3A_34 = arith.constant 0 : i32
      %dma_start3A_35 = tpu.memref_slice %arg9[%run_scoped3A_4, %dma_start3A, %dma_start3A_34] : memref<2x128x128xf32, #tpu.memory_space<vmem>> -> memref<1x128x128xf32, #tpu.memory_space<vmem>>
      %dma_start3A_36 = tpu.memref_squeeze %dma_start3A_35 : memref<1x128x128xf32, #tpu.memory_space<vmem>> -> memref<128x128xf32, #tpu.memory_space<vmem>>
      %dma_start3A_37 = arith.constant 0 : i32
      %dma_start3A_38 = tpu.memref_slice %arg10[%add3A_3, %dma_start3A_37] : memref<10240x128xf32, #tpu.memory_space<vmem_shared>> -> memref<128x128xf32, #tpu.memory_space<vmem_shared>>
      %dma_start3A_39 = arith.constant 0 : i32
      %dma_start3A_40 = tpu.memref_slice %arg10[%add3A_3, %dma_start3A_39] : memref<10240x128xf32, #tpu.memory_space<vmem_shared>> -> memref<128x128xf32, #tpu.memory_space<vmem_shared>>
      %dma_start3A_41 = arith.constant 0 : i32
      %dma_start3A_42 = arith.constant 0 : i32
      %dma_start3A_43 = tpu.memref_slice %arg9[%run_scoped3A_4, %dma_start3A_41, %dma_start3A_42] : memref<2x128x128xf32, #tpu.memory_space<vmem>> -> memref<1x128x128xf32, #tpu.memory_space<vmem>>
      %dma_start3A_44 = tpu.memref_squeeze %dma_start3A_43 : memref<1x128x128xf32, #tpu.memory_space<vmem>> -> memref<128x128xf32, #tpu.memory_space<vmem>>
      tpu.enqueue_dma source(%dma_start3A_44 : memref<128x128xf32, #tpu.memory_space<vmem>>) target(%dma_start3A_40 : memref<128x128xf32, #tpu.memory_space<vmem_shared>>) target_semaphore(%run_scoped3A_33 : memref<!tpu.dma_semaphore, #tpu.memory_space<semaphore_mem>>)
      %dma_wait3A = arith.constant 0 : i32
      %dma_wait3A_45 = arith.constant 0 : i32
      %dma_wait3A_46 = tpu.memref_slice %arg9[%run_scoped3A_4, %dma_wait3A, %dma_wait3A_45] : memref<2x128x128xf32, #tpu.memory_space<vmem>> -> memref<1x128x128xf32, #tpu.memory_space<vmem>>
      %dma_wait3A_47 = tpu.memref_squeeze %dma_wait3A_46 : memref<1x128x128xf32, #tpu.memory_space<vmem>> -> memref<128x128xf32, #tpu.memory_space<vmem>>
      %dma_wait3A_48 = arith.constant 0 : i32
      %dma_wait3A_49 = tpu.memref_slice %arg10[%add3A_3, %dma_wait3A_48] : memref<10240x128xf32, #tpu.memory_space<vmem_shared>> -> memref<128x128xf32, #tpu.memory_space<vmem_shared>>
      %dma_wait3A_50 = arith.constant 0 : i32
      %dma_wait3A_51 = tpu.memref_slice %arg10[%add3A_3, %dma_wait3A_50] : memref<10240x128xf32, #tpu.memory_space<vmem_shared>> -> memref<128x128xf32, #tpu.memory_space<vmem_shared>>
      %dma_wait3A_52 = arith.constant 0 : i32
      %dma_wait3A_53 = arith.constant 0 : i32
      %dma_wait3A_54 = tpu.memref_slice %arg9[%run_scoped3A_4, %dma_wait3A_52, %dma_wait3A_53] : memref<2x128x128xf32, #tpu.memory_space<vmem>> -> memref<1x128x128xf32, #tpu.memory_space<vmem>>
      %dma_wait3A_55 = tpu.memref_squeeze %dma_wait3A_54 : memref<1x128x128xf32, #tpu.memory_space<vmem>> -> memref<128x128xf32, #tpu.memory_space<vmem>>
      tpu.wait_dma2 semaphore(%run_scoped3A_33 : memref<!tpu.dma_semaphore, #tpu.memory_space<semaphore_mem>>) src(%dma_wait3A_55 : memref<128x128xf32, #tpu.memory_space<vmem>>) dst(%dma_wait3A_51 : memref<128x128xf32, #tpu.memory_space<vmem_shared>>)
      tpu.yield
    }) : () -> ()
    %mul3A_5 = arith.constant 640 : i32
    %mul3A_6 = arith.muli %arg1, %mul3A_5 : i32
    %add3A_7 = arith.constant 128 : i32
    %add3A_8 = arith.addi %mul3A_6, %add3A_7 : i32
    %run_scoped3A_9 = arith.constant 0 : i32
    "tpu.region"() ({
      %run_scoped3A_33 = tpu.sem_alloc : memref<!tpu.dma_semaphore, #tpu.memory_space<semaphore_mem>>
      %dma_start3A = arith.constant 0 : i32
      %dma_start3A_34 = arith.constant 0 : i32
      %dma_start3A_35 = tpu.memref_slice %arg9[%run_scoped3A_9, %dma_start3A, %dma_start3A_34] : memref<2x128x128xf32, #tpu.memory_space<vmem>> -> memref<1x128x128xf32, #tpu.memory_space<vmem>>
      %dma_start3A_36 = tpu.memref_squeeze %dma_start3A_35 : memref<1x128x128xf32, #tpu.memory_space<vmem>> -> memref<128x128xf32, #tpu.memory_space<vmem>>
      %dma_start3A_37 = arith.constant 0 : i32
      %dma_start3A_38 = tpu.memref_slice %arg10[%add3A_8, %dma_start3A_37] : memref<10240x128xf32, #tpu.memory_space<vmem_shared>> -> memref<128x128xf32, #tpu.memory_space<vmem_shared>>
      %dma_start3A_39 = arith.constant 0 : i32
      %dma_start3A_40 = tpu.memref_slice %arg10[%add3A_8, %dma_start3A_39] : memref<10240x128xf32, #tpu.memory_space<vmem_shared>> -> memref<128x128xf32, #tpu.memory_space<vmem_shared>>
      %dma_start3A_41 = arith.constant 0 : i32
      %dma_start3A_42 = arith.constant 0 : i32
      %dma_start3A_43 = tpu.memref_slice %arg9[%run_scoped3A_9, %dma_start3A_41, %dma_start3A_42] : memref<2x128x128xf32, #tpu.memory_space<vmem>> -> memref<1x128x128xf32, #tpu.memory_space<vmem>>
      %dma_start3A_44 = tpu.memref_squeeze %dma_start3A_43 : memref<1x128x128xf32, #tpu.memory_space<vmem>> -> memref<128x128xf32, #tpu.memory_space<vmem>>
      tpu.enqueue_dma source(%dma_start3A_44 : memref<128x128xf32, #tpu.memory_space<vmem>>) target(%dma_start3A_40 : memref<128x128xf32, #tpu.memory_space<vmem_shared>>) target_semaphore(%run_scoped3A_33 : memref<!tpu.dma_semaphore, #tpu.memory_space<semaphore_mem>>)
      %dma_wait3A = arith.constant 0 : i32
      %dma_wait3A_45 = arith.constant 0 : i32
      %dma_wait3A_46 = tpu.memref_slice %arg9[%run_scoped3A_9, %dma_wait3A, %dma_wait3A_45] : memref<2x128x128xf32, #tpu.memory_space<vmem>> -> memref<1x128x128xf32, #tpu.memory_space<vmem>>
      %dma_wait3A_47 = tpu.memref_squeeze %dma_wait3A_46 : memref<1x128x128xf32, #tpu.memory_space<vmem>> -> memref<128x128xf32, #tpu.memory_space<vmem>>
      %dma_wait3A_48 = arith.constant 0 : i32
      %dma_wait3A_49 = tpu.memref_slice %arg10[%add3A_8, %dma_wait3A_48] : memref<10240x128xf32, #tpu.memory_space<vmem_shared>> -> memref<128x128xf32, #tpu.memory_space<vmem_shared>>
      %dma_wait3A_50 = arith.constant 0 : i32
      %dma_wait3A_51 = tpu.memref_slice %arg10[%add3A_8, %dma_wait3A_50] : memref<10240x128xf32, #tpu.memory_space<vmem_shared>> -> memref<128x128xf32, #tpu.memory_space<vmem_shared>>
      %dma_wait3A_52 = arith.constant 0 : i32
      %dma_wait3A_53 = arith.constant 0 : i32
      %dma_wait3A_54 = tpu.memref_slice %arg9[%run_scoped3A_9, %dma_wait3A_52, %dma_wait3A_53] : memref<2x128x128xf32, #tpu.memory_space<vmem>> -> memref<1x128x128xf32, #tpu.memory_space<vmem>>
      %dma_wait3A_55 = tpu.memref_squeeze %dma_wait3A_54 : memref<1x128x128xf32, #tpu.memory_space<vmem>> -> memref<128x128xf32, #tpu.memory_space<vmem>>
      tpu.wait_dma2 semaphore(%run_scoped3A_33 : memref<!tpu.dma_semaphore, #tpu.memory_space<semaphore_mem>>) src(%dma_wait3A_55 : memref<128x128xf32, #tpu.memory_space<vmem>>) dst(%dma_wait3A_51 : memref<128x128xf32, #tpu.memory_space<vmem_shared>>)
      tpu.yield
    }) : () -> ()
    %mul3A_10 = arith.constant 640 : i32
    %mul3A_11 = arith.muli %arg1, %mul3A_10 : i32
    %add3A_12 = arith.constant 256 : i32
    %add3A_13 = arith.addi %mul3A_11, %add3A_12 : i32
    %run_scoped3A_14 = arith.constant 0 : i32
    "tpu.region"() ({
      %run_scoped3A_33 = tpu.sem_alloc : memref<!tpu.dma_semaphore, #tpu.memory_space<semaphore_mem>>
      %dma_start3A = arith.constant 0 : i32
      %dma_start3A_34 = arith.constant 0 : i32
      %dma_start3A_35 = tpu.memref_slice %arg9[%run_scoped3A_14, %dma_start3A, %dma_start3A_34] : memref<2x128x128xf32, #tpu.memory_space<vmem>> -> memref<1x128x128xf32, #tpu.memory_space<vmem>>
      %dma_start3A_36 = tpu.memref_squeeze %dma_start3A_35 : memref<1x128x128xf32, #tpu.memory_space<vmem>> -> memref<128x128xf32, #tpu.memory_space<vmem>>
      %dma_start3A_37 = arith.constant 0 : i32
      %dma_start3A_38 = tpu.memref_slice %arg10[%add3A_13, %dma_start3A_37] : memref<10240x128xf32, #tpu.memory_space<vmem_shared>> -> memref<128x128xf32, #tpu.memory_space<vmem_shared>>
      %dma_start3A_39 = arith.constant 0 : i32
      %dma_start3A_40 = tpu.memref_slice %arg10[%add3A_13, %dma_start3A_39] : memref<10240x128xf32, #tpu.memory_space<vmem_shared>> -> memref<128x128xf32, #tpu.memory_space<vmem_shared>>
      %dma_start3A_41 = arith.constant 0 : i32
      %dma_start3A_42 = arith.constant 0 : i32
      %dma_start3A_43 = tpu.memref_slice %arg9[%run_scoped3A_14, %dma_start3A_41, %dma_start3A_42] : memref<2x128x128xf32, #tpu.memory_space<vmem>> -> memref<1x128x128xf32, #tpu.memory_space<vmem>>
      %dma_start3A_44 = tpu.memref_squeeze %dma_start3A_43 : memref<1x128x128xf32, #tpu.memory_space<vmem>> -> memref<128x128xf32, #tpu.memory_space<vmem>>
      tpu.enqueue_dma source(%dma_start3A_44 : memref<128x128xf32, #tpu.memory_space<vmem>>) target(%dma_start3A_40 : memref<128x128xf32, #tpu.memory_space<vmem_shared>>) target_semaphore(%run_scoped3A_33 : memref<!tpu.dma_semaphore, #tpu.memory_space<semaphore_mem>>)
      %dma_wait3A = arith.constant 0 : i32
      %dma_wait3A_45 = arith.constant 0 : i32
      %dma_wait3A_46 = tpu.memref_slice %arg9[%run_scoped3A_14, %dma_wait3A, %dma_wait3A_45] : memref<2x128x128xf32, #tpu.memory_space<vmem>> -> memref<1x128x128xf32, #tpu.memory_space<vmem>>
      %dma_wait3A_47 = tpu.memref_squeeze %dma_wait3A_46 : memref<1x128x128xf32, #tpu.memory_space<vmem>> -> memref<128x128xf32, #tpu.memory_space<vmem>>
      %dma_wait3A_48 = arith.constant 0 : i32
      %dma_wait3A_49 = tpu.memref_slice %arg10[%add3A_13, %dma_wait3A_48] : memref<10240x128xf32, #tpu.memory_space<vmem_shared>> -> memref<128x128xf32, #tpu.memory_space<vmem_shared>>
      %dma_wait3A_50 = arith.constant 0 : i32
      %dma_wait3A_51 = tpu.memref_slice %arg10[%add3A_13, %dma_wait3A_50] : memref<10240x128xf32, #tpu.memory_space<vmem_shared>> -> memref<128x128xf32, #tpu.memory_space<vmem_shared>>
      %dma_wait3A_52 = arith.constant 0 : i32
      %dma_wait3A_53 = arith.constant 0 : i32
      %dma_wait3A_54 = tpu.memref_slice %arg9[%run_scoped3A_14, %dma_wait3A_52, %dma_wait3A_53] : memref<2x128x128xf32, #tpu.memory_space<vmem>> -> memref<1x128x128xf32, #tpu.memory_space<vmem>>
      %dma_wait3A_55 = tpu.memref_squeeze %dma_wait3A_54 : memref<1x128x128xf32, #tpu.memory_space<vmem>> -> memref<128x128xf32, #tpu.memory_space<vmem>>
      tpu.wait_dma2 semaphore(%run_scoped3A_33 : memref<!tpu.dma_semaphore, #tpu.memory_space<semaphore_mem>>) src(%dma_wait3A_55 : memref<128x128xf32, #tpu.memory_space<vmem>>) dst(%dma_wait3A_51 : memref<128x128xf32, #tpu.memory_space<vmem_shared>>)
      tpu.yield
    }) : () -> ()
    %mul3A_15 = arith.constant 640 : i32
    %mul3A_16 = arith.muli %arg1, %mul3A_15 : i32
    %add3A_17 = arith.constant 384 : i32
    %add3A_18 = arith.addi %mul3A_16, %add3A_17 : i32
    %run_scoped3A_19 = arith.constant 0 : i32
    "tpu.region"() ({
      %run_scoped3A_33 = tpu.sem_alloc : memref<!tpu.dma_semaphore, #tpu.memory_space<semaphore_mem>>
      %dma_start3A = arith.constant 0 : i32
      %dma_start3A_34 = arith.constant 0 : i32
      %dma_start3A_35 = tpu.memref_slice %arg9[%run_scoped3A_19, %dma_start3A, %dma_start3A_34] : memref<2x128x128xf32, #tpu.memory_space<vmem>> -> memref<1x128x128xf32, #tpu.memory_space<vmem>>
      %dma_start3A_36 = tpu.memref_squeeze %dma_start3A_35 : memref<1x128x128xf32, #tpu.memory_space<vmem>> -> memref<128x128xf32, #tpu.memory_space<vmem>>
      %dma_start3A_37 = arith.constant 0 : i32
      %dma_start3A_38 = tpu.memref_slice %arg10[%add3A_18, %dma_start3A_37] : memref<10240x128xf32, #tpu.memory_space<vmem_shared>> -> memref<128x128xf32, #tpu.memory_space<vmem_shared>>
      %dma_start3A_39 = arith.constant 0 : i32
      %dma_start3A_40 = tpu.memref_slice %arg10[%add3A_18, %dma_start3A_39] : memref<10240x128xf32, #tpu.memory_space<vmem_shared>> -> memref<128x128xf32, #tpu.memory_space<vmem_shared>>
      %dma_start3A_41 = arith.constant 0 : i32
      %dma_start3A_42 = arith.constant 0 : i32
      %dma_start3A_43 = tpu.memref_slice %arg9[%run_scoped3A_19, %dma_start3A_41, %dma_start3A_42] : memref<2x128x128xf32, #tpu.memory_space<vmem>> -> memref<1x128x128xf32, #tpu.memory_space<vmem>>
      %dma_start3A_44 = tpu.memref_squeeze %dma_start3A_43 : memref<1x128x128xf32, #tpu.memory_space<vmem>> -> memref<128x128xf32, #tpu.memory_space<vmem>>
      tpu.enqueue_dma source(%dma_start3A_44 : memref<128x128xf32, #tpu.memory_space<vmem>>) target(%dma_start3A_40 : memref<128x128xf32, #tpu.memory_space<vmem_shared>>) target_semaphore(%run_scoped3A_33 : memref<!tpu.dma_semaphore, #tpu.memory_space<semaphore_mem>>)
      %dma_wait3A = arith.constant 0 : i32
      %dma_wait3A_45 = arith.constant 0 : i32
      %dma_wait3A_46 = tpu.memref_slice %arg9[%run_scoped3A_19, %dma_wait3A, %dma_wait3A_45] : memref<2x128x128xf32, #tpu.memory_space<vmem>> -> memref<1x128x128xf32, #tpu.memory_space<vmem>>
      %dma_wait3A_47 = tpu.memref_squeeze %dma_wait3A_46 : memref<1x128x128xf32, #tpu.memory_space<vmem>> -> memref<128x128xf32, #tpu.memory_space<vmem>>
      %dma_wait3A_48 = arith.constant 0 : i32
      %dma_wait3A_49 = tpu.memref_slice %arg10[%add3A_18, %dma_wait3A_48] : memref<10240x128xf32, #tpu.memory_space<vmem_shared>> -> memref<128x128xf32, #tpu.memory_space<vmem_shared>>
      %dma_wait3A_50 = arith.constant 0 : i32
      %dma_wait3A_51 = tpu.memref_slice %arg10[%add3A_18, %dma_wait3A_50] : memref<10240x128xf32, #tpu.memory_space<vmem_shared>> -> memref<128x128xf32, #tpu.memory_space<vmem_shared>>
      %dma_wait3A_52 = arith.constant 0 : i32
      %dma_wait3A_53 = arith.constant 0 : i32
      %dma_wait3A_54 = tpu.memref_slice %arg9[%run_scoped3A_19, %dma_wait3A_52, %dma_wait3A_53] : memref<2x128x128xf32, #tpu.memory_space<vmem>> -> memref<1x128x128xf32, #tpu.memory_space<vmem>>
      %dma_wait3A_55 = tpu.memref_squeeze %dma_wait3A_54 : memref<1x128x128xf32, #tpu.memory_space<vmem>> -> memref<128x128xf32, #tpu.memory_space<vmem>>
      tpu.wait_dma2 semaphore(%run_scoped3A_33 : memref<!tpu.dma_semaphore, #tpu.memory_space<semaphore_mem>>) src(%dma_wait3A_55 : memref<128x128xf32, #tpu.memory_space<vmem>>) dst(%dma_wait3A_51 : memref<128x128xf32, #tpu.memory_space<vmem_shared>>)
      tpu.yield
    }) : () -> ()
    %mul3A_20 = arith.constant 640 : i32
    %mul3A_21 = arith.muli %arg1, %mul3A_20 : i32
    %add3A_22 = arith.constant 512 : i32
    %add3A_23 = arith.addi %mul3A_21, %add3A_22 : i32
    %run_scoped3A_24 = arith.constant 0 : i32
    "tpu.region"() ({
      %run_scoped3A_33 = tpu.sem_alloc : memref<!tpu.dma_semaphore, #tpu.memory_space<semaphore_mem>>
      %dma_start3A = arith.constant 0 : i32
      %dma_start3A_34 = arith.constant 0 : i32
      %dma_start3A_35 = tpu.memref_slice %arg9[%run_scoped3A_24, %dma_start3A, %dma_start3A_34] : memref<2x128x128xf32, #tpu.memory_space<vmem>> -> memref<1x128x128xf32, #tpu.memory_space<vmem>>
      %dma_start3A_36 = tpu.memref_squeeze %dma_start3A_35 : memref<1x128x128xf32, #tpu.memory_space<vmem>> -> memref<128x128xf32, #tpu.memory_space<vmem>>
      %dma_start3A_37 = arith.constant 0 : i32
      %dma_start3A_38 = tpu.memref_slice %arg10[%add3A_23, %dma_start3A_37] : memref<10240x128xf32, #tpu.memory_space<vmem_shared>> -> memref<128x128xf32, #tpu.memory_space<vmem_shared>>
      %dma_start3A_39 = arith.constant 0 : i32
      %dma_start3A_40 = tpu.memref_slice %arg10[%add3A_23, %dma_start3A_39] : memref<10240x128xf32, #tpu.memory_space<vmem_shared>> -> memref<128x128xf32, #tpu.memory_space<vmem_shared>>
      %dma_start3A_41 = arith.constant 0 : i32
      %dma_start3A_42 = arith.constant 0 : i32
      %dma_start3A_43 = tpu.memref_slice %arg9[%run_scoped3A_24, %dma_start3A_41, %dma_start3A_42] : memref<2x128x128xf32, #tpu.memory_space<vmem>> -> memref<1x128x128xf32, #tpu.memory_space<vmem>>
      %dma_start3A_44 = tpu.memref_squeeze %dma_start3A_43 : memref<1x128x128xf32, #tpu.memory_space<vmem>> -> memref<128x128xf32, #tpu.memory_space<vmem>>
      tpu.enqueue_dma source(%dma_start3A_44 : memref<128x128xf32, #tpu.memory_space<vmem>>) target(%dma_start3A_40 : memref<128x128xf32, #tpu.memory_space<vmem_shared>>) target_semaphore(%run_scoped3A_33 : memref<!tpu.dma_semaphore, #tpu.memory_space<semaphore_mem>>)
      %dma_wait3A = arith.constant 0 : i32
      %dma_wait3A_45 = arith.constant 0 : i32
      %dma_wait3A_46 = tpu.memref_slice %arg9[%run_scoped3A_24, %dma_wait3A, %dma_wait3A_45] : memref<2x128x128xf32, #tpu.memory_space<vmem>> -> memref<1x128x128xf32, #tpu.memory_space<vmem>>
      %dma_wait3A_47 = tpu.memref_squeeze %dma_wait3A_46 : memref<1x128x128xf32, #tpu.memory_space<vmem>> -> memref<128x128xf32, #tpu.memory_space<vmem>>
      %dma_wait3A_48 = arith.constant 0 : i32
      %dma_wait3A_49 = tpu.memref_slice %arg10[%add3A_23, %dma_wait3A_48] : memref<10240x128xf32, #tpu.memory_space<vmem_shared>> -> memref<128x128xf32, #tpu.memory_space<vmem_shared>>
      %dma_wait3A_50 = arith.constant 0 : i32
      %dma_wait3A_51 = tpu.memref_slice %arg10[%add3A_23, %dma_wait3A_50] : memref<10240x128xf32, #tpu.memory_space<vmem_shared>> -> memref<128x128xf32, #tpu.memory_space<vmem_shared>>
      %dma_wait3A_52 = arith.constant 0 : i32
      %dma_wait3A_53 = arith.constant 0 : i32
      %dma_wait3A_54 = tpu.memref_slice %arg9[%run_scoped3A_24, %dma_wait3A_52, %dma_wait3A_53] : memref<2x128x128xf32, #tpu.memory_space<vmem>> -> memref<1x128x128xf32, #tpu.memory_space<vmem>>
      %dma_wait3A_55 = tpu.memref_squeeze %dma_wait3A_54 : memref<1x128x128xf32, #tpu.memory_space<vmem>> -> memref<128x128xf32, #tpu.memory_space<vmem>>
      tpu.wait_dma2 semaphore(%run_scoped3A_33 : memref<!tpu.dma_semaphore, #tpu.memory_space<semaphore_mem>>) src(%dma_wait3A_55 : memref<128x128xf32, #tpu.memory_space<vmem>>) dst(%dma_wait3A_51 : memref<128x128xf32, #tpu.memory_space<vmem_shared>>)
      tpu.yield
    }) : () -> ()
    %barrier3A = arith.constant 0 : index
    tpu.barrier barrier_id(%barrier3A)
    %eq3A = arith.constant 0 : i32
    %eq3A_25 = arith.cmpi eq, %arg0, %eq3A : i32
    %convert_element_type3A = arith.extui %eq3A_25 : i1 to i32
    %cond3A = arith.constant 0 : i32
    %cond3A_26 = arith.cmpi ne, %convert_element_type3A, %cond3A : i32
    scf.if %cond3A_26 {
      %mul3A_33 = arith.constant 144 : i32
      %mul3A_34 = arith.muli %arg1, %mul3A_33 : i32
      %add3A_35 = arith.constant 0 : i32
      %add3A_36 = arith.addi %add3A_35, %mul3A_34 : i32
      %add3A_37 = arith.constant 0 : i32
      %add3A_38 = arith.addi %add3A_36, %add3A_37 : i32
      "tpu.region"() ({
        %run_scoped3A_95 = tpu.sem_alloc : memref<!tpu.dma_semaphore, #tpu.memory_space<semaphore_mem>>
        %dma_start3A_96 = arith.constant 0 : i32
        %dma_start3A_97 = arith.constant 0 : i32
        %dma_start3A_98 = tpu.memref_slice %arg7[%dma_start3A_96, %dma_start3A_97] : memref<48x128xi32, #tpu.memory_space<vmem>> -> memref<48x128xi32, #tpu.memory_space<vmem>>
        %dma_start3A_99 = arith.constant 0 : i32
        %dma_start3A_100 = tpu.memref_slice %arg3[%add3A_38, %dma_start3A_99] : memref<2560x128xi32, #tpu.memory_space<hbm>> -> memref<48x128xi32, #tpu.memory_space<hbm>>
        %dma_start3A_101 = arith.constant 0 : i32
        %dma_start3A_102 = arith.constant 0 : i32
        %dma_start3A_103 = tpu.memref_slice %arg7[%dma_start3A_101, %dma_start3A_102] : memref<48x128xi32, #tpu.memory_space<vmem>> -> memref<48x128xi32, #tpu.memory_space<vmem>>
        %dma_start3A_104 = arith.constant 0 : i32
        %dma_start3A_105 = tpu.memref_slice %arg3[%add3A_38, %dma_start3A_104] : memref<2560x128xi32, #tpu.memory_space<hbm>> -> memref<48x128xi32, #tpu.memory_space<hbm>>
        tpu.enqueue_dma source(%dma_start3A_105 : memref<48x128xi32, #tpu.memory_space<hbm>>) target(%dma_start3A_103 : memref<48x128xi32, #tpu.memory_space<vmem>>) target_semaphore(%run_scoped3A_95 : memref<!tpu.dma_semaphore, #tpu.memory_space<semaphore_mem>>)
        %dma_wait3A = arith.constant 0 : i32
        %dma_wait3A_106 = arith.constant 0 : i32
        %dma_wait3A_107 = tpu.memref_slice %arg7[%dma_wait3A, %dma_wait3A_106] : memref<48x128xi32, #tpu.memory_space<vmem>> -> memref<48x128xi32, #tpu.memory_space<vmem>>
        %dma_wait3A_108 = arith.constant 0 : i32
        %dma_wait3A_109 = tpu.memref_slice %arg3[%add3A_38, %dma_wait3A_108] : memref<2560x128xi32, #tpu.memory_space<hbm>> -> memref<48x128xi32, #tpu.memory_space<hbm>>
        %dma_wait3A_110 = arith.constant 0 : i32
        %dma_wait3A_111 = arith.constant 0 : i32
        %dma_wait3A_112 = tpu.memref_slice %arg7[%dma_wait3A_110, %dma_wait3A_111] : memref<48x128xi32, #tpu.memory_space<vmem>> -> memref<48x128xi32, #tpu.memory_space<vmem>>
        %dma_wait3A_113 = arith.constant 0 : i32
        %dma_wait3A_114 = tpu.memref_slice %arg3[%add3A_38, %dma_wait3A_113] : memref<2560x128xi32, #tpu.memory_space<hbm>> -> memref<48x128xi32, #tpu.memory_space<hbm>>
        tpu.wait_dma2 semaphore(%run_scoped3A_95 : memref<!tpu.dma_semaphore, #tpu.memory_space<semaphore_mem>>) src(%dma_wait3A_114 : memref<48x128xi32, #tpu.memory_space<hbm>>) dst(%dma_wait3A_112 : memref<48x128xi32, #tpu.memory_space<vmem>>)
        tpu.yield
      }) : () -> ()
      "tpu.region"() ({
        %run_scoped3A_95 = tpu.sem_alloc : memref<!tpu.dma_semaphore, #tpu.memory_space<semaphore_mem>>
        %dma_start3A_96 = arith.constant 0 : i32
        %dma_start3A_97 = arith.constant 0 : i32
        %dma_start3A_98 = tpu.memref_slice %arg8[%dma_start3A_96, %dma_start3A_97] : memref<48x128xi32, #tpu.memory_space<vmem>> -> memref<48x128xi32, #tpu.memory_space<vmem>>
        %dma_start3A_99 = arith.constant 0 : i32
        %dma_start3A_100 = tpu.memref_slice %arg4[%add3A_38, %dma_start3A_99] : memref<2560x128xi32, #tpu.memory_space<hbm>> -> memref<48x128xi32, #tpu.memory_space<hbm>>
        %dma_start3A_101 = arith.constant 0 : i32
        %dma_start3A_102 = arith.constant 0 : i32
        %dma_start3A_103 = tpu.memref_slice %arg8[%dma_start3A_101, %dma_start3A_102] : memref<48x128xi32, #tpu.memory_space<vmem>> -> memref<48x128xi32, #tpu.memory_space<vmem>>
        %dma_start3A_104 = arith.constant 0 : i32
        %dma_start3A_105 = tpu.memref_slice %arg4[%add3A_38, %dma_start3A_104] : memref<2560x128xi32, #tpu.memory_space<hbm>> -> memref<48x128xi32, #tpu.memory_space<hbm>>
        tpu.enqueue_dma source(%dma_start3A_105 : memref<48x128xi32, #tpu.memory_space<hbm>>) target(%dma_start3A_103 : memref<48x128xi32, #tpu.memory_space<vmem>>) target_semaphore(%run_scoped3A_95 : memref<!tpu.dma_semaphore, #tpu.memory_space<semaphore_mem>>)
        %dma_wait3A = arith.constant 0 : i32
        %dma_wait3A_106 = arith.constant 0 : i32
        %dma_wait3A_107 = tpu.memref_slice %arg8[%dma_wait3A, %dma_wait3A_106] : memref<48x128xi32, #tpu.memory_space<vmem>> -> memref<48x128xi32, #tpu.memory_space<vmem>>
        %dma_wait3A_108 = arith.constant 0 : i32
        %dma_wait3A_109 = tpu.memref_slice %arg4[%add3A_38, %dma_wait3A_108] : memref<2560x128xi32, #tpu.memory_space<hbm>> -> memref<48x128xi32, #tpu.memory_space<hbm>>
        %dma_wait3A_110 = arith.constant 0 : i32
        %dma_wait3A_111 = arith.constant 0 : i32
        %dma_wait3A_112 = tpu.memref_slice %arg8[%dma_wait3A_110, %dma_wait3A_111] : memref<48x128xi32, #tpu.memory_space<vmem>> -> memref<48x128xi32, #tpu.memory_space<vmem>>
        %dma_wait3A_113 = arith.constant 0 : i32
        %dma_wait3A_114 = tpu.memref_slice %arg4[%add3A_38, %dma_wait3A_113] : memref<2560x128xi32, #tpu.memory_space<hbm>> -> memref<48x128xi32, #tpu.memory_space<hbm>>
        tpu.wait_dma2 semaphore(%run_scoped3A_95 : memref<!tpu.dma_semaphore, #tpu.memory_space<semaphore_mem>>) src(%dma_wait3A_114 : memref<48x128xi32, #tpu.memory_space<hbm>>) dst(%dma_wait3A_112 : memref<48x128xi32, #tpu.memory_space<vmem>>)
        tpu.yield
      }) : () -> ()
      %dma_start3A = arith.constant 0 : i32
      %dma_start3A_39 = arith.constant 0 : i32
      %dma_start3A_40 = arith.constant 0 : i32
      %dma_start3A_41 = arith.constant 0 : i32
      %dma_start3A_42 = tpu.memref_slice %arg9[%dma_start3A_39, %dma_start3A_40, %dma_start3A_41] : memref<2x128x128xf32, #tpu.memory_space<vmem>> -> memref<1x128x128xf32, #tpu.memory_space<vmem>>
      %dma_start3A_43 = tpu.memref_squeeze %dma_start3A_42 : memref<1x128x128xf32, #tpu.memory_space<vmem>> -> memref<128x128xf32, #tpu.memory_space<vmem>>
      %dma_start3A_44 = arith.constant 0 : i32
      %dma_start3A_45 = tpu.memref_slice %arg7[%dma_start3A, %dma_start3A_44] : memref<48x128xi32, #tpu.memory_space<vmem>> -> memref<1x128xi32, #tpu.memory_space<vmem>>
      %dma_start3A_46 = tpu.memref_squeeze %dma_start3A_45 : memref<1x128xi32, #tpu.memory_space<vmem>> -> memref<128xi32, #tpu.memory_space<vmem>>
      %dma_start3A_47 = arith.constant 0 : i32
      %dma_start3A_48 = arith.constant 0 : i32
      %dma_start3A_49 = tpu.memref_slice %arg2[%dma_start3A_47, %dma_start3A_48] : memref<10000x128xf32, #tpu.memory_space<hbm>> -> memref<10000x128xf32, #tpu.memory_space<hbm>>
      tpu.enqueue_indirect_dma source(%dma_start3A_49 : memref<10000x128xf32, #tpu.memory_space<hbm>>) target(%dma_start3A_43 : memref<128x128xf32, #tpu.memory_space<vmem>>) offsets(%dma_start3A_46 : memref<128xi32, #tpu.memory_space<vmem>>) semaphore(%arg11 : memref<!tpu.dma_semaphore, #tpu.memory_space<semaphore_mem>>)
      %scan3A = arith.constant 0 : i32
      %scan3A_50 = arith.constant 0 : i32
      %scan3A_51 = arith.constant 48 : i32
      %scan3A_52 = arith.addi %scan3A_50, %scan3A_51 : i32
      %scan3A_53 = arith.constant 1 : i32
      scf.for %scan3A_95 = %scan3A_50 to %scan3A_52 step %scan3A_53  : i32 {
        %rem3A = arith.constant 2 : i32
        %rem3A_96 = arith.remsi %scan3A_95, %rem3A : i32
        %dma_wait3A = arith.constant 0 : i32
        %dma_wait3A_97 = arith.constant 0 : i32
        %dma_wait3A_98 = tpu.memref_slice %arg9[%rem3A_96, %dma_wait3A, %dma_wait3A_97] : memref<2x128x128xf32, #tpu.memory_space<vmem>> -> memref<1x128x128xf32, #tpu.memory_space<vmem>>
        %dma_wait3A_99 = tpu.memref_squeeze %dma_wait3A_98 : memref<1x128x128xf32, #tpu.memory_space<vmem>> -> memref<128x128xf32, #tpu.memory_space<vmem>>
        %dma_wait3A_100 = arith.constant 0 : i32
        %dma_wait3A_101 = tpu.memref_slice %arg7[%scan3A_95, %dma_wait3A_100] : memref<48x128xi32, #tpu.memory_space<vmem>> -> memref<1x128xi32, #tpu.memory_space<vmem>>
        %dma_wait3A_102 = tpu.memref_squeeze %dma_wait3A_101 : memref<1x128xi32, #tpu.memory_space<vmem>> -> memref<128xi32, #tpu.memory_space<vmem>>
        %dma_wait3A_103 = arith.constant 0 : i32
        %dma_wait3A_104 = arith.constant 0 : i32
        %dma_wait3A_105 = tpu.memref_slice %arg2[%dma_wait3A_103, %dma_wait3A_104] : memref<10000x128xf32, #tpu.memory_space<hbm>> -> memref<10000x128xf32, #tpu.memory_space<hbm>>
        tpu.wait_indirect_dma semaphore(%arg11 : memref<!tpu.dma_semaphore, #tpu.memory_space<semaphore_mem>>) src(%dma_wait3A_105 : memref<10000x128xf32, #tpu.memory_space<hbm>>) dst(%dma_wait3A_99 : memref<128x128xf32, #tpu.memory_space<vmem>>)
        %lt3A = arith.constant 47 : i32
        %lt3A_106 = arith.cmpi slt, %scan3A_95, %lt3A : i32
        %convert_element_type3A_107 = arith.extui %lt3A_106 : i1 to i32
        %cond3A_108 = arith.constant 0 : i32
        %cond3A_109 = arith.cmpi ne, %convert_element_type3A_107, %cond3A_108 : i32
        scf.if %cond3A_109 {
          %add3A_110 = arith.constant 1 : i32
          %add3A_111 = arith.addi %scan3A_95, %add3A_110 : i32
          %sub3A = arith.constant 1 : i32
          %sub3A_112 = arith.subi %sub3A, %rem3A_96 : i32
          %dma_start3A_113 = arith.constant 0 : i32
          %dma_start3A_114 = arith.constant 0 : i32
          %dma_start3A_115 = tpu.memref_slice %arg9[%sub3A_112, %dma_start3A_113, %dma_start3A_114] : memref<2x128x128xf32, #tpu.memory_space<vmem>> -> memref<1x128x128xf32, #tpu.memory_space<vmem>>
          %dma_start3A_116 = tpu.memref_squeeze %dma_start3A_115 : memref<1x128x128xf32, #tpu.memory_space<vmem>> -> memref<128x128xf32, #tpu.memory_space<vmem>>
          %dma_start3A_117 = arith.constant 0 : i32
          %dma_start3A_118 = tpu.memref_slice %arg7[%add3A_111, %dma_start3A_117] : memref<48x128xi32, #tpu.memory_space<vmem>> -> memref<1x128xi32, #tpu.memory_space<vmem>>
          %dma_start3A_119 = tpu.memref_squeeze %dma_start3A_118 : memref<1x128xi32, #tpu.memory_space<vmem>> -> memref<128xi32, #tpu.memory_space<vmem>>
          %dma_start3A_120 = arith.constant 0 : i32
          %dma_start3A_121 = arith.constant 0 : i32
          %dma_start3A_122 = tpu.memref_slice %arg2[%dma_start3A_120, %dma_start3A_121] : memref<10000x128xf32, #tpu.memory_space<hbm>> -> memref<10000x128xf32, #tpu.memory_space<hbm>>
          tpu.enqueue_indirect_dma source(%dma_start3A_122 : memref<10000x128xf32, #tpu.memory_space<hbm>>) target(%dma_start3A_116 : memref<128x128xf32, #tpu.memory_space<vmem>>) offsets(%dma_start3A_119 : memref<128xi32, #tpu.memory_space<vmem>>) semaphore(%arg11 : memref<!tpu.dma_semaphore, #tpu.memory_space<semaphore_mem>>)
        } else {
        }
        "tpu.region"() ({
          %run_scoped3A_110 = tpu.sem_alloc : memref<!tpu.dma_semaphore, #tpu.memory_space<semaphore_mem>>
          %dma_start3A_111 = arith.constant 0 : i32
          %dma_start3A_112 = arith.constant 0 : i32
          %dma_start3A_113 = tpu.memref_slice %arg9[%rem3A_96, %dma_start3A_111, %dma_start3A_112] : memref<2x128x128xf32, #tpu.memory_space<vmem>> -> memref<1x128x128xf32, #tpu.memory_space<vmem>>
          %dma_start3A_114 = tpu.memref_squeeze %dma_start3A_113 : memref<1x128x128xf32, #tpu.memory_space<vmem>> -> memref<128x128xf32, #tpu.memory_space<vmem>>
          %dma_start3A_115 = arith.constant 0 : i32
          %dma_start3A_116 = tpu.memref_slice %arg8[%scan3A_95, %dma_start3A_115] : memref<48x128xi32, #tpu.memory_space<vmem>> -> memref<1x128xi32, #tpu.memory_space<vmem>>
          %dma_start3A_117 = tpu.memref_squeeze %dma_start3A_116 : memref<1x128xi32, #tpu.memory_space<vmem>> -> memref<128xi32, #tpu.memory_space<vmem>>
          %dma_start3A_118 = arith.constant 0 : i32
          %dma_start3A_119 = arith.constant 0 : i32
          %dma_start3A_120 = tpu.memref_slice %arg10[%dma_start3A_118, %dma_start3A_119] : memref<10240x128xf32, #tpu.memory_space<vmem_shared>> -> memref<10240x128xf32, #tpu.memory_space<vmem_shared>>
          tpu.enqueue_indirect_dma source(%dma_start3A_114 : memref<128x128xf32, #tpu.memory_space<vmem>>) target(%dma_start3A_120 : memref<10240x128xf32, #tpu.memory_space<vmem_shared>>) offsets(%dma_start3A_117 : memref<128xi32, #tpu.memory_space<vmem>>) semaphore(%run_scoped3A_110 : memref<!tpu.dma_semaphore, #tpu.memory_space<semaphore_mem>>) {add = true}
          %dma_wait3A_121 = arith.constant 0 : i32
          %dma_wait3A_122 = arith.constant 0 : i32
          %dma_wait3A_123 = tpu.memref_slice %arg9[%rem3A_96, %dma_wait3A_121, %dma_wait3A_122] : memref<2x128x128xf32, #tpu.memory_space<vmem>> -> memref<1x128x128xf32, #tpu.memory_space<vmem>>
          %dma_wait3A_124 = tpu.memref_squeeze %dma_wait3A_123 : memref<1x128x128xf32, #tpu.memory_space<vmem>> -> memref<128x128xf32, #tpu.memory_space<vmem>>
          %dma_wait3A_125 = arith.constant 0 : i32
          %dma_wait3A_126 = tpu.memref_slice %arg8[%scan3A_95, %dma_wait3A_125] : memref<48x128xi32, #tpu.memory_space<vmem>> -> memref<1x128xi32, #tpu.memory_space<vmem>>
          %dma_wait3A_127 = tpu.memref_squeeze %dma_wait3A_126 : memref<1x128xi32, #tpu.memory_space<vmem>> -> memref<128xi32, #tpu.memory_space<vmem>>
          %dma_wait3A_128 = arith.constant 0 : i32
          %dma_wait3A_129 = arith.constant 0 : i32
          %dma_wait3A_130 = tpu.memref_slice %arg10[%dma_wait3A_128, %dma_wait3A_129] : memref<10240x128xf32, #tpu.memory_space<vmem_shared>> -> memref<10240x128xf32, #tpu.memory_space<vmem_shared>>
          tpu.wait_indirect_dma semaphore(%run_scoped3A_110 : memref<!tpu.dma_semaphore, #tpu.memory_space<semaphore_mem>>) src(%dma_wait3A_124 : memref<128x128xf32, #tpu.memory_space<vmem>>) dst(%dma_wait3A_130 : memref<10240x128xf32, #tpu.memory_space<vmem_shared>>)
          tpu.yield
        }) : () -> ()
      }
      %scan3A_54 = arith.constant 48 : i32
      %add3A_55 = arith.constant 48 : i32
      %add3A_56 = arith.addi %add3A_36, %add3A_55 : i32
      "tpu.region"() ({
        %run_scoped3A_95 = tpu.sem_alloc : memref<!tpu.dma_semaphore, #tpu.memory_space<semaphore_mem>>
        %dma_start3A_96 = arith.constant 0 : i32
        %dma_start3A_97 = arith.constant 0 : i32
        %dma_start3A_98 = tpu.memref_slice %arg7[%dma_start3A_96, %dma_start3A_97] : memref<48x128xi32, #tpu.memory_space<vmem>> -> memref<48x128xi32, #tpu.memory_space<vmem>>
        %dma_start3A_99 = arith.constant 0 : i32
        %dma_start3A_100 = tpu.memref_slice %arg3[%add3A_56, %dma_start3A_99] : memref<2560x128xi32, #tpu.memory_space<hbm>> -> memref<48x128xi32, #tpu.memory_space<hbm>>
        %dma_start3A_101 = arith.constant 0 : i32
        %dma_start3A_102 = arith.constant 0 : i32
        %dma_start3A_103 = tpu.memref_slice %arg7[%dma_start3A_101, %dma_start3A_102] : memref<48x128xi32, #tpu.memory_space<vmem>> -> memref<48x128xi32, #tpu.memory_space<vmem>>
        %dma_start3A_104 = arith.constant 0 : i32
        %dma_start3A_105 = tpu.memref_slice %arg3[%add3A_56, %dma_start3A_104] : memref<2560x128xi32, #tpu.memory_space<hbm>> -> memref<48x128xi32, #tpu.memory_space<hbm>>
        tpu.enqueue_dma source(%dma_start3A_105 : memref<48x128xi32, #tpu.memory_space<hbm>>) target(%dma_start3A_103 : memref<48x128xi32, #tpu.memory_space<vmem>>) target_semaphore(%run_scoped3A_95 : memref<!tpu.dma_semaphore, #tpu.memory_space<semaphore_mem>>)
        %dma_wait3A = arith.constant 0 : i32
        %dma_wait3A_106 = arith.constant 0 : i32
        %dma_wait3A_107 = tpu.memref_slice %arg7[%dma_wait3A, %dma_wait3A_106] : memref<48x128xi32, #tpu.memory_space<vmem>> -> memref<48x128xi32, #tpu.memory_space<vmem>>
        %dma_wait3A_108 = arith.constant 0 : i32
        %dma_wait3A_109 = tpu.memref_slice %arg3[%add3A_56, %dma_wait3A_108] : memref<2560x128xi32, #tpu.memory_space<hbm>> -> memref<48x128xi32, #tpu.memory_space<hbm>>
        %dma_wait3A_110 = arith.constant 0 : i32
        %dma_wait3A_111 = arith.constant 0 : i32
        %dma_wait3A_112 = tpu.memref_slice %arg7[%dma_wait3A_110, %dma_wait3A_111] : memref<48x128xi32, #tpu.memory_space<vmem>> -> memref<48x128xi32, #tpu.memory_space<vmem>>
        %dma_wait3A_113 = arith.constant 0 : i32
        %dma_wait3A_114 = tpu.memref_slice %arg3[%add3A_56, %dma_wait3A_113] : memref<2560x128xi32, #tpu.memory_space<hbm>> -> memref<48x128xi32, #tpu.memory_space<hbm>>
        tpu.wait_dma2 semaphore(%run_scoped3A_95 : memref<!tpu.dma_semaphore, #tpu.memory_space<semaphore_mem>>) src(%dma_wait3A_114 : memref<48x128xi32, #tpu.memory_space<hbm>>) dst(%dma_wait3A_112 : memref<48x128xi32, #tpu.memory_space<vmem>>)
        tpu.yield
      }) : () -> ()
      "tpu.region"() ({
        %run_scoped3A_95 = tpu.sem_alloc : memref<!tpu.dma_semaphore, #tpu.memory_space<semaphore_mem>>
        %dma_start3A_96 = arith.constant 0 : i32
        %dma_start3A_97 = arith.constant 0 : i32
        %dma_start3A_98 = tpu.memref_slice %arg8[%dma_start3A_96, %dma_start3A_97] : memref<48x128xi32, #tpu.memory_space<vmem>> -> memref<48x128xi32, #tpu.memory_space<vmem>>
        %dma_start3A_99 = arith.constant 0 : i32
        %dma_start3A_100 = tpu.memref_slice %arg4[%add3A_56, %dma_start3A_99] : memref<2560x128xi32, #tpu.memory_space<hbm>> -> memref<48x128xi32, #tpu.memory_space<hbm>>
        %dma_start3A_101 = arith.constant 0 : i32
        %dma_start3A_102 = arith.constant 0 : i32
        %dma_start3A_103 = tpu.memref_slice %arg8[%dma_start3A_101, %dma_start3A_102] : memref<48x128xi32, #tpu.memory_space<vmem>> -> memref<48x128xi32, #tpu.memory_space<vmem>>
        %dma_start3A_104 = arith.constant 0 : i32
        %dma_start3A_105 = tpu.memref_slice %arg4[%add3A_56, %dma_start3A_104] : memref<2560x128xi32, #tpu.memory_space<hbm>> -> memref<48x128xi32, #tpu.memory_space<hbm>>
        tpu.enqueue_dma source(%dma_start3A_105 : memref<48x128xi32, #tpu.memory_space<hbm>>) target(%dma_start3A_103 : memref<48x128xi32, #tpu.memory_space<vmem>>) target_semaphore(%run_scoped3A_95 : memref<!tpu.dma_semaphore, #tpu.memory_space<semaphore_mem>>)
        %dma_wait3A = arith.constant 0 : i32
        %dma_wait3A_106 = arith.constant 0 : i32
        %dma_wait3A_107 = tpu.memref_slice %arg8[%dma_wait3A, %dma_wait3A_106] : memref<48x128xi32, #tpu.memory_space<vmem>> -> memref<48x128xi32, #tpu.memory_space<vmem>>
        %dma_wait3A_108 = arith.constant 0 : i32
        %dma_wait3A_109 = tpu.memref_slice %arg4[%add3A_56, %dma_wait3A_108] : memref<2560x128xi32, #tpu.memory_space<hbm>> -> memref<48x128xi32, #tpu.memory_space<hbm>>
        %dma_wait3A_110 = arith.constant 0 : i32
        %dma_wait3A_111 = arith.constant 0 : i32
        %dma_wait3A_112 = tpu.memref_slice %arg8[%dma_wait3A_110, %dma_wait3A_111] : memref<48x128xi32, #tpu.memory_space<vmem>> -> memref<48x128xi32, #tpu.memory_space<vmem>>
        %dma_wait3A_113 = arith.constant 0 : i32
        %dma_wait3A_114 = tpu.memref_slice %arg4[%add3A_56, %dma_wait3A_113] : memref<2560x128xi32, #tpu.memory_space<hbm>> -> memref<48x128xi32, #tpu.memory_space<hbm>>
        tpu.wait_dma2 semaphore(%run_scoped3A_95 : memref<!tpu.dma_semaphore, #tpu.memory_space<semaphore_mem>>) src(%dma_wait3A_114 : memref<48x128xi32, #tpu.memory_space<hbm>>) dst(%dma_wait3A_112 : memref<48x128xi32, #tpu.memory_space<vmem>>)
        tpu.yield
      }) : () -> ()
      %dma_start3A_57 = arith.constant 0 : i32
      %dma_start3A_58 = arith.constant 0 : i32
      %dma_start3A_59 = arith.constant 0 : i32
      %dma_start3A_60 = arith.constant 0 : i32
      %dma_start3A_61 = tpu.memref_slice %arg9[%dma_start3A_58, %dma_start3A_59, %dma_start3A_60] : memref<2x128x128xf32, #tpu.memory_space<vmem>> -> memref<1x128x128xf32, #tpu.memory_space<vmem>>
      %dma_start3A_62 = tpu.memref_squeeze %dma_start3A_61 : memref<1x128x128xf32, #tpu.memory_space<vmem>> -> memref<128x128xf32, #tpu.memory_space<vmem>>
      %dma_start3A_63 = arith.constant 0 : i32
      %dma_start3A_64 = tpu.memref_slice %arg7[%dma_start3A_57, %dma_start3A_63] : memref<48x128xi32, #tpu.memory_space<vmem>> -> memref<1x128xi32, #tpu.memory_space<vmem>>
      %dma_start3A_65 = tpu.memref_squeeze %dma_start3A_64 : memref<1x128xi32, #tpu.memory_space<vmem>> -> memref<128xi32, #tpu.memory_space<vmem>>
      %dma_start3A_66 = arith.constant 0 : i32
      %dma_start3A_67 = arith.constant 0 : i32
      %dma_start3A_68 = tpu.memref_slice %arg2[%dma_start3A_66, %dma_start3A_67] : memref<10000x128xf32, #tpu.memory_space<hbm>> -> memref<10000x128xf32, #tpu.memory_space<hbm>>
      tpu.enqueue_indirect_dma source(%dma_start3A_68 : memref<10000x128xf32, #tpu.memory_space<hbm>>) target(%dma_start3A_62 : memref<128x128xf32, #tpu.memory_space<vmem>>) offsets(%dma_start3A_65 : memref<128xi32, #tpu.memory_space<vmem>>) semaphore(%arg11 : memref<!tpu.dma_semaphore, #tpu.memory_space<semaphore_mem>>)
      %scan3A_69 = arith.constant 0 : i32
      %scan3A_70 = arith.constant 0 : i32
      %scan3A_71 = arith.constant 48 : i32
      %scan3A_72 = arith.addi %scan3A_70, %scan3A_71 : i32
      %scan3A_73 = arith.constant 1 : i32
      scf.for %scan3A_95 = %scan3A_70 to %scan3A_72 step %scan3A_73  : i32 {
        %rem3A = arith.constant 2 : i32
        %rem3A_96 = arith.remsi %scan3A_95, %rem3A : i32
        %dma_wait3A = arith.constant 0 : i32
        %dma_wait3A_97 = arith.constant 0 : i32
        %dma_wait3A_98 = tpu.memref_slice %arg9[%rem3A_96, %dma_wait3A, %dma_wait3A_97] : memref<2x128x128xf32, #tpu.memory_space<vmem>> -> memref<1x128x128xf32, #tpu.memory_space<vmem>>
        %dma_wait3A_99 = tpu.memref_squeeze %dma_wait3A_98 : memref<1x128x128xf32, #tpu.memory_space<vmem>> -> memref<128x128xf32, #tpu.memory_space<vmem>>
        %dma_wait3A_100 = arith.constant 0 : i32
        %dma_wait3A_101 = tpu.memref_slice %arg7[%scan3A_95, %dma_wait3A_100] : memref<48x128xi32, #tpu.memory_space<vmem>> -> memref<1x128xi32, #tpu.memory_space<vmem>>
        %dma_wait3A_102 = tpu.memref_squeeze %dma_wait3A_101 : memref<1x128xi32, #tpu.memory_space<vmem>> -> memref<128xi32, #tpu.memory_space<vmem>>
        %dma_wait3A_103 = arith.constant 0 : i32
        %dma_wait3A_104 = arith.constant 0 : i32
        %dma_wait3A_105 = tpu.memref_slice %arg2[%dma_wait3A_103, %dma_wait3A_104] : memref<10000x128xf32, #tpu.memory_space<hbm>> -> memref<10000x128xf32, #tpu.memory_space<hbm>>
        tpu.wait_indirect_dma semaphore(%arg11 : memref<!tpu.dma_semaphore, #tpu.memory_space<semaphore_mem>>) src(%dma_wait3A_105 : memref<10000x128xf32, #tpu.memory_space<hbm>>) dst(%dma_wait3A_99 : memref<128x128xf32, #tpu.memory_space<vmem>>)
        %lt3A = arith.constant 47 : i32
        %lt3A_106 = arith.cmpi slt, %scan3A_95, %lt3A : i32
        %convert_element_type3A_107 = arith.extui %lt3A_106 : i1 to i32
        %cond3A_108 = arith.constant 0 : i32
        %cond3A_109 = arith.cmpi ne, %convert_element_type3A_107, %cond3A_108 : i32
        scf.if %cond3A_109 {
          %add3A_110 = arith.constant 1 : i32
          %add3A_111 = arith.addi %scan3A_95, %add3A_110 : i32
          %sub3A = arith.constant 1 : i32
          %sub3A_112 = arith.subi %sub3A, %rem3A_96 : i32
          %dma_start3A_113 = arith.constant 0 : i32
          %dma_start3A_114 = arith.constant 0 : i32
          %dma_start3A_115 = tpu.memref_slice %arg9[%sub3A_112, %dma_start3A_113, %dma_start3A_114] : memref<2x128x128xf32, #tpu.memory_space<vmem>> -> memref<1x128x128xf32, #tpu.memory_space<vmem>>
          %dma_start3A_116 = tpu.memref_squeeze %dma_start3A_115 : memref<1x128x128xf32, #tpu.memory_space<vmem>> -> memref<128x128xf32, #tpu.memory_space<vmem>>
          %dma_start3A_117 = arith.constant 0 : i32
          %dma_start3A_118 = tpu.memref_slice %arg7[%add3A_111, %dma_start3A_117] : memref<48x128xi32, #tpu.memory_space<vmem>> -> memref<1x128xi32, #tpu.memory_space<vmem>>
          %dma_start3A_119 = tpu.memref_squeeze %dma_start3A_118 : memref<1x128xi32, #tpu.memory_space<vmem>> -> memref<128xi32, #tpu.memory_space<vmem>>
          %dma_start3A_120 = arith.constant 0 : i32
          %dma_start3A_121 = arith.constant 0 : i32
          %dma_start3A_122 = tpu.memref_slice %arg2[%dma_start3A_120, %dma_start3A_121] : memref<10000x128xf32, #tpu.memory_space<hbm>> -> memref<10000x128xf32, #tpu.memory_space<hbm>>
          tpu.enqueue_indirect_dma source(%dma_start3A_122 : memref<10000x128xf32, #tpu.memory_space<hbm>>) target(%dma_start3A_116 : memref<128x128xf32, #tpu.memory_space<vmem>>) offsets(%dma_start3A_119 : memref<128xi32, #tpu.memory_space<vmem>>) semaphore(%arg11 : memref<!tpu.dma_semaphore, #tpu.memory_space<semaphore_mem>>)
        } else {
        }
        "tpu.region"() ({
          %run_scoped3A_110 = tpu.sem_alloc : memref<!tpu.dma_semaphore, #tpu.memory_space<semaphore_mem>>
          %dma_start3A_111 = arith.constant 0 : i32
          %dma_start3A_112 = arith.constant 0 : i32
          %dma_start3A_113 = tpu.memref_slice %arg9[%rem3A_96, %dma_start3A_111, %dma_start3A_112] : memref<2x128x128xf32, #tpu.memory_space<vmem>> -> memref<1x128x128xf32, #tpu.memory_space<vmem>>
          %dma_start3A_114 = tpu.memref_squeeze %dma_start3A_113 : memref<1x128x128xf32, #tpu.memory_space<vmem>> -> memref<128x128xf32, #tpu.memory_space<vmem>>
          %dma_start3A_115 = arith.constant 0 : i32
          %dma_start3A_116 = tpu.memref_slice %arg8[%scan3A_95, %dma_start3A_115] : memref<48x128xi32, #tpu.memory_space<vmem>> -> memref<1x128xi32, #tpu.memory_space<vmem>>
          %dma_start3A_117 = tpu.memref_squeeze %dma_start3A_116 : memref<1x128xi32, #tpu.memory_space<vmem>> -> memref<128xi32, #tpu.memory_space<vmem>>
          %dma_start3A_118 = arith.constant 0 : i32
          %dma_start3A_119 = arith.constant 0 : i32
          %dma_start3A_120 = tpu.memref_slice %arg10[%dma_start3A_118, %dma_start3A_119] : memref<10240x128xf32, #tpu.memory_space<vmem_shared>> -> memref<10240x128xf32, #tpu.memory_space<vmem_shared>>
          tpu.enqueue_indirect_dma source(%dma_start3A_114 : memref<128x128xf32, #tpu.memory_space<vmem>>) target(%dma_start3A_120 : memref<10240x128xf32, #tpu.memory_space<vmem_shared>>) offsets(%dma_start3A_117 : memref<128xi32, #tpu.memory_space<vmem>>) semaphore(%run_scoped3A_110 : memref<!tpu.dma_semaphore, #tpu.memory_space<semaphore_mem>>) {add = true}
          %dma_wait3A_121 = arith.constant 0 : i32
          %dma_wait3A_122 = arith.constant 0 : i32
          %dma_wait3A_123 = tpu.memref_slice %arg9[%rem3A_96, %dma_wait3A_121, %dma_wait3A_122] : memref<2x128x128xf32, #tpu.memory_space<vmem>> -> memref<1x128x128xf32, #tpu.memory_space<vmem>>
          %dma_wait3A_124 = tpu.memref_squeeze %dma_wait3A_123 : memref<1x128x128xf32, #tpu.memory_space<vmem>> -> memref<128x128xf32, #tpu.memory_space<vmem>>
          %dma_wait3A_125 = arith.constant 0 : i32
          %dma_wait3A_126 = tpu.memref_slice %arg8[%scan3A_95, %dma_wait3A_125] : memref<48x128xi32, #tpu.memory_space<vmem>> -> memref<1x128xi32, #tpu.memory_space<vmem>>
          %dma_wait3A_127 = tpu.memref_squeeze %dma_wait3A_126 : memref<1x128xi32, #tpu.memory_space<vmem>> -> memref<128xi32, #tpu.memory_space<vmem>>
          %dma_wait3A_128 = arith.constant 0 : i32
          %dma_wait3A_129 = arith.constant 0 : i32
          %dma_wait3A_130 = tpu.memref_slice %arg10[%dma_wait3A_128, %dma_wait3A_129] : memref<10240x128xf32, #tpu.memory_space<vmem_shared>> -> memref<10240x128xf32, #tpu.memory_space<vmem_shared>>
          tpu.wait_indirect_dma semaphore(%run_scoped3A_110 : memref<!tpu.dma_semaphore, #tpu.memory_space<semaphore_mem>>) src(%dma_wait3A_124 : memref<128x128xf32, #tpu.memory_space<vmem>>) dst(%dma_wait3A_130 : memref<10240x128xf32, #tpu.memory_space<vmem_shared>>)
          tpu.yield
        }) : () -> ()
      }
      %scan3A_74 = arith.constant 48 : i32
      %add3A_75 = arith.constant 96 : i32
      %add3A_76 = arith.addi %add3A_36, %add3A_75 : i32
      "tpu.region"() ({
        %run_scoped3A_95 = tpu.sem_alloc : memref<!tpu.dma_semaphore, #tpu.memory_space<semaphore_mem>>
        %dma_start3A_96 = arith.constant 0 : i32
        %dma_start3A_97 = arith.constant 0 : i32
        %dma_start3A_98 = tpu.memref_slice %arg7[%dma_start3A_96, %dma_start3A_97] : memref<48x128xi32, #tpu.memory_space<vmem>> -> memref<48x128xi32, #tpu.memory_space<vmem>>
        %dma_start3A_99 = arith.constant 0 : i32
        %dma_start3A_100 = tpu.memref_slice %arg3[%add3A_76, %dma_start3A_99] : memref<2560x128xi32, #tpu.memory_space<hbm>> -> memref<48x128xi32, #tpu.memory_space<hbm>>
        %dma_start3A_101 = arith.constant 0 : i32
        %dma_start3A_102 = arith.constant 0 : i32
        %dma_start3A_103 = tpu.memref_slice %arg7[%dma_start3A_101, %dma_start3A_102] : memref<48x128xi32, #tpu.memory_space<vmem>> -> memref<48x128xi32, #tpu.memory_space<vmem>>
        %dma_start3A_104 = arith.constant 0 : i32
        %dma_start3A_105 = tpu.memref_slice %arg3[%add3A_76, %dma_start3A_104] : memref<2560x128xi32, #tpu.memory_space<hbm>> -> memref<48x128xi32, #tpu.memory_space<hbm>>
        tpu.enqueue_dma source(%dma_start3A_105 : memref<48x128xi32, #tpu.memory_space<hbm>>) target(%dma_start3A_103 : memref<48x128xi32, #tpu.memory_space<vmem>>) target_semaphore(%run_scoped3A_95 : memref<!tpu.dma_semaphore, #tpu.memory_space<semaphore_mem>>)
        %dma_wait3A = arith.constant 0 : i32
        %dma_wait3A_106 = arith.constant 0 : i32
        %dma_wait3A_107 = tpu.memref_slice %arg7[%dma_wait3A, %dma_wait3A_106] : memref<48x128xi32, #tpu.memory_space<vmem>> -> memref<48x128xi32, #tpu.memory_space<vmem>>
        %dma_wait3A_108 = arith.constant 0 : i32
        %dma_wait3A_109 = tpu.memref_slice %arg3[%add3A_76, %dma_wait3A_108] : memref<2560x128xi32, #tpu.memory_space<hbm>> -> memref<48x128xi32, #tpu.memory_space<hbm>>
        %dma_wait3A_110 = arith.constant 0 : i32
        %dma_wait3A_111 = arith.constant 0 : i32
        %dma_wait3A_112 = tpu.memref_slice %arg7[%dma_wait3A_110, %dma_wait3A_111] : memref<48x128xi32, #tpu.memory_space<vmem>> -> memref<48x128xi32, #tpu.memory_space<vmem>>
        %dma_wait3A_113 = arith.constant 0 : i32
        %dma_wait3A_114 = tpu.memref_slice %arg3[%add3A_76, %dma_wait3A_113] : memref<2560x128xi32, #tpu.memory_space<hbm>> -> memref<48x128xi32, #tpu.memory_space<hbm>>
        tpu.wait_dma2 semaphore(%run_scoped3A_95 : memref<!tpu.dma_semaphore, #tpu.memory_space<semaphore_mem>>) src(%dma_wait3A_114 : memref<48x128xi32, #tpu.memory_space<hbm>>) dst(%dma_wait3A_112 : memref<48x128xi32, #tpu.memory_space<vmem>>)
        tpu.yield
      }) : () -> ()
      "tpu.region"() ({
        %run_scoped3A_95 = tpu.sem_alloc : memref<!tpu.dma_semaphore, #tpu.memory_space<semaphore_mem>>
        %dma_start3A_96 = arith.constant 0 : i32
        %dma_start3A_97 = arith.constant 0 : i32
        %dma_start3A_98 = tpu.memref_slice %arg8[%dma_start3A_96, %dma_start3A_97] : memref<48x128xi32, #tpu.memory_space<vmem>> -> memref<48x128xi32, #tpu.memory_space<vmem>>
        %dma_start3A_99 = arith.constant 0 : i32
        %dma_start3A_100 = tpu.memref_slice %arg4[%add3A_76, %dma_start3A_99] : memref<2560x128xi32, #tpu.memory_space<hbm>> -> memref<48x128xi32, #tpu.memory_space<hbm>>
        %dma_start3A_101 = arith.constant 0 : i32
        %dma_start3A_102 = arith.constant 0 : i32
        %dma_start3A_103 = tpu.memref_slice %arg8[%dma_start3A_101, %dma_start3A_102] : memref<48x128xi32, #tpu.memory_space<vmem>> -> memref<48x128xi32, #tpu.memory_space<vmem>>
        %dma_start3A_104 = arith.constant 0 : i32
        %dma_start3A_105 = tpu.memref_slice %arg4[%add3A_76, %dma_start3A_104] : memref<2560x128xi32, #tpu.memory_space<hbm>> -> memref<48x128xi32, #tpu.memory_space<hbm>>
        tpu.enqueue_dma source(%dma_start3A_105 : memref<48x128xi32, #tpu.memory_space<hbm>>) target(%dma_start3A_103 : memref<48x128xi32, #tpu.memory_space<vmem>>) target_semaphore(%run_scoped3A_95 : memref<!tpu.dma_semaphore, #tpu.memory_space<semaphore_mem>>)
        %dma_wait3A = arith.constant 0 : i32
        %dma_wait3A_106 = arith.constant 0 : i32
        %dma_wait3A_107 = tpu.memref_slice %arg8[%dma_wait3A, %dma_wait3A_106] : memref<48x128xi32, #tpu.memory_space<vmem>> -> memref<48x128xi32, #tpu.memory_space<vmem>>
        %dma_wait3A_108 = arith.constant 0 : i32
        %dma_wait3A_109 = tpu.memref_slice %arg4[%add3A_76, %dma_wait3A_108] : memref<2560x128xi32, #tpu.memory_space<hbm>> -> memref<48x128xi32, #tpu.memory_space<hbm>>
        %dma_wait3A_110 = arith.constant 0 : i32
        %dma_wait3A_111 = arith.constant 0 : i32
        %dma_wait3A_112 = tpu.memref_slice %arg8[%dma_wait3A_110, %dma_wait3A_111] : memref<48x128xi32, #tpu.memory_space<vmem>> -> memref<48x128xi32, #tpu.memory_space<vmem>>
        %dma_wait3A_113 = arith.constant 0 : i32
        %dma_wait3A_114 = tpu.memref_slice %arg4[%add3A_76, %dma_wait3A_113] : memref<2560x128xi32, #tpu.memory_space<hbm>> -> memref<48x128xi32, #tpu.memory_space<hbm>>
        tpu.wait_dma2 semaphore(%run_scoped3A_95 : memref<!tpu.dma_semaphore, #tpu.memory_space<semaphore_mem>>) src(%dma_wait3A_114 : memref<48x128xi32, #tpu.memory_space<hbm>>) dst(%dma_wait3A_112 : memref<48x128xi32, #tpu.memory_space<vmem>>)
        tpu.yield
      }) : () -> ()
      %dma_start3A_77 = arith.constant 0 : i32
      %dma_start3A_78 = arith.constant 0 : i32
      %dma_start3A_79 = arith.constant 0 : i32
      %dma_start3A_80 = arith.constant 0 : i32
      %dma_start3A_81 = tpu.memref_slice %arg9[%dma_start3A_78, %dma_start3A_79, %dma_start3A_80] : memref<2x128x128xf32, #tpu.memory_space<vmem>> -> memref<1x128x128xf32, #tpu.memory_space<vmem>>
      %dma_start3A_82 = tpu.memref_squeeze %dma_start3A_81 : memref<1x128x128xf32, #tpu.memory_space<vmem>> -> memref<128x128xf32, #tpu.memory_space<vmem>>
      %dma_start3A_83 = arith.constant 0 : i32
      %dma_start3A_84 = tpu.memref_slice %arg7[%dma_start3A_77, %dma_start3A_83] : memref<48x128xi32, #tpu.memory_space<vmem>> -> memref<1x128xi32, #tpu.memory_space<vmem>>
      %dma_start3A_85 = tpu.memref_squeeze %dma_start3A_84 : memref<1x128xi32, #tpu.memory_space<vmem>> -> memref<128xi32, #tpu.memory_space<vmem>>
      %dma_start3A_86 = arith.constant 0 : i32
      %dma_start3A_87 = arith.constant 0 : i32
      %dma_start3A_88 = tpu.memref_slice %arg2[%dma_start3A_86, %dma_start3A_87] : memref<10000x128xf32, #tpu.memory_space<hbm>> -> memref<10000x128xf32, #tpu.memory_space<hbm>>
      tpu.enqueue_indirect_dma source(%dma_start3A_88 : memref<10000x128xf32, #tpu.memory_space<hbm>>) target(%dma_start3A_82 : memref<128x128xf32, #tpu.memory_space<vmem>>) offsets(%dma_start3A_85 : memref<128xi32, #tpu.memory_space<vmem>>) semaphore(%arg11 : memref<!tpu.dma_semaphore, #tpu.memory_space<semaphore_mem>>)
      %scan3A_89 = arith.constant 0 : i32
      %scan3A_90 = arith.constant 0 : i32
      %scan3A_91 = arith.constant 48 : i32
      %scan3A_92 = arith.addi %scan3A_90, %scan3A_91 : i32
      %scan3A_93 = arith.constant 1 : i32
      scf.for %scan3A_95 = %scan3A_90 to %scan3A_92 step %scan3A_93  : i32 {
        %rem3A = arith.constant 2 : i32
        %rem3A_96 = arith.remsi %scan3A_95, %rem3A : i32
        %dma_wait3A = arith.constant 0 : i32
        %dma_wait3A_97 = arith.constant 0 : i32
        %dma_wait3A_98 = tpu.memref_slice %arg9[%rem3A_96, %dma_wait3A, %dma_wait3A_97] : memref<2x128x128xf32, #tpu.memory_space<vmem>> -> memref<1x128x128xf32, #tpu.memory_space<vmem>>
        %dma_wait3A_99 = tpu.memref_squeeze %dma_wait3A_98 : memref<1x128x128xf32, #tpu.memory_space<vmem>> -> memref<128x128xf32, #tpu.memory_space<vmem>>
        %dma_wait3A_100 = arith.constant 0 : i32
        %dma_wait3A_101 = tpu.memref_slice %arg7[%scan3A_95, %dma_wait3A_100] : memref<48x128xi32, #tpu.memory_space<vmem>> -> memref<1x128xi32, #tpu.memory_space<vmem>>
        %dma_wait3A_102 = tpu.memref_squeeze %dma_wait3A_101 : memref<1x128xi32, #tpu.memory_space<vmem>> -> memref<128xi32, #tpu.memory_space<vmem>>
        %dma_wait3A_103 = arith.constant 0 : i32
        %dma_wait3A_104 = arith.constant 0 : i32
        %dma_wait3A_105 = tpu.memref_slice %arg2[%dma_wait3A_103, %dma_wait3A_104] : memref<10000x128xf32, #tpu.memory_space<hbm>> -> memref<10000x128xf32, #tpu.memory_space<hbm>>
        tpu.wait_indirect_dma semaphore(%arg11 : memref<!tpu.dma_semaphore, #tpu.memory_space<semaphore_mem>>) src(%dma_wait3A_105 : memref<10000x128xf32, #tpu.memory_space<hbm>>) dst(%dma_wait3A_99 : memref<128x128xf32, #tpu.memory_space<vmem>>)
        %lt3A = arith.constant 47 : i32
        %lt3A_106 = arith.cmpi slt, %scan3A_95, %lt3A : i32
        %convert_element_type3A_107 = arith.extui %lt3A_106 : i1 to i32
        %cond3A_108 = arith.constant 0 : i32
        %cond3A_109 = arith.cmpi ne, %convert_element_type3A_107, %cond3A_108 : i32
        scf.if %cond3A_109 {
          %add3A_110 = arith.constant 1 : i32
          %add3A_111 = arith.addi %scan3A_95, %add3A_110 : i32
          %sub3A = arith.constant 1 : i32
          %sub3A_112 = arith.subi %sub3A, %rem3A_96 : i32
          %dma_start3A_113 = arith.constant 0 : i32
          %dma_start3A_114 = arith.constant 0 : i32
          %dma_start3A_115 = tpu.memref_slice %arg9[%sub3A_112, %dma_start3A_113, %dma_start3A_114] : memref<2x128x128xf32, #tpu.memory_space<vmem>> -> memref<1x128x128xf32, #tpu.memory_space<vmem>>
          %dma_start3A_116 = tpu.memref_squeeze %dma_start3A_115 : memref<1x128x128xf32, #tpu.memory_space<vmem>> -> memref<128x128xf32, #tpu.memory_space<vmem>>
          %dma_start3A_117 = arith.constant 0 : i32
          %dma_start3A_118 = tpu.memref_slice %arg7[%add3A_111, %dma_start3A_117] : memref<48x128xi32, #tpu.memory_space<vmem>> -> memref<1x128xi32, #tpu.memory_space<vmem>>
          %dma_start3A_119 = tpu.memref_squeeze %dma_start3A_118 : memref<1x128xi32, #tpu.memory_space<vmem>> -> memref<128xi32, #tpu.memory_space<vmem>>
          %dma_start3A_120 = arith.constant 0 : i32
          %dma_start3A_121 = arith.constant 0 : i32
          %dma_start3A_122 = tpu.memref_slice %arg2[%dma_start3A_120, %dma_start3A_121] : memref<10000x128xf32, #tpu.memory_space<hbm>> -> memref<10000x128xf32, #tpu.memory_space<hbm>>
          tpu.enqueue_indirect_dma source(%dma_start3A_122 : memref<10000x128xf32, #tpu.memory_space<hbm>>) target(%dma_start3A_116 : memref<128x128xf32, #tpu.memory_space<vmem>>) offsets(%dma_start3A_119 : memref<128xi32, #tpu.memory_space<vmem>>) semaphore(%arg11 : memref<!tpu.dma_semaphore, #tpu.memory_space<semaphore_mem>>)
        } else {
        }
        "tpu.region"() ({
          %run_scoped3A_110 = tpu.sem_alloc : memref<!tpu.dma_semaphore, #tpu.memory_space<semaphore_mem>>
          %dma_start3A_111 = arith.constant 0 : i32
          %dma_start3A_112 = arith.constant 0 : i32
          %dma_start3A_113 = tpu.memref_slice %arg9[%rem3A_96, %dma_start3A_111, %dma_start3A_112] : memref<2x128x128xf32, #tpu.memory_space<vmem>> -> memref<1x128x128xf32, #tpu.memory_space<vmem>>
          %dma_start3A_114 = tpu.memref_squeeze %dma_start3A_113 : memref<1x128x128xf32, #tpu.memory_space<vmem>> -> memref<128x128xf32, #tpu.memory_space<vmem>>
          %dma_start3A_115 = arith.constant 0 : i32
          %dma_start3A_116 = tpu.memref_slice %arg8[%scan3A_95, %dma_start3A_115] : memref<48x128xi32, #tpu.memory_space<vmem>> -> memref<1x128xi32, #tpu.memory_space<vmem>>
          %dma_start3A_117 = tpu.memref_squeeze %dma_start3A_116 : memref<1x128xi32, #tpu.memory_space<vmem>> -> memref<128xi32, #tpu.memory_space<vmem>>
          %dma_start3A_118 = arith.constant 0 : i32
          %dma_start3A_119 = arith.constant 0 : i32
          %dma_start3A_120 = tpu.memref_slice %arg10[%dma_start3A_118, %dma_start3A_119] : memref<10240x128xf32, #tpu.memory_space<vmem_shared>> -> memref<10240x128xf32, #tpu.memory_space<vmem_shared>>
          tpu.enqueue_indirect_dma source(%dma_start3A_114 : memref<128x128xf32, #tpu.memory_space<vmem>>) target(%dma_start3A_120 : memref<10240x128xf32, #tpu.memory_space<vmem_shared>>) offsets(%dma_start3A_117 : memref<128xi32, #tpu.memory_space<vmem>>) semaphore(%run_scoped3A_110 : memref<!tpu.dma_semaphore, #tpu.memory_space<semaphore_mem>>) {add = true}
          %dma_wait3A_121 = arith.constant 0 : i32
          %dma_wait3A_122 = arith.constant 0 : i32
          %dma_wait3A_123 = tpu.memref_slice %arg9[%rem3A_96, %dma_wait3A_121, %dma_wait3A_122] : memref<2x128x128xf32, #tpu.memory_space<vmem>> -> memref<1x128x128xf32, #tpu.memory_space<vmem>>
          %dma_wait3A_124 = tpu.memref_squeeze %dma_wait3A_123 : memref<1x128x128xf32, #tpu.memory_space<vmem>> -> memref<128x128xf32, #tpu.memory_space<vmem>>
          %dma_wait3A_125 = arith.constant 0 : i32
          %dma_wait3A_126 = tpu.memref_slice %arg8[%scan3A_95, %dma_wait3A_125] : memref<48x128xi32, #tpu.memory_space<vmem>> -> memref<1x128xi32, #tpu.memory_space<vmem>>
          %dma_wait3A_127 = tpu.memref_squeeze %dma_wait3A_126 : memref<1x128xi32, #tpu.memory_space<vmem>> -> memref<128xi32, #tpu.memory_space<vmem>>
          %dma_wait3A_128 = arith.constant 0 : i32
          %dma_wait3A_129 = arith.constant 0 : i32
          %dma_wait3A_130 = tpu.memref_slice %arg10[%dma_wait3A_128, %dma_wait3A_129] : memref<10240x128xf32, #tpu.memory_space<vmem_shared>> -> memref<10240x128xf32, #tpu.memory_space<vmem_shared>>
          tpu.wait_indirect_dma semaphore(%run_scoped3A_110 : memref<!tpu.dma_semaphore, #tpu.memory_space<semaphore_mem>>) src(%dma_wait3A_124 : memref<128x128xf32, #tpu.memory_space<vmem>>) dst(%dma_wait3A_130 : memref<10240x128xf32, #tpu.memory_space<vmem_shared>>)
          tpu.yield
        }) : () -> ()
      }
      %scan3A_94 = arith.constant 48 : i32
    } else {
    }
    %eq3A_27 = arith.constant 1 : i32
    %eq3A_28 = arith.cmpi eq, %arg0, %eq3A_27 : i32
    %convert_element_type3A_29 = arith.extui %eq3A_28 : i1 to i32
    %cond3A_30 = arith.constant 0 : i32
    %cond3A_31 = arith.cmpi ne, %convert_element_type3A_29, %cond3A_30 : i32
    scf.if %cond3A_31 {
      %mul3A_33 = arith.constant 16 : i32
      %mul3A_34 = arith.muli %arg1, %mul3A_33 : i32
      %add3A_35 = arith.constant 2304 : i32
      %add3A_36 = arith.addi %add3A_35, %mul3A_34 : i32
      %add3A_37 = arith.constant 0 : i32
      %add3A_38 = arith.addi %add3A_36, %add3A_37 : i32
      "tpu.region"() ({
        %run_scoped3A_55 = tpu.sem_alloc : memref<!tpu.dma_semaphore, #tpu.memory_space<semaphore_mem>>
        %dma_start3A_56 = arith.constant 0 : i32
        %dma_start3A_57 = arith.constant 0 : i32
        %dma_start3A_58 = tpu.memref_slice %arg7[%dma_start3A_56, %dma_start3A_57] : memref<48x128xi32, #tpu.memory_space<vmem>> -> memref<16x128xi32, #tpu.memory_space<vmem>>
        %dma_start3A_59 = arith.constant 0 : i32
        %dma_start3A_60 = tpu.memref_slice %arg3[%add3A_38, %dma_start3A_59] : memref<2560x128xi32, #tpu.memory_space<hbm>> -> memref<16x128xi32, #tpu.memory_space<hbm>>
        %dma_start3A_61 = arith.constant 0 : i32
        %dma_start3A_62 = arith.constant 0 : i32
        %dma_start3A_63 = tpu.memref_slice %arg7[%dma_start3A_61, %dma_start3A_62] : memref<48x128xi32, #tpu.memory_space<vmem>> -> memref<16x128xi32, #tpu.memory_space<vmem>>
        %dma_start3A_64 = arith.constant 0 : i32
        %dma_start3A_65 = tpu.memref_slice %arg3[%add3A_38, %dma_start3A_64] : memref<2560x128xi32, #tpu.memory_space<hbm>> -> memref<16x128xi32, #tpu.memory_space<hbm>>
        tpu.enqueue_dma source(%dma_start3A_65 : memref<16x128xi32, #tpu.memory_space<hbm>>) target(%dma_start3A_63 : memref<16x128xi32, #tpu.memory_space<vmem>>) target_semaphore(%run_scoped3A_55 : memref<!tpu.dma_semaphore, #tpu.memory_space<semaphore_mem>>)
        %dma_wait3A = arith.constant 0 : i32
        %dma_wait3A_66 = arith.constant 0 : i32
        %dma_wait3A_67 = tpu.memref_slice %arg7[%dma_wait3A, %dma_wait3A_66] : memref<48x128xi32, #tpu.memory_space<vmem>> -> memref<16x128xi32, #tpu.memory_space<vmem>>
        %dma_wait3A_68 = arith.constant 0 : i32
        %dma_wait3A_69 = tpu.memref_slice %arg3[%add3A_38, %dma_wait3A_68] : memref<2560x128xi32, #tpu.memory_space<hbm>> -> memref<16x128xi32, #tpu.memory_space<hbm>>
        %dma_wait3A_70 = arith.constant 0 : i32
        %dma_wait3A_71 = arith.constant 0 : i32
        %dma_wait3A_72 = tpu.memref_slice %arg7[%dma_wait3A_70, %dma_wait3A_71] : memref<48x128xi32, #tpu.memory_space<vmem>> -> memref<16x128xi32, #tpu.memory_space<vmem>>
        %dma_wait3A_73 = arith.constant 0 : i32
        %dma_wait3A_74 = tpu.memref_slice %arg3[%add3A_38, %dma_wait3A_73] : memref<2560x128xi32, #tpu.memory_space<hbm>> -> memref<16x128xi32, #tpu.memory_space<hbm>>
        tpu.wait_dma2 semaphore(%run_scoped3A_55 : memref<!tpu.dma_semaphore, #tpu.memory_space<semaphore_mem>>) src(%dma_wait3A_74 : memref<16x128xi32, #tpu.memory_space<hbm>>) dst(%dma_wait3A_72 : memref<16x128xi32, #tpu.memory_space<vmem>>)
        tpu.yield
      }) : () -> ()
      "tpu.region"() ({
        %run_scoped3A_55 = tpu.sem_alloc : memref<!tpu.dma_semaphore, #tpu.memory_space<semaphore_mem>>
        %dma_start3A_56 = arith.constant 0 : i32
        %dma_start3A_57 = arith.constant 0 : i32
        %dma_start3A_58 = tpu.memref_slice %arg8[%dma_start3A_56, %dma_start3A_57] : memref<48x128xi32, #tpu.memory_space<vmem>> -> memref<16x128xi32, #tpu.memory_space<vmem>>
        %dma_start3A_59 = arith.constant 0 : i32
        %dma_start3A_60 = tpu.memref_slice %arg4[%add3A_38, %dma_start3A_59] : memref<2560x128xi32, #tpu.memory_space<hbm>> -> memref<16x128xi32, #tpu.memory_space<hbm>>
        %dma_start3A_61 = arith.constant 0 : i32
        %dma_start3A_62 = arith.constant 0 : i32
        %dma_start3A_63 = tpu.memref_slice %arg8[%dma_start3A_61, %dma_start3A_62] : memref<48x128xi32, #tpu.memory_space<vmem>> -> memref<16x128xi32, #tpu.memory_space<vmem>>
        %dma_start3A_64 = arith.constant 0 : i32
        %dma_start3A_65 = tpu.memref_slice %arg4[%add3A_38, %dma_start3A_64] : memref<2560x128xi32, #tpu.memory_space<hbm>> -> memref<16x128xi32, #tpu.memory_space<hbm>>
        tpu.enqueue_dma source(%dma_start3A_65 : memref<16x128xi32, #tpu.memory_space<hbm>>) target(%dma_start3A_63 : memref<16x128xi32, #tpu.memory_space<vmem>>) target_semaphore(%run_scoped3A_55 : memref<!tpu.dma_semaphore, #tpu.memory_space<semaphore_mem>>)
        %dma_wait3A = arith.constant 0 : i32
        %dma_wait3A_66 = arith.constant 0 : i32
        %dma_wait3A_67 = tpu.memref_slice %arg8[%dma_wait3A, %dma_wait3A_66] : memref<48x128xi32, #tpu.memory_space<vmem>> -> memref<16x128xi32, #tpu.memory_space<vmem>>
        %dma_wait3A_68 = arith.constant 0 : i32
        %dma_wait3A_69 = tpu.memref_slice %arg4[%add3A_38, %dma_wait3A_68] : memref<2560x128xi32, #tpu.memory_space<hbm>> -> memref<16x128xi32, #tpu.memory_space<hbm>>
        %dma_wait3A_70 = arith.constant 0 : i32
        %dma_wait3A_71 = arith.constant 0 : i32
        %dma_wait3A_72 = tpu.memref_slice %arg8[%dma_wait3A_70, %dma_wait3A_71] : memref<48x128xi32, #tpu.memory_space<vmem>> -> memref<16x128xi32, #tpu.memory_space<vmem>>
        %dma_wait3A_73 = arith.constant 0 : i32
        %dma_wait3A_74 = tpu.memref_slice %arg4[%add3A_38, %dma_wait3A_73] : memref<2560x128xi32, #tpu.memory_space<hbm>> -> memref<16x128xi32, #tpu.memory_space<hbm>>
        tpu.wait_dma2 semaphore(%run_scoped3A_55 : memref<!tpu.dma_semaphore, #tpu.memory_space<semaphore_mem>>) src(%dma_wait3A_74 : memref<16x128xi32, #tpu.memory_space<hbm>>) dst(%dma_wait3A_72 : memref<16x128xi32, #tpu.memory_space<vmem>>)
        tpu.yield
      }) : () -> ()
      %dma_start3A = arith.constant 0 : i32
      %dma_start3A_39 = arith.constant 0 : i32
      %dma_start3A_40 = arith.constant 0 : i32
      %dma_start3A_41 = arith.constant 0 : i32
      %dma_start3A_42 = tpu.memref_slice %arg9[%dma_start3A_39, %dma_start3A_40, %dma_start3A_41] : memref<2x128x128xf32, #tpu.memory_space<vmem>> -> memref<1x128x128xf32, #tpu.memory_space<vmem>>
      %dma_start3A_43 = tpu.memref_squeeze %dma_start3A_42 : memref<1x128x128xf32, #tpu.memory_space<vmem>> -> memref<128x128xf32, #tpu.memory_space<vmem>>
      %dma_start3A_44 = arith.constant 0 : i32
      %dma_start3A_45 = tpu.memref_slice %arg7[%dma_start3A, %dma_start3A_44] : memref<48x128xi32, #tpu.memory_space<vmem>> -> memref<1x128xi32, #tpu.memory_space<vmem>>
      %dma_start3A_46 = tpu.memref_squeeze %dma_start3A_45 : memref<1x128xi32, #tpu.memory_space<vmem>> -> memref<128xi32, #tpu.memory_space<vmem>>
      %dma_start3A_47 = arith.constant 0 : i32
      %dma_start3A_48 = arith.constant 0 : i32
      %dma_start3A_49 = tpu.memref_slice %arg2[%dma_start3A_47, %dma_start3A_48] : memref<10000x128xf32, #tpu.memory_space<hbm>> -> memref<10000x128xf32, #tpu.memory_space<hbm>>
      tpu.enqueue_indirect_dma source(%dma_start3A_49 : memref<10000x128xf32, #tpu.memory_space<hbm>>) target(%dma_start3A_43 : memref<128x128xf32, #tpu.memory_space<vmem>>) offsets(%dma_start3A_46 : memref<128xi32, #tpu.memory_space<vmem>>) semaphore(%arg11 : memref<!tpu.dma_semaphore, #tpu.memory_space<semaphore_mem>>)
      %scan3A = arith.constant 0 : i32
      %scan3A_50 = arith.constant 0 : i32
      %scan3A_51 = arith.constant 16 : i32
      %scan3A_52 = arith.addi %scan3A_50, %scan3A_51 : i32
      %scan3A_53 = arith.constant 1 : i32
      scf.for %scan3A_55 = %scan3A_50 to %scan3A_52 step %scan3A_53  : i32 {
        %rem3A = arith.constant 2 : i32
        %rem3A_56 = arith.remsi %scan3A_55, %rem3A : i32
        %dma_wait3A = arith.constant 0 : i32
        %dma_wait3A_57 = arith.constant 0 : i32
        %dma_wait3A_58 = tpu.memref_slice %arg9[%rem3A_56, %dma_wait3A, %dma_wait3A_57] : memref<2x128x128xf32, #tpu.memory_space<vmem>> -> memref<1x128x128xf32, #tpu.memory_space<vmem>>
        %dma_wait3A_59 = tpu.memref_squeeze %dma_wait3A_58 : memref<1x128x128xf32, #tpu.memory_space<vmem>> -> memref<128x128xf32, #tpu.memory_space<vmem>>
        %dma_wait3A_60 = arith.constant 0 : i32
        %dma_wait3A_61 = tpu.memref_slice %arg7[%scan3A_55, %dma_wait3A_60] : memref<48x128xi32, #tpu.memory_space<vmem>> -> memref<1x128xi32, #tpu.memory_space<vmem>>
        %dma_wait3A_62 = tpu.memref_squeeze %dma_wait3A_61 : memref<1x128xi32, #tpu.memory_space<vmem>> -> memref<128xi32, #tpu.memory_space<vmem>>
        %dma_wait3A_63 = arith.constant 0 : i32
        %dma_wait3A_64 = arith.constant 0 : i32
        %dma_wait3A_65 = tpu.memref_slice %arg2[%dma_wait3A_63, %dma_wait3A_64] : memref<10000x128xf32, #tpu.memory_space<hbm>> -> memref<10000x128xf32, #tpu.memory_space<hbm>>
        tpu.wait_indirect_dma semaphore(%arg11 : memref<!tpu.dma_semaphore, #tpu.memory_space<semaphore_mem>>) src(%dma_wait3A_65 : memref<10000x128xf32, #tpu.memory_space<hbm>>) dst(%dma_wait3A_59 : memref<128x128xf32, #tpu.memory_space<vmem>>)
        %lt3A = arith.constant 15 : i32
        %lt3A_66 = arith.cmpi slt, %scan3A_55, %lt3A : i32
        %convert_element_type3A_67 = arith.extui %lt3A_66 : i1 to i32
        %cond3A_68 = arith.constant 0 : i32
        %cond3A_69 = arith.cmpi ne, %convert_element_type3A_67, %cond3A_68 : i32
        scf.if %cond3A_69 {
          %add3A_70 = arith.constant 1 : i32
          %add3A_71 = arith.addi %scan3A_55, %add3A_70 : i32
          %sub3A = arith.constant 1 : i32
          %sub3A_72 = arith.subi %sub3A, %rem3A_56 : i32
          %dma_start3A_73 = arith.constant 0 : i32
          %dma_start3A_74 = arith.constant 0 : i32
          %dma_start3A_75 = tpu.memref_slice %arg9[%sub3A_72, %dma_start3A_73, %dma_start3A_74] : memref<2x128x128xf32, #tpu.memory_space<vmem>> -> memref<1x128x128xf32, #tpu.memory_space<vmem>>
          %dma_start3A_76 = tpu.memref_squeeze %dma_start3A_75 : memref<1x128x128xf32, #tpu.memory_space<vmem>> -> memref<128x128xf32, #tpu.memory_space<vmem>>
          %dma_start3A_77 = arith.constant 0 : i32
          %dma_start3A_78 = tpu.memref_slice %arg7[%add3A_71, %dma_start3A_77] : memref<48x128xi32, #tpu.memory_space<vmem>> -> memref<1x128xi32, #tpu.memory_space<vmem>>
          %dma_start3A_79 = tpu.memref_squeeze %dma_start3A_78 : memref<1x128xi32, #tpu.memory_space<vmem>> -> memref<128xi32, #tpu.memory_space<vmem>>
          %dma_start3A_80 = arith.constant 0 : i32
          %dma_start3A_81 = arith.constant 0 : i32
          %dma_start3A_82 = tpu.memref_slice %arg2[%dma_start3A_80, %dma_start3A_81] : memref<10000x128xf32, #tpu.memory_space<hbm>> -> memref<10000x128xf32, #tpu.memory_space<hbm>>
          tpu.enqueue_indirect_dma source(%dma_start3A_82 : memref<10000x128xf32, #tpu.memory_space<hbm>>) target(%dma_start3A_76 : memref<128x128xf32, #tpu.memory_space<vmem>>) offsets(%dma_start3A_79 : memref<128xi32, #tpu.memory_space<vmem>>) semaphore(%arg11 : memref<!tpu.dma_semaphore, #tpu.memory_space<semaphore_mem>>)
        } else {
        }
        "tpu.region"() ({
          %run_scoped3A_70 = tpu.sem_alloc : memref<!tpu.dma_semaphore, #tpu.memory_space<semaphore_mem>>
          %dma_start3A_71 = arith.constant 0 : i32
          %dma_start3A_72 = arith.constant 0 : i32
          %dma_start3A_73 = tpu.memref_slice %arg9[%rem3A_56, %dma_start3A_71, %dma_start3A_72] : memref<2x128x128xf32, #tpu.memory_space<vmem>> -> memref<1x128x128xf32, #tpu.memory_space<vmem>>
          %dma_start3A_74 = tpu.memref_squeeze %dma_start3A_73 : memref<1x128x128xf32, #tpu.memory_space<vmem>> -> memref<128x128xf32, #tpu.memory_space<vmem>>
          %dma_start3A_75 = arith.constant 0 : i32
          %dma_start3A_76 = tpu.memref_slice %arg8[%scan3A_55, %dma_start3A_75] : memref<48x128xi32, #tpu.memory_space<vmem>> -> memref<1x128xi32, #tpu.memory_space<vmem>>
          %dma_start3A_77 = tpu.memref_squeeze %dma_start3A_76 : memref<1x128xi32, #tpu.memory_space<vmem>> -> memref<128xi32, #tpu.memory_space<vmem>>
          %dma_start3A_78 = arith.constant 0 : i32
          %dma_start3A_79 = arith.constant 0 : i32
          %dma_start3A_80 = tpu.memref_slice %arg10[%dma_start3A_78, %dma_start3A_79] : memref<10240x128xf32, #tpu.memory_space<vmem_shared>> -> memref<10240x128xf32, #tpu.memory_space<vmem_shared>>
          tpu.enqueue_indirect_dma source(%dma_start3A_74 : memref<128x128xf32, #tpu.memory_space<vmem>>) target(%dma_start3A_80 : memref<10240x128xf32, #tpu.memory_space<vmem_shared>>) offsets(%dma_start3A_77 : memref<128xi32, #tpu.memory_space<vmem>>) semaphore(%run_scoped3A_70 : memref<!tpu.dma_semaphore, #tpu.memory_space<semaphore_mem>>) {add = true}
          %dma_wait3A_81 = arith.constant 0 : i32
          %dma_wait3A_82 = arith.constant 0 : i32
          %dma_wait3A_83 = tpu.memref_slice %arg9[%rem3A_56, %dma_wait3A_81, %dma_wait3A_82] : memref<2x128x128xf32, #tpu.memory_space<vmem>> -> memref<1x128x128xf32, #tpu.memory_space<vmem>>
          %dma_wait3A_84 = tpu.memref_squeeze %dma_wait3A_83 : memref<1x128x128xf32, #tpu.memory_space<vmem>> -> memref<128x128xf32, #tpu.memory_space<vmem>>
          %dma_wait3A_85 = arith.constant 0 : i32
          %dma_wait3A_86 = tpu.memref_slice %arg8[%scan3A_55, %dma_wait3A_85] : memref<48x128xi32, #tpu.memory_space<vmem>> -> memref<1x128xi32, #tpu.memory_space<vmem>>
          %dma_wait3A_87 = tpu.memref_squeeze %dma_wait3A_86 : memref<1x128xi32, #tpu.memory_space<vmem>> -> memref<128xi32, #tpu.memory_space<vmem>>
          %dma_wait3A_88 = arith.constant 0 : i32
          %dma_wait3A_89 = arith.constant 0 : i32
          %dma_wait3A_90 = tpu.memref_slice %arg10[%dma_wait3A_88, %dma_wait3A_89] : memref<10240x128xf32, #tpu.memory_space<vmem_shared>> -> memref<10240x128xf32, #tpu.memory_space<vmem_shared>>
          tpu.wait_indirect_dma semaphore(%run_scoped3A_70 : memref<!tpu.dma_semaphore, #tpu.memory_space<semaphore_mem>>) src(%dma_wait3A_84 : memref<128x128xf32, #tpu.memory_space<vmem>>) dst(%dma_wait3A_90 : memref<10240x128xf32, #tpu.memory_space<vmem_shared>>)
          tpu.yield
        }) : () -> ()
      }
      %scan3A_54 = arith.constant 16 : i32
    } else {
    }
    %barrier3A_32 = arith.constant 0 : index
    tpu.barrier barrier_id(%barrier3A_32)
    "tpu.region"() ({
      %run_scoped3A_33 = tpu.sem_alloc : memref<!tpu.dma_semaphore, #tpu.memory_space<semaphore_mem>>
      %dma_start3A = arith.constant 0 : i32
      %dma_start3A_34 = arith.constant 0 : i32
      %dma_start3A_35 = tpu.memref_slice %arg6[%arg0, %dma_start3A, %dma_start3A_34] : memref<2x10240x128xf32, #tpu.memory_space<hbm>> -> memref<1x10240x128xf32, #tpu.memory_space<hbm>>
      %dma_start3A_36 = tpu.memref_squeeze %dma_start3A_35 : memref<1x10240x128xf32, #tpu.memory_space<hbm>> -> memref<10240x128xf32, #tpu.memory_space<hbm>>
      %dma_start3A_37 = arith.constant 0 : i32
      %dma_start3A_38 = tpu.memref_slice %dma_start3A_36[%mul3A_0, %dma_start3A_37] : memref<10240x128xf32, #tpu.memory_space<hbm>> -> memref<640x128xf32, #tpu.memory_space<hbm>>
      %dma_start3A_39 = arith.constant 0 : i32
      %dma_start3A_40 = tpu.memref_slice %arg10[%mul3A_0, %dma_start3A_39] : memref<10240x128xf32, #tpu.memory_space<vmem_shared>> -> memref<640x128xf32, #tpu.memory_space<vmem_shared>>
      tpu.enqueue_dma source(%dma_start3A_40 : memref<640x128xf32, #tpu.memory_space<vmem_shared>>) target(%dma_start3A_38 : memref<640x128xf32, #tpu.memory_space<hbm>>) target_semaphore(%run_scoped3A_33 : memref<!tpu.dma_semaphore, #tpu.memory_space<semaphore_mem>>)
      %dma_wait3A = arith.constant 0 : i32
      %dma_wait3A_41 = arith.constant 0 : i32
      %dma_wait3A_42 = tpu.memref_slice %arg6[%arg0, %dma_wait3A, %dma_wait3A_41] : memref<2x10240x128xf32, #tpu.memory_space<hbm>> -> memref<1x10240x128xf32, #tpu.memory_space<hbm>>
      %dma_wait3A_43 = tpu.memref_squeeze %dma_wait3A_42 : memref<1x10240x128xf32, #tpu.memory_space<hbm>> -> memref<10240x128xf32, #tpu.memory_space<hbm>>
      %dma_wait3A_44 = arith.constant 0 : i32
      %dma_wait3A_45 = tpu.memref_slice %dma_wait3A_43[%mul3A_0, %dma_wait3A_44] : memref<10240x128xf32, #tpu.memory_space<hbm>> -> memref<640x128xf32, #tpu.memory_space<hbm>>
      %dma_wait3A_46 = arith.constant 0 : i32
      %dma_wait3A_47 = tpu.memref_slice %arg10[%mul3A_0, %dma_wait3A_46] : memref<10240x128xf32, #tpu.memory_space<vmem_shared>> -> memref<640x128xf32, #tpu.memory_space<vmem_shared>>
      tpu.wait_dma2 semaphore(%run_scoped3A_33 : memref<!tpu.dma_semaphore, #tpu.memory_space<semaphore_mem>>) src(%dma_wait3A_47 : memref<640x128xf32, #tpu.memory_space<vmem_shared>>) dst(%dma_wait3A_45 : memref<640x128xf32, #tpu.memory_space<hbm>>)
      tpu.yield
    }) : () -> ()
    return
  }
}

#map = affine_map<(d0, d1) -> (0, 0)>
#map1 = affine_map<(d0, d1) -> (0, 0, 0)>
module attributes {stable_mosaic.version = 14 : i64} {
  func.func @_scatter_kernel(%arg0: i32, %arg1: i32, %arg2: memref<10000x128xf32, #tpu.memory_space<hbm>>, %arg3: memref<2560x128xi32, #tpu.memory_space<hbm>>, %arg4: memref<2560x128xi32, #tpu.memory_space<hbm>>, %arg5: memref<128x128xf32, #tpu.memory_space<hbm>>, %arg6: memref<2x10240x128xf32, #tpu.memory_space<hbm>>, %arg7: memref<48x128xi32, #tpu.memory_space<vmem>>, %arg8: memref<48x128xi32, #tpu.memory_space<vmem>>, %arg9: memref<2x128x128xf32, #tpu.memory_space<vmem>>, %arg10: memref<10240x128xf32, #tpu.memory_space<vmem_shared>>, %arg11: memref<!tpu.dma_semaphore, #tpu.memory_space<semaphore_mem>>) attributes {dimension_semantics = [#tpu.dimension_semantics<core_parallel>, #tpu.dimension_semantics<subcore_parallel>], iteration_bounds = array<i64: 2, 16>, scalar_prefetch = 0 : i64, scratch_operands = 5 : i64, tpu.core_type = #tpu.core_type<sc_vector_subcore>, window_params = [{transform_indices = #map}, {transform_indices = #map}, {transform_indices = #map}, {transform_indices = #map}, {transform_indices = #map1}]} {
    %mul3A = arith.constant 640 : i32
    %mul3A_0 = arith.muli %arg1, %mul3A : i32
    %run_scoped3A = arith.constant 0 : i32
    "tpu.region"() ({
      %run_scoped3A_33 = tpu.sem_alloc : memref<!tpu.dma_semaphore, #tpu.memory_space<semaphore_mem>>
      %dma_start3A = arith.constant 0 : i32
      %dma_start3A_34 = arith.constant 0 : i32
      %dma_start3A_35 = tpu.memref_slice %arg9[%run_scoped3A, %dma_start3A, %dma_start3A_34] : memref<2x128x128xf32, #tpu.memory_space<vmem>> -> memref<1x128x128xf32, #tpu.memory_space<vmem>>
      %dma_start3A_36 = tpu.memref_squeeze %dma_start3A_35 : memref<1x128x128xf32, #tpu.memory_space<vmem>> -> memref<128x128xf32, #tpu.memory_space<vmem>>
      %dma_start3A_37 = arith.constant 0 : i32
      %dma_start3A_38 = arith.constant 0 : i32
      %dma_start3A_39 = tpu.memref_slice %arg9[%run_scoped3A, %dma_start3A_37, %dma_start3A_38] : memref<2x128x128xf32, #tpu.memory_space<vmem>> -> memref<1x128x128xf32, #tpu.memory_space<vmem>>
      %dma_start3A_40 = tpu.memref_squeeze %dma_start3A_39 : memref<1x128x128xf32, #tpu.memory_space<vmem>> -> memref<128x128xf32, #tpu.memory_space<vmem>>
      tpu.enqueue_dma source(%arg5 : memref<128x128xf32, #tpu.memory_space<hbm>>) target(%dma_start3A_40 : memref<128x128xf32, #tpu.memory_space<vmem>>) target_semaphore(%run_scoped3A_33 : memref<!tpu.dma_semaphore, #tpu.memory_space<semaphore_mem>>)
      %dma_wait3A = arith.constant 0 : i32
      %dma_wait3A_41 = arith.constant 0 : i32
      %dma_wait3A_42 = tpu.memref_slice %arg9[%run_scoped3A, %dma_wait3A, %dma_wait3A_41] : memref<2x128x128xf32, #tpu.memory_space<vmem>> -> memref<1x128x128xf32, #tpu.memory_space<vmem>>
      %dma_wait3A_43 = tpu.memref_squeeze %dma_wait3A_42 : memref<1x128x128xf32, #tpu.memory_space<vmem>> -> memref<128x128xf32, #tpu.memory_space<vmem>>
      %dma_wait3A_44 = arith.constant 0 : i32
      %dma_wait3A_45 = arith.constant 0 : i32
      %dma_wait3A_46 = tpu.memref_slice %arg9[%run_scoped3A, %dma_wait3A_44, %dma_wait3A_45] : memref<2x128x128xf32, #tpu.memory_space<vmem>> -> memref<1x128x128xf32, #tpu.memory_space<vmem>>
      %dma_wait3A_47 = tpu.memref_squeeze %dma_wait3A_46 : memref<1x128x128xf32, #tpu.memory_space<vmem>> -> memref<128x128xf32, #tpu.memory_space<vmem>>
      tpu.wait_dma2 semaphore(%run_scoped3A_33 : memref<!tpu.dma_semaphore, #tpu.memory_space<semaphore_mem>>) src(%arg5 : memref<128x128xf32, #tpu.memory_space<hbm>>) dst(%dma_wait3A_47 : memref<128x128xf32, #tpu.memory_space<vmem>>)
      tpu.yield
    }) : () -> ()
    %mul3A_1 = arith.constant 640 : i32
    %mul3A_2 = arith.muli %arg1, %mul3A_1 : i32
    %add3A = arith.constant 0 : i32
    %add3A_3 = arith.addi %mul3A_2, %add3A : i32
    %run_scoped3A_4 = arith.constant 0 : i32
    "tpu.region"() ({
      %run_scoped3A_33 = tpu.sem_alloc : memref<!tpu.dma_semaphore, #tpu.memory_space<semaphore_mem>>
      %dma_start3A = arith.constant 0 : i32
      %dma_start3A_34 = arith.constant 0 : i32
      %dma_start3A_35 = tpu.memref_slice %arg9[%run_scoped3A_4, %dma_start3A, %dma_start3A_34] : memref<2x128x128xf32, #tpu.memory_space<vmem>> -> memref<1x128x128xf32, #tpu.memory_space<vmem>>
      %dma_start3A_36 = tpu.memref_squeeze %dma_start3A_35 : memref<1x128x128xf32, #tpu.memory_space<vmem>> -> memref<128x128xf32, #tpu.memory_space<vmem>>
      %dma_start3A_37 = arith.constant 0 : i32
      %dma_start3A_38 = tpu.memref_slice %arg10[%add3A_3, %dma_start3A_37] : memref<10240x128xf32, #tpu.memory_space<vmem_shared>> -> memref<128x128xf32, #tpu.memory_space<vmem_shared>>
      %dma_start3A_39 = arith.constant 0 : i32
      %dma_start3A_40 = tpu.memref_slice %arg10[%add3A_3, %dma_start3A_39] : memref<10240x128xf32, #tpu.memory_space<vmem_shared>> -> memref<128x128xf32, #tpu.memory_space<vmem_shared>>
      %dma_start3A_41 = arith.constant 0 : i32
      %dma_start3A_42 = arith.constant 0 : i32
      %dma_start3A_43 = tpu.memref_slice %arg9[%run_scoped3A_4, %dma_start3A_41, %dma_start3A_42] : memref<2x128x128xf32, #tpu.memory_space<vmem>> -> memref<1x128x128xf32, #tpu.memory_space<vmem>>
      %dma_start3A_44 = tpu.memref_squeeze %dma_start3A_43 : memref<1x128x128xf32, #tpu.memory_space<vmem>> -> memref<128x128xf32, #tpu.memory_space<vmem>>
      tpu.enqueue_dma source(%dma_start3A_44 : memref<128x128xf32, #tpu.memory_space<vmem>>) target(%dma_start3A_40 : memref<128x128xf32, #tpu.memory_space<vmem_shared>>) target_semaphore(%run_scoped3A_33 : memref<!tpu.dma_semaphore, #tpu.memory_space<semaphore_mem>>)
      %dma_wait3A = arith.constant 0 : i32
      %dma_wait3A_45 = arith.constant 0 : i32
      %dma_wait3A_46 = tpu.memref_slice %arg9[%run_scoped3A_4, %dma_wait3A, %dma_wait3A_45] : memref<2x128x128xf32, #tpu.memory_space<vmem>> -> memref<1x128x128xf32, #tpu.memory_space<vmem>>
      %dma_wait3A_47 = tpu.memref_squeeze %dma_wait3A_46 : memref<1x128x128xf32, #tpu.memory_space<vmem>> -> memref<128x128xf32, #tpu.memory_space<vmem>>
      %dma_wait3A_48 = arith.constant 0 : i32
      %dma_wait3A_49 = tpu.memref_slice %arg10[%add3A_3, %dma_wait3A_48] : memref<10240x128xf32, #tpu.memory_space<vmem_shared>> -> memref<128x128xf32, #tpu.memory_space<vmem_shared>>
      %dma_wait3A_50 = arith.constant 0 : i32
      %dma_wait3A_51 = tpu.memref_slice %arg10[%add3A_3, %dma_wait3A_50] : memref<10240x128xf32, #tpu.memory_space<vmem_shared>> -> memref<128x128xf32, #tpu.memory_space<vmem_shared>>
      %dma_wait3A_52 = arith.constant 0 : i32
      %dma_wait3A_53 = arith.constant 0 : i32
      %dma_wait3A_54 = tpu.memref_slice %arg9[%run_scoped3A_4, %dma_wait3A_52, %dma_wait3A_53] : memref<2x128x128xf32, #tpu.memory_space<vmem>> -> memref<1x128x128xf32, #tpu.memory_space<vmem>>
      %dma_wait3A_55 = tpu.memref_squeeze %dma_wait3A_54 : memref<1x128x128xf32, #tpu.memory_space<vmem>> -> memref<128x128xf32, #tpu.memory_space<vmem>>
      tpu.wait_dma2 semaphore(%run_scoped3A_33 : memref<!tpu.dma_semaphore, #tpu.memory_space<semaphore_mem>>) src(%dma_wait3A_55 : memref<128x128xf32, #tpu.memory_space<vmem>>) dst(%dma_wait3A_51 : memref<128x128xf32, #tpu.memory_space<vmem_shared>>)
      tpu.yield
    }) : () -> ()
    %mul3A_5 = arith.constant 640 : i32
    %mul3A_6 = arith.muli %arg1, %mul3A_5 : i32
    %add3A_7 = arith.constant 128 : i32
    %add3A_8 = arith.addi %mul3A_6, %add3A_7 : i32
    %run_scoped3A_9 = arith.constant 0 : i32
    "tpu.region"() ({
      %run_scoped3A_33 = tpu.sem_alloc : memref<!tpu.dma_semaphore, #tpu.memory_space<semaphore_mem>>
      %dma_start3A = arith.constant 0 : i32
      %dma_start3A_34 = arith.constant 0 : i32
      %dma_start3A_35 = tpu.memref_slice %arg9[%run_scoped3A_9, %dma_start3A, %dma_start3A_34] : memref<2x128x128xf32, #tpu.memory_space<vmem>> -> memref<1x128x128xf32, #tpu.memory_space<vmem>>
      %dma_start3A_36 = tpu.memref_squeeze %dma_start3A_35 : memref<1x128x128xf32, #tpu.memory_space<vmem>> -> memref<128x128xf32, #tpu.memory_space<vmem>>
      %dma_start3A_37 = arith.constant 0 : i32
      %dma_start3A_38 = tpu.memref_slice %arg10[%add3A_8, %dma_start3A_37] : memref<10240x128xf32, #tpu.memory_space<vmem_shared>> -> memref<128x128xf32, #tpu.memory_space<vmem_shared>>
      %dma_start3A_39 = arith.constant 0 : i32
      %dma_start3A_40 = tpu.memref_slice %arg10[%add3A_8, %dma_start3A_39] : memref<10240x128xf32, #tpu.memory_space<vmem_shared>> -> memref<128x128xf32, #tpu.memory_space<vmem_shared>>
      %dma_start3A_41 = arith.constant 0 : i32
      %dma_start3A_42 = arith.constant 0 : i32
      %dma_start3A_43 = tpu.memref_slice %arg9[%run_scoped3A_9, %dma_start3A_41, %dma_start3A_42] : memref<2x128x128xf32, #tpu.memory_space<vmem>> -> memref<1x128x128xf32, #tpu.memory_space<vmem>>
      %dma_start3A_44 = tpu.memref_squeeze %dma_start3A_43 : memref<1x128x128xf32, #tpu.memory_space<vmem>> -> memref<128x128xf32, #tpu.memory_space<vmem>>
      tpu.enqueue_dma source(%dma_start3A_44 : memref<128x128xf32, #tpu.memory_space<vmem>>) target(%dma_start3A_40 : memref<128x128xf32, #tpu.memory_space<vmem_shared>>) target_semaphore(%run_scoped3A_33 : memref<!tpu.dma_semaphore, #tpu.memory_space<semaphore_mem>>)
      %dma_wait3A = arith.constant 0 : i32
      %dma_wait3A_45 = arith.constant 0 : i32
      %dma_wait3A_46 = tpu.memref_slice %arg9[%run_scoped3A_9, %dma_wait3A, %dma_wait3A_45] : memref<2x128x128xf32, #tpu.memory_space<vmem>> -> memref<1x128x128xf32, #tpu.memory_space<vmem>>
      %dma_wait3A_47 = tpu.memref_squeeze %dma_wait3A_46 : memref<1x128x128xf32, #tpu.memory_space<vmem>> -> memref<128x128xf32, #tpu.memory_space<vmem>>
      %dma_wait3A_48 = arith.constant 0 : i32
      %dma_wait3A_49 = tpu.memref_slice %arg10[%add3A_8, %dma_wait3A_48] : memref<10240x128xf32, #tpu.memory_space<vmem_shared>> -> memref<128x128xf32, #tpu.memory_space<vmem_shared>>
      %dma_wait3A_50 = arith.constant 0 : i32
      %dma_wait3A_51 = tpu.memref_slice %arg10[%add3A_8, %dma_wait3A_50] : memref<10240x128xf32, #tpu.memory_space<vmem_shared>> -> memref<128x128xf32, #tpu.memory_space<vmem_shared>>
      %dma_wait3A_52 = arith.constant 0 : i32
      %dma_wait3A_53 = arith.constant 0 : i32
      %dma_wait3A_54 = tpu.memref_slice %arg9[%run_scoped3A_9, %dma_wait3A_52, %dma_wait3A_53] : memref<2x128x128xf32, #tpu.memory_space<vmem>> -> memref<1x128x128xf32, #tpu.memory_space<vmem>>
      %dma_wait3A_55 = tpu.memref_squeeze %dma_wait3A_54 : memref<1x128x128xf32, #tpu.memory_space<vmem>> -> memref<128x128xf32, #tpu.memory_space<vmem>>
      tpu.wait_dma2 semaphore(%run_scoped3A_33 : memref<!tpu.dma_semaphore, #tpu.memory_space<semaphore_mem>>) src(%dma_wait3A_55 : memref<128x128xf32, #tpu.memory_space<vmem>>) dst(%dma_wait3A_51 : memref<128x128xf32, #tpu.memory_space<vmem_shared>>)
      tpu.yield
    }) : () -> ()
    %mul3A_10 = arith.constant 640 : i32
    %mul3A_11 = arith.muli %arg1, %mul3A_10 : i32
    %add3A_12 = arith.constant 256 : i32
    %add3A_13 = arith.addi %mul3A_11, %add3A_12 : i32
    %run_scoped3A_14 = arith.constant 0 : i32
    "tpu.region"() ({
      %run_scoped3A_33 = tpu.sem_alloc : memref<!tpu.dma_semaphore, #tpu.memory_space<semaphore_mem>>
      %dma_start3A = arith.constant 0 : i32
      %dma_start3A_34 = arith.constant 0 : i32
      %dma_start3A_35 = tpu.memref_slice %arg9[%run_scoped3A_14, %dma_start3A, %dma_start3A_34] : memref<2x128x128xf32, #tpu.memory_space<vmem>> -> memref<1x128x128xf32, #tpu.memory_space<vmem>>
      %dma_start3A_36 = tpu.memref_squeeze %dma_start3A_35 : memref<1x128x128xf32, #tpu.memory_space<vmem>> -> memref<128x128xf32, #tpu.memory_space<vmem>>
      %dma_start3A_37 = arith.constant 0 : i32
      %dma_start3A_38 = tpu.memref_slice %arg10[%add3A_13, %dma_start3A_37] : memref<10240x128xf32, #tpu.memory_space<vmem_shared>> -> memref<128x128xf32, #tpu.memory_space<vmem_shared>>
      %dma_start3A_39 = arith.constant 0 : i32
      %dma_start3A_40 = tpu.memref_slice %arg10[%add3A_13, %dma_start3A_39] : memref<10240x128xf32, #tpu.memory_space<vmem_shared>> -> memref<128x128xf32, #tpu.memory_space<vmem_shared>>
      %dma_start3A_41 = arith.constant 0 : i32
      %dma_start3A_42 = arith.constant 0 : i32
      %dma_start3A_43 = tpu.memref_slice %arg9[%run_scoped3A_14, %dma_start3A_41, %dma_start3A_42] : memref<2x128x128xf32, #tpu.memory_space<vmem>> -> memref<1x128x128xf32, #tpu.memory_space<vmem>>
      %dma_start3A_44 = tpu.memref_squeeze %dma_start3A_43 : memref<1x128x128xf32, #tpu.memory_space<vmem>> -> memref<128x128xf32, #tpu.memory_space<vmem>>
      tpu.enqueue_dma source(%dma_start3A_44 : memref<128x128xf32, #tpu.memory_space<vmem>>) target(%dma_start3A_40 : memref<128x128xf32, #tpu.memory_space<vmem_shared>>) target_semaphore(%run_scoped3A_33 : memref<!tpu.dma_semaphore, #tpu.memory_space<semaphore_mem>>)
      %dma_wait3A = arith.constant 0 : i32
      %dma_wait3A_45 = arith.constant 0 : i32
      %dma_wait3A_46 = tpu.memref_slice %arg9[%run_scoped3A_14, %dma_wait3A, %dma_wait3A_45] : memref<2x128x128xf32, #tpu.memory_space<vmem>> -> memref<1x128x128xf32, #tpu.memory_space<vmem>>
      %dma_wait3A_47 = tpu.memref_squeeze %dma_wait3A_46 : memref<1x128x128xf32, #tpu.memory_space<vmem>> -> memref<128x128xf32, #tpu.memory_space<vmem>>
      %dma_wait3A_48 = arith.constant 0 : i32
      %dma_wait3A_49 = tpu.memref_slice %arg10[%add3A_13, %dma_wait3A_48] : memref<10240x128xf32, #tpu.memory_space<vmem_shared>> -> memref<128x128xf32, #tpu.memory_space<vmem_shared>>
      %dma_wait3A_50 = arith.constant 0 : i32
      %dma_wait3A_51 = tpu.memref_slice %arg10[%add3A_13, %dma_wait3A_50] : memref<10240x128xf32, #tpu.memory_space<vmem_shared>> -> memref<128x128xf32, #tpu.memory_space<vmem_shared>>
      %dma_wait3A_52 = arith.constant 0 : i32
      %dma_wait3A_53 = arith.constant 0 : i32
      %dma_wait3A_54 = tpu.memref_slice %arg9[%run_scoped3A_14, %dma_wait3A_52, %dma_wait3A_53] : memref<2x128x128xf32, #tpu.memory_space<vmem>> -> memref<1x128x128xf32, #tpu.memory_space<vmem>>
      %dma_wait3A_55 = tpu.memref_squeeze %dma_wait3A_54 : memref<1x128x128xf32, #tpu.memory_space<vmem>> -> memref<128x128xf32, #tpu.memory_space<vmem>>
      tpu.wait_dma2 semaphore(%run_scoped3A_33 : memref<!tpu.dma_semaphore, #tpu.memory_space<semaphore_mem>>) src(%dma_wait3A_55 : memref<128x128xf32, #tpu.memory_space<vmem>>) dst(%dma_wait3A_51 : memref<128x128xf32, #tpu.memory_space<vmem_shared>>)
      tpu.yield
    }) : () -> ()
    %mul3A_15 = arith.constant 640 : i32
    %mul3A_16 = arith.muli %arg1, %mul3A_15 : i32
    %add3A_17 = arith.constant 384 : i32
    %add3A_18 = arith.addi %mul3A_16, %add3A_17 : i32
    %run_scoped3A_19 = arith.constant 0 : i32
    "tpu.region"() ({
      %run_scoped3A_33 = tpu.sem_alloc : memref<!tpu.dma_semaphore, #tpu.memory_space<semaphore_mem>>
      %dma_start3A = arith.constant 0 : i32
      %dma_start3A_34 = arith.constant 0 : i32
      %dma_start3A_35 = tpu.memref_slice %arg9[%run_scoped3A_19, %dma_start3A, %dma_start3A_34] : memref<2x128x128xf32, #tpu.memory_space<vmem>> -> memref<1x128x128xf32, #tpu.memory_space<vmem>>
      %dma_start3A_36 = tpu.memref_squeeze %dma_start3A_35 : memref<1x128x128xf32, #tpu.memory_space<vmem>> -> memref<128x128xf32, #tpu.memory_space<vmem>>
      %dma_start3A_37 = arith.constant 0 : i32
      %dma_start3A_38 = tpu.memref_slice %arg10[%add3A_18, %dma_start3A_37] : memref<10240x128xf32, #tpu.memory_space<vmem_shared>> -> memref<128x128xf32, #tpu.memory_space<vmem_shared>>
      %dma_start3A_39 = arith.constant 0 : i32
      %dma_start3A_40 = tpu.memref_slice %arg10[%add3A_18, %dma_start3A_39] : memref<10240x128xf32, #tpu.memory_space<vmem_shared>> -> memref<128x128xf32, #tpu.memory_space<vmem_shared>>
      %dma_start3A_41 = arith.constant 0 : i32
      %dma_start3A_42 = arith.constant 0 : i32
      %dma_start3A_43 = tpu.memref_slice %arg9[%run_scoped3A_19, %dma_start3A_41, %dma_start3A_42] : memref<2x128x128xf32, #tpu.memory_space<vmem>> -> memref<1x128x128xf32, #tpu.memory_space<vmem>>
      %dma_start3A_44 = tpu.memref_squeeze %dma_start3A_43 : memref<1x128x128xf32, #tpu.memory_space<vmem>> -> memref<128x128xf32, #tpu.memory_space<vmem>>
      tpu.enqueue_dma source(%dma_start3A_44 : memref<128x128xf32, #tpu.memory_space<vmem>>) target(%dma_start3A_40 : memref<128x128xf32, #tpu.memory_space<vmem_shared>>) target_semaphore(%run_scoped3A_33 : memref<!tpu.dma_semaphore, #tpu.memory_space<semaphore_mem>>)
      %dma_wait3A = arith.constant 0 : i32
      %dma_wait3A_45 = arith.constant 0 : i32
      %dma_wait3A_46 = tpu.memref_slice %arg9[%run_scoped3A_19, %dma_wait3A, %dma_wait3A_45] : memref<2x128x128xf32, #tpu.memory_space<vmem>> -> memref<1x128x128xf32, #tpu.memory_space<vmem>>
      %dma_wait3A_47 = tpu.memref_squeeze %dma_wait3A_46 : memref<1x128x128xf32, #tpu.memory_space<vmem>> -> memref<128x128xf32, #tpu.memory_space<vmem>>
      %dma_wait3A_48 = arith.constant 0 : i32
      %dma_wait3A_49 = tpu.memref_slice %arg10[%add3A_18, %dma_wait3A_48] : memref<10240x128xf32, #tpu.memory_space<vmem_shared>> -> memref<128x128xf32, #tpu.memory_space<vmem_shared>>
      %dma_wait3A_50 = arith.constant 0 : i32
      %dma_wait3A_51 = tpu.memref_slice %arg10[%add3A_18, %dma_wait3A_50] : memref<10240x128xf32, #tpu.memory_space<vmem_shared>> -> memref<128x128xf32, #tpu.memory_space<vmem_shared>>
      %dma_wait3A_52 = arith.constant 0 : i32
      %dma_wait3A_53 = arith.constant 0 : i32
      %dma_wait3A_54 = tpu.memref_slice %arg9[%run_scoped3A_19, %dma_wait3A_52, %dma_wait3A_53] : memref<2x128x128xf32, #tpu.memory_space<vmem>> -> memref<1x128x128xf32, #tpu.memory_space<vmem>>
      %dma_wait3A_55 = tpu.memref_squeeze %dma_wait3A_54 : memref<1x128x128xf32, #tpu.memory_space<vmem>> -> memref<128x128xf32, #tpu.memory_space<vmem>>
      tpu.wait_dma2 semaphore(%run_scoped3A_33 : memref<!tpu.dma_semaphore, #tpu.memory_space<semaphore_mem>>) src(%dma_wait3A_55 : memref<128x128xf32, #tpu.memory_space<vmem>>) dst(%dma_wait3A_51 : memref<128x128xf32, #tpu.memory_space<vmem_shared>>)
      tpu.yield
    }) : () -> ()
    %mul3A_20 = arith.constant 640 : i32
    %mul3A_21 = arith.muli %arg1, %mul3A_20 : i32
    %add3A_22 = arith.constant 512 : i32
    %add3A_23 = arith.addi %mul3A_21, %add3A_22 : i32
    %run_scoped3A_24 = arith.constant 0 : i32
    "tpu.region"() ({
      %run_scoped3A_33 = tpu.sem_alloc : memref<!tpu.dma_semaphore, #tpu.memory_space<semaphore_mem>>
      %dma_start3A = arith.constant 0 : i32
      %dma_start3A_34 = arith.constant 0 : i32
      %dma_start3A_35 = tpu.memref_slice %arg9[%run_scoped3A_24, %dma_start3A, %dma_start3A_34] : memref<2x128x128xf32, #tpu.memory_space<vmem>> -> memref<1x128x128xf32, #tpu.memory_space<vmem>>
      %dma_start3A_36 = tpu.memref_squeeze %dma_start3A_35 : memref<1x128x128xf32, #tpu.memory_space<vmem>> -> memref<128x128xf32, #tpu.memory_space<vmem>>
      %dma_start3A_37 = arith.constant 0 : i32
      %dma_start3A_38 = tpu.memref_slice %arg10[%add3A_23, %dma_start3A_37] : memref<10240x128xf32, #tpu.memory_space<vmem_shared>> -> memref<128x128xf32, #tpu.memory_space<vmem_shared>>
      %dma_start3A_39 = arith.constant 0 : i32
      %dma_start3A_40 = tpu.memref_slice %arg10[%add3A_23, %dma_start3A_39] : memref<10240x128xf32, #tpu.memory_space<vmem_shared>> -> memref<128x128xf32, #tpu.memory_space<vmem_shared>>
      %dma_start3A_41 = arith.constant 0 : i32
      %dma_start3A_42 = arith.constant 0 : i32
      %dma_start3A_43 = tpu.memref_slice %arg9[%run_scoped3A_24, %dma_start3A_41, %dma_start3A_42] : memref<2x128x128xf32, #tpu.memory_space<vmem>> -> memref<1x128x128xf32, #tpu.memory_space<vmem>>
      %dma_start3A_44 = tpu.memref_squeeze %dma_start3A_43 : memref<1x128x128xf32, #tpu.memory_space<vmem>> -> memref<128x128xf32, #tpu.memory_space<vmem>>
      tpu.enqueue_dma source(%dma_start3A_44 : memref<128x128xf32, #tpu.memory_space<vmem>>) target(%dma_start3A_40 : memref<128x128xf32, #tpu.memory_space<vmem_shared>>) target_semaphore(%run_scoped3A_33 : memref<!tpu.dma_semaphore, #tpu.memory_space<semaphore_mem>>)
      %dma_wait3A = arith.constant 0 : i32
      %dma_wait3A_45 = arith.constant 0 : i32
      %dma_wait3A_46 = tpu.memref_slice %arg9[%run_scoped3A_24, %dma_wait3A, %dma_wait3A_45] : memref<2x128x128xf32, #tpu.memory_space<vmem>> -> memref<1x128x128xf32, #tpu.memory_space<vmem>>
      %dma_wait3A_47 = tpu.memref_squeeze %dma_wait3A_46 : memref<1x128x128xf32, #tpu.memory_space<vmem>> -> memref<128x128xf32, #tpu.memory_space<vmem>>
      %dma_wait3A_48 = arith.constant 0 : i32
      %dma_wait3A_49 = tpu.memref_slice %arg10[%add3A_23, %dma_wait3A_48] : memref<10240x128xf32, #tpu.memory_space<vmem_shared>> -> memref<128x128xf32, #tpu.memory_space<vmem_shared>>
      %dma_wait3A_50 = arith.constant 0 : i32
      %dma_wait3A_51 = tpu.memref_slice %arg10[%add3A_23, %dma_wait3A_50] : memref<10240x128xf32, #tpu.memory_space<vmem_shared>> -> memref<128x128xf32, #tpu.memory_space<vmem_shared>>
      %dma_wait3A_52 = arith.constant 0 : i32
      %dma_wait3A_53 = arith.constant 0 : i32
      %dma_wait3A_54 = tpu.memref_slice %arg9[%run_scoped3A_24, %dma_wait3A_52, %dma_wait3A_53] : memref<2x128x128xf32, #tpu.memory_space<vmem>> -> memref<1x128x128xf32, #tpu.memory_space<vmem>>
      %dma_wait3A_55 = tpu.memref_squeeze %dma_wait3A_54 : memref<1x128x128xf32, #tpu.memory_space<vmem>> -> memref<128x128xf32, #tpu.memory_space<vmem>>
      tpu.wait_dma2 semaphore(%run_scoped3A_33 : memref<!tpu.dma_semaphore, #tpu.memory_space<semaphore_mem>>) src(%dma_wait3A_55 : memref<128x128xf32, #tpu.memory_space<vmem>>) dst(%dma_wait3A_51 : memref<128x128xf32, #tpu.memory_space<vmem_shared>>)
      tpu.yield
    }) : () -> ()
    %barrier3A = arith.constant 0 : index
    tpu.barrier barrier_id(%barrier3A)
    %eq3A = arith.constant 0 : i32
    %eq3A_25 = arith.cmpi eq, %arg0, %eq3A : i32
    %convert_element_type3A = arith.extui %eq3A_25 : i1 to i32
    %cond3A = arith.constant 0 : i32
    %cond3A_26 = arith.cmpi ne, %convert_element_type3A, %cond3A : i32
    scf.if %cond3A_26 {
      %mul3A_33 = arith.constant 144 : i32
      %mul3A_34 = arith.muli %arg1, %mul3A_33 : i32
      %add3A_35 = arith.constant 0 : i32
      %add3A_36 = arith.addi %add3A_35, %mul3A_34 : i32
      %add3A_37 = arith.constant 0 : i32
      %add3A_38 = arith.addi %add3A_36, %add3A_37 : i32
      "tpu.region"() ({
        %run_scoped3A_95 = tpu.sem_alloc : memref<!tpu.dma_semaphore, #tpu.memory_space<semaphore_mem>>
        %dma_start3A_96 = arith.constant 0 : i32
        %dma_start3A_97 = arith.constant 0 : i32
        %dma_start3A_98 = tpu.memref_slice %arg7[%dma_start3A_96, %dma_start3A_97] : memref<48x128xi32, #tpu.memory_space<vmem>> -> memref<48x128xi32, #tpu.memory_space<vmem>>
        %dma_start3A_99 = arith.constant 0 : i32
        %dma_start3A_100 = tpu.memref_slice %arg3[%add3A_38, %dma_start3A_99] : memref<2560x128xi32, #tpu.memory_space<hbm>> -> memref<48x128xi32, #tpu.memory_space<hbm>>
        %dma_start3A_101 = arith.constant 0 : i32
        %dma_start3A_102 = arith.constant 0 : i32
        %dma_start3A_103 = tpu.memref_slice %arg7[%dma_start3A_101, %dma_start3A_102] : memref<48x128xi32, #tpu.memory_space<vmem>> -> memref<48x128xi32, #tpu.memory_space<vmem>>
        %dma_start3A_104 = arith.constant 0 : i32
        %dma_start3A_105 = tpu.memref_slice %arg3[%add3A_38, %dma_start3A_104] : memref<2560x128xi32, #tpu.memory_space<hbm>> -> memref<48x128xi32, #tpu.memory_space<hbm>>
        tpu.enqueue_dma source(%dma_start3A_105 : memref<48x128xi32, #tpu.memory_space<hbm>>) target(%dma_start3A_103 : memref<48x128xi32, #tpu.memory_space<vmem>>) target_semaphore(%run_scoped3A_95 : memref<!tpu.dma_semaphore, #tpu.memory_space<semaphore_mem>>)
        %dma_wait3A = arith.constant 0 : i32
        %dma_wait3A_106 = arith.constant 0 : i32
        %dma_wait3A_107 = tpu.memref_slice %arg7[%dma_wait3A, %dma_wait3A_106] : memref<48x128xi32, #tpu.memory_space<vmem>> -> memref<48x128xi32, #tpu.memory_space<vmem>>
        %dma_wait3A_108 = arith.constant 0 : i32
        %dma_wait3A_109 = tpu.memref_slice %arg3[%add3A_38, %dma_wait3A_108] : memref<2560x128xi32, #tpu.memory_space<hbm>> -> memref<48x128xi32, #tpu.memory_space<hbm>>
        %dma_wait3A_110 = arith.constant 0 : i32
        %dma_wait3A_111 = arith.constant 0 : i32
        %dma_wait3A_112 = tpu.memref_slice %arg7[%dma_wait3A_110, %dma_wait3A_111] : memref<48x128xi32, #tpu.memory_space<vmem>> -> memref<48x128xi32, #tpu.memory_space<vmem>>
        %dma_wait3A_113 = arith.constant 0 : i32
        %dma_wait3A_114 = tpu.memref_slice %arg3[%add3A_38, %dma_wait3A_113] : memref<2560x128xi32, #tpu.memory_space<hbm>> -> memref<48x128xi32, #tpu.memory_space<hbm>>
        tpu.wait_dma2 semaphore(%run_scoped3A_95 : memref<!tpu.dma_semaphore, #tpu.memory_space<semaphore_mem>>) src(%dma_wait3A_114 : memref<48x128xi32, #tpu.memory_space<hbm>>) dst(%dma_wait3A_112 : memref<48x128xi32, #tpu.memory_space<vmem>>)
        tpu.yield
      }) : () -> ()
      "tpu.region"() ({
        %run_scoped3A_95 = tpu.sem_alloc : memref<!tpu.dma_semaphore, #tpu.memory_space<semaphore_mem>>
        %dma_start3A_96 = arith.constant 0 : i32
        %dma_start3A_97 = arith.constant 0 : i32
        %dma_start3A_98 = tpu.memref_slice %arg8[%dma_start3A_96, %dma_start3A_97] : memref<48x128xi32, #tpu.memory_space<vmem>> -> memref<48x128xi32, #tpu.memory_space<vmem>>
        %dma_start3A_99 = arith.constant 0 : i32
        %dma_start3A_100 = tpu.memref_slice %arg4[%add3A_38, %dma_start3A_99] : memref<2560x128xi32, #tpu.memory_space<hbm>> -> memref<48x128xi32, #tpu.memory_space<hbm>>
        %dma_start3A_101 = arith.constant 0 : i32
        %dma_start3A_102 = arith.constant 0 : i32
        %dma_start3A_103 = tpu.memref_slice %arg8[%dma_start3A_101, %dma_start3A_102] : memref<48x128xi32, #tpu.memory_space<vmem>> -> memref<48x128xi32, #tpu.memory_space<vmem>>
        %dma_start3A_104 = arith.constant 0 : i32
        %dma_start3A_105 = tpu.memref_slice %arg4[%add3A_38, %dma_start3A_104] : memref<2560x128xi32, #tpu.memory_space<hbm>> -> memref<48x128xi32, #tpu.memory_space<hbm>>
        tpu.enqueue_dma source(%dma_start3A_105 : memref<48x128xi32, #tpu.memory_space<hbm>>) target(%dma_start3A_103 : memref<48x128xi32, #tpu.memory_space<vmem>>) target_semaphore(%run_scoped3A_95 : memref<!tpu.dma_semaphore, #tpu.memory_space<semaphore_mem>>)
        %dma_wait3A = arith.constant 0 : i32
        %dma_wait3A_106 = arith.constant 0 : i32
        %dma_wait3A_107 = tpu.memref_slice %arg8[%dma_wait3A, %dma_wait3A_106] : memref<48x128xi32, #tpu.memory_space<vmem>> -> memref<48x128xi32, #tpu.memory_space<vmem>>
        %dma_wait3A_108 = arith.constant 0 : i32
        %dma_wait3A_109 = tpu.memref_slice %arg4[%add3A_38, %dma_wait3A_108] : memref<2560x128xi32, #tpu.memory_space<hbm>> -> memref<48x128xi32, #tpu.memory_space<hbm>>
        %dma_wait3A_110 = arith.constant 0 : i32
        %dma_wait3A_111 = arith.constant 0 : i32
        %dma_wait3A_112 = tpu.memref_slice %arg8[%dma_wait3A_110, %dma_wait3A_111] : memref<48x128xi32, #tpu.memory_space<vmem>> -> memref<48x128xi32, #tpu.memory_space<vmem>>
        %dma_wait3A_113 = arith.constant 0 : i32
        %dma_wait3A_114 = tpu.memref_slice %arg4[%add3A_38, %dma_wait3A_113] : memref<2560x128xi32, #tpu.memory_space<hbm>> -> memref<48x128xi32, #tpu.memory_space<hbm>>
        tpu.wait_dma2 semaphore(%run_scoped3A_95 : memref<!tpu.dma_semaphore, #tpu.memory_space<semaphore_mem>>) src(%dma_wait3A_114 : memref<48x128xi32, #tpu.memory_space<hbm>>) dst(%dma_wait3A_112 : memref<48x128xi32, #tpu.memory_space<vmem>>)
        tpu.yield
      }) : () -> ()
      %dma_start3A = arith.constant 0 : i32
      %dma_start3A_39 = arith.constant 0 : i32
      %dma_start3A_40 = arith.constant 0 : i32
      %dma_start3A_41 = arith.constant 0 : i32
      %dma_start3A_42 = tpu.memref_slice %arg9[%dma_start3A_39, %dma_start3A_40, %dma_start3A_41] : memref<2x128x128xf32, #tpu.memory_space<vmem>> -> memref<1x128x128xf32, #tpu.memory_space<vmem>>
      %dma_start3A_43 = tpu.memref_squeeze %dma_start3A_42 : memref<1x128x128xf32, #tpu.memory_space<vmem>> -> memref<128x128xf32, #tpu.memory_space<vmem>>
      %dma_start3A_44 = arith.constant 0 : i32
      %dma_start3A_45 = tpu.memref_slice %arg7[%dma_start3A, %dma_start3A_44] : memref<48x128xi32, #tpu.memory_space<vmem>> -> memref<1x128xi32, #tpu.memory_space<vmem>>
      %dma_start3A_46 = tpu.memref_squeeze %dma_start3A_45 : memref<1x128xi32, #tpu.memory_space<vmem>> -> memref<128xi32, #tpu.memory_space<vmem>>
      %dma_start3A_47 = arith.constant 0 : i32
      %dma_start3A_48 = arith.constant 0 : i32
      %dma_start3A_49 = tpu.memref_slice %arg2[%dma_start3A_47, %dma_start3A_48] : memref<10000x128xf32, #tpu.memory_space<hbm>> -> memref<10000x128xf32, #tpu.memory_space<hbm>>
      tpu.enqueue_indirect_dma source(%dma_start3A_49 : memref<10000x128xf32, #tpu.memory_space<hbm>>) target(%dma_start3A_43 : memref<128x128xf32, #tpu.memory_space<vmem>>) offsets(%dma_start3A_46 : memref<128xi32, #tpu.memory_space<vmem>>) semaphore(%arg11 : memref<!tpu.dma_semaphore, #tpu.memory_space<semaphore_mem>>)
      %scan3A = arith.constant 0 : i32
      %scan3A_50 = arith.constant 0 : i32
      %scan3A_51 = arith.constant 48 : i32
      %scan3A_52 = arith.addi %scan3A_50, %scan3A_51 : i32
      %scan3A_53 = arith.constant 1 : i32
      scf.for %scan3A_95 = %scan3A_50 to %scan3A_52 step %scan3A_53  : i32 {
        %rem3A = arith.constant 2 : i32
        %rem3A_96 = arith.remsi %scan3A_95, %rem3A : i32
        %dma_wait3A = arith.constant 0 : i32
        %dma_wait3A_97 = arith.constant 0 : i32
        %dma_wait3A_98 = tpu.memref_slice %arg9[%rem3A_96, %dma_wait3A, %dma_wait3A_97] : memref<2x128x128xf32, #tpu.memory_space<vmem>> -> memref<1x128x128xf32, #tpu.memory_space<vmem>>
        %dma_wait3A_99 = tpu.memref_squeeze %dma_wait3A_98 : memref<1x128x128xf32, #tpu.memory_space<vmem>> -> memref<128x128xf32, #tpu.memory_space<vmem>>
        %dma_wait3A_100 = arith.constant 0 : i32
        %dma_wait3A_101 = tpu.memref_slice %arg7[%scan3A_95, %dma_wait3A_100] : memref<48x128xi32, #tpu.memory_space<vmem>> -> memref<1x128xi32, #tpu.memory_space<vmem>>
        %dma_wait3A_102 = tpu.memref_squeeze %dma_wait3A_101 : memref<1x128xi32, #tpu.memory_space<vmem>> -> memref<128xi32, #tpu.memory_space<vmem>>
        %dma_wait3A_103 = arith.constant 0 : i32
        %dma_wait3A_104 = arith.constant 0 : i32
        %dma_wait3A_105 = tpu.memref_slice %arg2[%dma_wait3A_103, %dma_wait3A_104] : memref<10000x128xf32, #tpu.memory_space<hbm>> -> memref<10000x128xf32, #tpu.memory_space<hbm>>
        tpu.wait_indirect_dma semaphore(%arg11 : memref<!tpu.dma_semaphore, #tpu.memory_space<semaphore_mem>>) src(%dma_wait3A_105 : memref<10000x128xf32, #tpu.memory_space<hbm>>) dst(%dma_wait3A_99 : memref<128x128xf32, #tpu.memory_space<vmem>>)
        %lt3A = arith.constant 47 : i32
        %lt3A_106 = arith.cmpi slt, %scan3A_95, %lt3A : i32
        %convert_element_type3A_107 = arith.extui %lt3A_106 : i1 to i32
        %cond3A_108 = arith.constant 0 : i32
        %cond3A_109 = arith.cmpi ne, %convert_element_type3A_107, %cond3A_108 : i32
        scf.if %cond3A_109 {
          %add3A_110 = arith.constant 1 : i32
          %add3A_111 = arith.addi %scan3A_95, %add3A_110 : i32
          %sub3A = arith.constant 1 : i32
          %sub3A_112 = arith.subi %sub3A, %rem3A_96 : i32
          %dma_start3A_113 = arith.constant 0 : i32
          %dma_start3A_114 = arith.constant 0 : i32
          %dma_start3A_115 = tpu.memref_slice %arg9[%sub3A_112, %dma_start3A_113, %dma_start3A_114] : memref<2x128x128xf32, #tpu.memory_space<vmem>> -> memref<1x128x128xf32, #tpu.memory_space<vmem>>
          %dma_start3A_116 = tpu.memref_squeeze %dma_start3A_115 : memref<1x128x128xf32, #tpu.memory_space<vmem>> -> memref<128x128xf32, #tpu.memory_space<vmem>>
          %dma_start3A_117 = arith.constant 0 : i32
          %dma_start3A_118 = tpu.memref_slice %arg7[%add3A_111, %dma_start3A_117] : memref<48x128xi32, #tpu.memory_space<vmem>> -> memref<1x128xi32, #tpu.memory_space<vmem>>
          %dma_start3A_119 = tpu.memref_squeeze %dma_start3A_118 : memref<1x128xi32, #tpu.memory_space<vmem>> -> memref<128xi32, #tpu.memory_space<vmem>>
          %dma_start3A_120 = arith.constant 0 : i32
          %dma_start3A_121 = arith.constant 0 : i32
          %dma_start3A_122 = tpu.memref_slice %arg2[%dma_start3A_120, %dma_start3A_121] : memref<10000x128xf32, #tpu.memory_space<hbm>> -> memref<10000x128xf32, #tpu.memory_space<hbm>>
          tpu.enqueue_indirect_dma source(%dma_start3A_122 : memref<10000x128xf32, #tpu.memory_space<hbm>>) target(%dma_start3A_116 : memref<128x128xf32, #tpu.memory_space<vmem>>) offsets(%dma_start3A_119 : memref<128xi32, #tpu.memory_space<vmem>>) semaphore(%arg11 : memref<!tpu.dma_semaphore, #tpu.memory_space<semaphore_mem>>)
        } else {
        }
        "tpu.region"() ({
          %run_scoped3A_110 = tpu.sem_alloc : memref<!tpu.dma_semaphore, #tpu.memory_space<semaphore_mem>>
          %dma_start3A_111 = arith.constant 0 : i32
          %dma_start3A_112 = arith.constant 0 : i32
          %dma_start3A_113 = tpu.memref_slice %arg9[%rem3A_96, %dma_start3A_111, %dma_start3A_112] : memref<2x128x128xf32, #tpu.memory_space<vmem>> -> memref<1x128x128xf32, #tpu.memory_space<vmem>>
          %dma_start3A_114 = tpu.memref_squeeze %dma_start3A_113 : memref<1x128x128xf32, #tpu.memory_space<vmem>> -> memref<128x128xf32, #tpu.memory_space<vmem>>
          %dma_start3A_115 = arith.constant 0 : i32
          %dma_start3A_116 = tpu.memref_slice %arg8[%scan3A_95, %dma_start3A_115] : memref<48x128xi32, #tpu.memory_space<vmem>> -> memref<1x128xi32, #tpu.memory_space<vmem>>
          %dma_start3A_117 = tpu.memref_squeeze %dma_start3A_116 : memref<1x128xi32, #tpu.memory_space<vmem>> -> memref<128xi32, #tpu.memory_space<vmem>>
          %dma_start3A_118 = arith.constant 0 : i32
          %dma_start3A_119 = arith.constant 0 : i32
          %dma_start3A_120 = tpu.memref_slice %arg10[%dma_start3A_118, %dma_start3A_119] : memref<10240x128xf32, #tpu.memory_space<vmem_shared>> -> memref<10240x128xf32, #tpu.memory_space<vmem_shared>>
          tpu.enqueue_indirect_dma source(%dma_start3A_114 : memref<128x128xf32, #tpu.memory_space<vmem>>) target(%dma_start3A_120 : memref<10240x128xf32, #tpu.memory_space<vmem_shared>>) offsets(%dma_start3A_117 : memref<128xi32, #tpu.memory_space<vmem>>) semaphore(%run_scoped3A_110 : memref<!tpu.dma_semaphore, #tpu.memory_space<semaphore_mem>>) {add = true}
          %dma_wait3A_121 = arith.constant 0 : i32
          %dma_wait3A_122 = arith.constant 0 : i32
          %dma_wait3A_123 = tpu.memref_slice %arg9[%rem3A_96, %dma_wait3A_121, %dma_wait3A_122] : memref<2x128x128xf32, #tpu.memory_space<vmem>> -> memref<1x128x128xf32, #tpu.memory_space<vmem>>
          %dma_wait3A_124 = tpu.memref_squeeze %dma_wait3A_123 : memref<1x128x128xf32, #tpu.memory_space<vmem>> -> memref<128x128xf32, #tpu.memory_space<vmem>>
          %dma_wait3A_125 = arith.constant 0 : i32
          %dma_wait3A_126 = tpu.memref_slice %arg8[%scan3A_95, %dma_wait3A_125] : memref<48x128xi32, #tpu.memory_space<vmem>> -> memref<1x128xi32, #tpu.memory_space<vmem>>
          %dma_wait3A_127 = tpu.memref_squeeze %dma_wait3A_126 : memref<1x128xi32, #tpu.memory_space<vmem>> -> memref<128xi32, #tpu.memory_space<vmem>>
          %dma_wait3A_128 = arith.constant 0 : i32
          %dma_wait3A_129 = arith.constant 0 : i32
          %dma_wait3A_130 = tpu.memref_slice %arg10[%dma_wait3A_128, %dma_wait3A_129] : memref<10240x128xf32, #tpu.memory_space<vmem_shared>> -> memref<10240x128xf32, #tpu.memory_space<vmem_shared>>
          tpu.wait_indirect_dma semaphore(%run_scoped3A_110 : memref<!tpu.dma_semaphore, #tpu.memory_space<semaphore_mem>>) src(%dma_wait3A_124 : memref<128x128xf32, #tpu.memory_space<vmem>>) dst(%dma_wait3A_130 : memref<10240x128xf32, #tpu.memory_space<vmem_shared>>)
          tpu.yield
        }) : () -> ()
      }
      %scan3A_54 = arith.constant 48 : i32
      %add3A_55 = arith.constant 48 : i32
      %add3A_56 = arith.addi %add3A_36, %add3A_55 : i32
      "tpu.region"() ({
        %run_scoped3A_95 = tpu.sem_alloc : memref<!tpu.dma_semaphore, #tpu.memory_space<semaphore_mem>>
        %dma_start3A_96 = arith.constant 0 : i32
        %dma_start3A_97 = arith.constant 0 : i32
        %dma_start3A_98 = tpu.memref_slice %arg7[%dma_start3A_96, %dma_start3A_97] : memref<48x128xi32, #tpu.memory_space<vmem>> -> memref<48x128xi32, #tpu.memory_space<vmem>>
        %dma_start3A_99 = arith.constant 0 : i32
        %dma_start3A_100 = tpu.memref_slice %arg3[%add3A_56, %dma_start3A_99] : memref<2560x128xi32, #tpu.memory_space<hbm>> -> memref<48x128xi32, #tpu.memory_space<hbm>>
        %dma_start3A_101 = arith.constant 0 : i32
        %dma_start3A_102 = arith.constant 0 : i32
        %dma_start3A_103 = tpu.memref_slice %arg7[%dma_start3A_101, %dma_start3A_102] : memref<48x128xi32, #tpu.memory_space<vmem>> -> memref<48x128xi32, #tpu.memory_space<vmem>>
        %dma_start3A_104 = arith.constant 0 : i32
        %dma_start3A_105 = tpu.memref_slice %arg3[%add3A_56, %dma_start3A_104] : memref<2560x128xi32, #tpu.memory_space<hbm>> -> memref<48x128xi32, #tpu.memory_space<hbm>>
        tpu.enqueue_dma source(%dma_start3A_105 : memref<48x128xi32, #tpu.memory_space<hbm>>) target(%dma_start3A_103 : memref<48x128xi32, #tpu.memory_space<vmem>>) target_semaphore(%run_scoped3A_95 : memref<!tpu.dma_semaphore, #tpu.memory_space<semaphore_mem>>)
        %dma_wait3A = arith.constant 0 : i32
        %dma_wait3A_106 = arith.constant 0 : i32
        %dma_wait3A_107 = tpu.memref_slice %arg7[%dma_wait3A, %dma_wait3A_106] : memref<48x128xi32, #tpu.memory_space<vmem>> -> memref<48x128xi32, #tpu.memory_space<vmem>>
        %dma_wait3A_108 = arith.constant 0 : i32
        %dma_wait3A_109 = tpu.memref_slice %arg3[%add3A_56, %dma_wait3A_108] : memref<2560x128xi32, #tpu.memory_space<hbm>> -> memref<48x128xi32, #tpu.memory_space<hbm>>
        %dma_wait3A_110 = arith.constant 0 : i32
        %dma_wait3A_111 = arith.constant 0 : i32
        %dma_wait3A_112 = tpu.memref_slice %arg7[%dma_wait3A_110, %dma_wait3A_111] : memref<48x128xi32, #tpu.memory_space<vmem>> -> memref<48x128xi32, #tpu.memory_space<vmem>>
        %dma_wait3A_113 = arith.constant 0 : i32
        %dma_wait3A_114 = tpu.memref_slice %arg3[%add3A_56, %dma_wait3A_113] : memref<2560x128xi32, #tpu.memory_space<hbm>> -> memref<48x128xi32, #tpu.memory_space<hbm>>
        tpu.wait_dma2 semaphore(%run_scoped3A_95 : memref<!tpu.dma_semaphore, #tpu.memory_space<semaphore_mem>>) src(%dma_wait3A_114 : memref<48x128xi32, #tpu.memory_space<hbm>>) dst(%dma_wait3A_112 : memref<48x128xi32, #tpu.memory_space<vmem>>)
        tpu.yield
      }) : () -> ()
      "tpu.region"() ({
        %run_scoped3A_95 = tpu.sem_alloc : memref<!tpu.dma_semaphore, #tpu.memory_space<semaphore_mem>>
        %dma_start3A_96 = arith.constant 0 : i32
        %dma_start3A_97 = arith.constant 0 : i32
        %dma_start3A_98 = tpu.memref_slice %arg8[%dma_start3A_96, %dma_start3A_97] : memref<48x128xi32, #tpu.memory_space<vmem>> -> memref<48x128xi32, #tpu.memory_space<vmem>>
        %dma_start3A_99 = arith.constant 0 : i32
        %dma_start3A_100 = tpu.memref_slice %arg4[%add3A_56, %dma_start3A_99] : memref<2560x128xi32, #tpu.memory_space<hbm>> -> memref<48x128xi32, #tpu.memory_space<hbm>>
        %dma_start3A_101 = arith.constant 0 : i32
        %dma_start3A_102 = arith.constant 0 : i32
        %dma_start3A_103 = tpu.memref_slice %arg8[%dma_start3A_101, %dma_start3A_102] : memref<48x128xi32, #tpu.memory_space<vmem>> -> memref<48x128xi32, #tpu.memory_space<vmem>>
        %dma_start3A_104 = arith.constant 0 : i32
        %dma_start3A_105 = tpu.memref_slice %arg4[%add3A_56, %dma_start3A_104] : memref<2560x128xi32, #tpu.memory_space<hbm>> -> memref<48x128xi32, #tpu.memory_space<hbm>>
        tpu.enqueue_dma source(%dma_start3A_105 : memref<48x128xi32, #tpu.memory_space<hbm>>) target(%dma_start3A_103 : memref<48x128xi32, #tpu.memory_space<vmem>>) target_semaphore(%run_scoped3A_95 : memref<!tpu.dma_semaphore, #tpu.memory_space<semaphore_mem>>)
        %dma_wait3A = arith.constant 0 : i32
        %dma_wait3A_106 = arith.constant 0 : i32
        %dma_wait3A_107 = tpu.memref_slice %arg8[%dma_wait3A, %dma_wait3A_106] : memref<48x128xi32, #tpu.memory_space<vmem>> -> memref<48x128xi32, #tpu.memory_space<vmem>>
        %dma_wait3A_108 = arith.constant 0 : i32
        %dma_wait3A_109 = tpu.memref_slice %arg4[%add3A_56, %dma_wait3A_108] : memref<2560x128xi32, #tpu.memory_space<hbm>> -> memref<48x128xi32, #tpu.memory_space<hbm>>
        %dma_wait3A_110 = arith.constant 0 : i32
        %dma_wait3A_111 = arith.constant 0 : i32
        %dma_wait3A_112 = tpu.memref_slice %arg8[%dma_wait3A_110, %dma_wait3A_111] : memref<48x128xi32, #tpu.memory_space<vmem>> -> memref<48x128xi32, #tpu.memory_space<vmem>>
        %dma_wait3A_113 = arith.constant 0 : i32
        %dma_wait3A_114 = tpu.memref_slice %arg4[%add3A_56, %dma_wait3A_113] : memref<2560x128xi32, #tpu.memory_space<hbm>> -> memref<48x128xi32, #tpu.memory_space<hbm>>
        tpu.wait_dma2 semaphore(%run_scoped3A_95 : memref<!tpu.dma_semaphore, #tpu.memory_space<semaphore_mem>>) src(%dma_wait3A_114 : memref<48x128xi32, #tpu.memory_space<hbm>>) dst(%dma_wait3A_112 : memref<48x128xi32, #tpu.memory_space<vmem>>)
        tpu.yield
      }) : () -> ()
      %dma_start3A_57 = arith.constant 0 : i32
      %dma_start3A_58 = arith.constant 0 : i32
      %dma_start3A_59 = arith.constant 0 : i32
      %dma_start3A_60 = arith.constant 0 : i32
      %dma_start3A_61 = tpu.memref_slice %arg9[%dma_start3A_58, %dma_start3A_59, %dma_start3A_60] : memref<2x128x128xf32, #tpu.memory_space<vmem>> -> memref<1x128x128xf32, #tpu.memory_space<vmem>>
      %dma_start3A_62 = tpu.memref_squeeze %dma_start3A_61 : memref<1x128x128xf32, #tpu.memory_space<vmem>> -> memref<128x128xf32, #tpu.memory_space<vmem>>
      %dma_start3A_63 = arith.constant 0 : i32
      %dma_start3A_64 = tpu.memref_slice %arg7[%dma_start3A_57, %dma_start3A_63] : memref<48x128xi32, #tpu.memory_space<vmem>> -> memref<1x128xi32, #tpu.memory_space<vmem>>
      %dma_start3A_65 = tpu.memref_squeeze %dma_start3A_64 : memref<1x128xi32, #tpu.memory_space<vmem>> -> memref<128xi32, #tpu.memory_space<vmem>>
      %dma_start3A_66 = arith.constant 0 : i32
      %dma_start3A_67 = arith.constant 0 : i32
      %dma_start3A_68 = tpu.memref_slice %arg2[%dma_start3A_66, %dma_start3A_67] : memref<10000x128xf32, #tpu.memory_space<hbm>> -> memref<10000x128xf32, #tpu.memory_space<hbm>>
      tpu.enqueue_indirect_dma source(%dma_start3A_68 : memref<10000x128xf32, #tpu.memory_space<hbm>>) target(%dma_start3A_62 : memref<128x128xf32, #tpu.memory_space<vmem>>) offsets(%dma_start3A_65 : memref<128xi32, #tpu.memory_space<vmem>>) semaphore(%arg11 : memref<!tpu.dma_semaphore, #tpu.memory_space<semaphore_mem>>)
      %scan3A_69 = arith.constant 0 : i32
      %scan3A_70 = arith.constant 0 : i32
      %scan3A_71 = arith.constant 48 : i32
      %scan3A_72 = arith.addi %scan3A_70, %scan3A_71 : i32
      %scan3A_73 = arith.constant 1 : i32
      scf.for %scan3A_95 = %scan3A_70 to %scan3A_72 step %scan3A_73  : i32 {
        %rem3A = arith.constant 2 : i32
        %rem3A_96 = arith.remsi %scan3A_95, %rem3A : i32
        %dma_wait3A = arith.constant 0 : i32
        %dma_wait3A_97 = arith.constant 0 : i32
        %dma_wait3A_98 = tpu.memref_slice %arg9[%rem3A_96, %dma_wait3A, %dma_wait3A_97] : memref<2x128x128xf32, #tpu.memory_space<vmem>> -> memref<1x128x128xf32, #tpu.memory_space<vmem>>
        %dma_wait3A_99 = tpu.memref_squeeze %dma_wait3A_98 : memref<1x128x128xf32, #tpu.memory_space<vmem>> -> memref<128x128xf32, #tpu.memory_space<vmem>>
        %dma_wait3A_100 = arith.constant 0 : i32
        %dma_wait3A_101 = tpu.memref_slice %arg7[%scan3A_95, %dma_wait3A_100] : memref<48x128xi32, #tpu.memory_space<vmem>> -> memref<1x128xi32, #tpu.memory_space<vmem>>
        %dma_wait3A_102 = tpu.memref_squeeze %dma_wait3A_101 : memref<1x128xi32, #tpu.memory_space<vmem>> -> memref<128xi32, #tpu.memory_space<vmem>>
        %dma_wait3A_103 = arith.constant 0 : i32
        %dma_wait3A_104 = arith.constant 0 : i32
        %dma_wait3A_105 = tpu.memref_slice %arg2[%dma_wait3A_103, %dma_wait3A_104] : memref<10000x128xf32, #tpu.memory_space<hbm>> -> memref<10000x128xf32, #tpu.memory_space<hbm>>
        tpu.wait_indirect_dma semaphore(%arg11 : memref<!tpu.dma_semaphore, #tpu.memory_space<semaphore_mem>>) src(%dma_wait3A_105 : memref<10000x128xf32, #tpu.memory_space<hbm>>) dst(%dma_wait3A_99 : memref<128x128xf32, #tpu.memory_space<vmem>>)
        %lt3A = arith.constant 47 : i32
        %lt3A_106 = arith.cmpi slt, %scan3A_95, %lt3A : i32
        %convert_element_type3A_107 = arith.extui %lt3A_106 : i1 to i32
        %cond3A_108 = arith.constant 0 : i32
        %cond3A_109 = arith.cmpi ne, %convert_element_type3A_107, %cond3A_108 : i32
        scf.if %cond3A_109 {
          %add3A_110 = arith.constant 1 : i32
          %add3A_111 = arith.addi %scan3A_95, %add3A_110 : i32
          %sub3A = arith.constant 1 : i32
          %sub3A_112 = arith.subi %sub3A, %rem3A_96 : i32
          %dma_start3A_113 = arith.constant 0 : i32
          %dma_start3A_114 = arith.constant 0 : i32
          %dma_start3A_115 = tpu.memref_slice %arg9[%sub3A_112, %dma_start3A_113, %dma_start3A_114] : memref<2x128x128xf32, #tpu.memory_space<vmem>> -> memref<1x128x128xf32, #tpu.memory_space<vmem>>
          %dma_start3A_116 = tpu.memref_squeeze %dma_start3A_115 : memref<1x128x128xf32, #tpu.memory_space<vmem>> -> memref<128x128xf32, #tpu.memory_space<vmem>>
          %dma_start3A_117 = arith.constant 0 : i32
          %dma_start3A_118 = tpu.memref_slice %arg7[%add3A_111, %dma_start3A_117] : memref<48x128xi32, #tpu.memory_space<vmem>> -> memref<1x128xi32, #tpu.memory_space<vmem>>
          %dma_start3A_119 = tpu.memref_squeeze %dma_start3A_118 : memref<1x128xi32, #tpu.memory_space<vmem>> -> memref<128xi32, #tpu.memory_space<vmem>>
          %dma_start3A_120 = arith.constant 0 : i32
          %dma_start3A_121 = arith.constant 0 : i32
          %dma_start3A_122 = tpu.memref_slice %arg2[%dma_start3A_120, %dma_start3A_121] : memref<10000x128xf32, #tpu.memory_space<hbm>> -> memref<10000x128xf32, #tpu.memory_space<hbm>>
          tpu.enqueue_indirect_dma source(%dma_start3A_122 : memref<10000x128xf32, #tpu.memory_space<hbm>>) target(%dma_start3A_116 : memref<128x128xf32, #tpu.memory_space<vmem>>) offsets(%dma_start3A_119 : memref<128xi32, #tpu.memory_space<vmem>>) semaphore(%arg11 : memref<!tpu.dma_semaphore, #tpu.memory_space<semaphore_mem>>)
        } else {
        }
        "tpu.region"() ({
          %run_scoped3A_110 = tpu.sem_alloc : memref<!tpu.dma_semaphore, #tpu.memory_space<semaphore_mem>>
          %dma_start3A_111 = arith.constant 0 : i32
          %dma_start3A_112 = arith.constant 0 : i32
          %dma_start3A_113 = tpu.memref_slice %arg9[%rem3A_96, %dma_start3A_111, %dma_start3A_112] : memref<2x128x128xf32, #tpu.memory_space<vmem>> -> memref<1x128x128xf32, #tpu.memory_space<vmem>>
          %dma_start3A_114 = tpu.memref_squeeze %dma_start3A_113 : memref<1x128x128xf32, #tpu.memory_space<vmem>> -> memref<128x128xf32, #tpu.memory_space<vmem>>
          %dma_start3A_115 = arith.constant 0 : i32
          %dma_start3A_116 = tpu.memref_slice %arg8[%scan3A_95, %dma_start3A_115] : memref<48x128xi32, #tpu.memory_space<vmem>> -> memref<1x128xi32, #tpu.memory_space<vmem>>
          %dma_start3A_117 = tpu.memref_squeeze %dma_start3A_116 : memref<1x128xi32, #tpu.memory_space<vmem>> -> memref<128xi32, #tpu.memory_space<vmem>>
          %dma_start3A_118 = arith.constant 0 : i32
          %dma_start3A_119 = arith.constant 0 : i32
          %dma_start3A_120 = tpu.memref_slice %arg10[%dma_start3A_118, %dma_start3A_119] : memref<10240x128xf32, #tpu.memory_space<vmem_shared>> -> memref<10240x128xf32, #tpu.memory_space<vmem_shared>>
          tpu.enqueue_indirect_dma source(%dma_start3A_114 : memref<128x128xf32, #tpu.memory_space<vmem>>) target(%dma_start3A_120 : memref<10240x128xf32, #tpu.memory_space<vmem_shared>>) offsets(%dma_start3A_117 : memref<128xi32, #tpu.memory_space<vmem>>) semaphore(%run_scoped3A_110 : memref<!tpu.dma_semaphore, #tpu.memory_space<semaphore_mem>>) {add = true}
          %dma_wait3A_121 = arith.constant 0 : i32
          %dma_wait3A_122 = arith.constant 0 : i32
          %dma_wait3A_123 = tpu.memref_slice %arg9[%rem3A_96, %dma_wait3A_121, %dma_wait3A_122] : memref<2x128x128xf32, #tpu.memory_space<vmem>> -> memref<1x128x128xf32, #tpu.memory_space<vmem>>
          %dma_wait3A_124 = tpu.memref_squeeze %dma_wait3A_123 : memref<1x128x128xf32, #tpu.memory_space<vmem>> -> memref<128x128xf32, #tpu.memory_space<vmem>>
          %dma_wait3A_125 = arith.constant 0 : i32
          %dma_wait3A_126 = tpu.memref_slice %arg8[%scan3A_95, %dma_wait3A_125] : memref<48x128xi32, #tpu.memory_space<vmem>> -> memref<1x128xi32, #tpu.memory_space<vmem>>
          %dma_wait3A_127 = tpu.memref_squeeze %dma_wait3A_126 : memref<1x128xi32, #tpu.memory_space<vmem>> -> memref<128xi32, #tpu.memory_space<vmem>>
          %dma_wait3A_128 = arith.constant 0 : i32
          %dma_wait3A_129 = arith.constant 0 : i32
          %dma_wait3A_130 = tpu.memref_slice %arg10[%dma_wait3A_128, %dma_wait3A_129] : memref<10240x128xf32, #tpu.memory_space<vmem_shared>> -> memref<10240x128xf32, #tpu.memory_space<vmem_shared>>
          tpu.wait_indirect_dma semaphore(%run_scoped3A_110 : memref<!tpu.dma_semaphore, #tpu.memory_space<semaphore_mem>>) src(%dma_wait3A_124 : memref<128x128xf32, #tpu.memory_space<vmem>>) dst(%dma_wait3A_130 : memref<10240x128xf32, #tpu.memory_space<vmem_shared>>)
          tpu.yield
        }) : () -> ()
      }
      %scan3A_74 = arith.constant 48 : i32
      %add3A_75 = arith.constant 96 : i32
      %add3A_76 = arith.addi %add3A_36, %add3A_75 : i32
      "tpu.region"() ({
        %run_scoped3A_95 = tpu.sem_alloc : memref<!tpu.dma_semaphore, #tpu.memory_space<semaphore_mem>>
        %dma_start3A_96 = arith.constant 0 : i32
        %dma_start3A_97 = arith.constant 0 : i32
        %dma_start3A_98 = tpu.memref_slice %arg7[%dma_start3A_96, %dma_start3A_97] : memref<48x128xi32, #tpu.memory_space<vmem>> -> memref<48x128xi32, #tpu.memory_space<vmem>>
        %dma_start3A_99 = arith.constant 0 : i32
        %dma_start3A_100 = tpu.memref_slice %arg3[%add3A_76, %dma_start3A_99] : memref<2560x128xi32, #tpu.memory_space<hbm>> -> memref<48x128xi32, #tpu.memory_space<hbm>>
        %dma_start3A_101 = arith.constant 0 : i32
        %dma_start3A_102 = arith.constant 0 : i32
        %dma_start3A_103 = tpu.memref_slice %arg7[%dma_start3A_101, %dma_start3A_102] : memref<48x128xi32, #tpu.memory_space<vmem>> -> memref<48x128xi32, #tpu.memory_space<vmem>>
        %dma_start3A_104 = arith.constant 0 : i32
        %dma_start3A_105 = tpu.memref_slice %arg3[%add3A_76, %dma_start3A_104] : memref<2560x128xi32, #tpu.memory_space<hbm>> -> memref<48x128xi32, #tpu.memory_space<hbm>>
        tpu.enqueue_dma source(%dma_start3A_105 : memref<48x128xi32, #tpu.memory_space<hbm>>) target(%dma_start3A_103 : memref<48x128xi32, #tpu.memory_space<vmem>>) target_semaphore(%run_scoped3A_95 : memref<!tpu.dma_semaphore, #tpu.memory_space<semaphore_mem>>)
        %dma_wait3A = arith.constant 0 : i32
        %dma_wait3A_106 = arith.constant 0 : i32
        %dma_wait3A_107 = tpu.memref_slice %arg7[%dma_wait3A, %dma_wait3A_106] : memref<48x128xi32, #tpu.memory_space<vmem>> -> memref<48x128xi32, #tpu.memory_space<vmem>>
        %dma_wait3A_108 = arith.constant 0 : i32
        %dma_wait3A_109 = tpu.memref_slice %arg3[%add3A_76, %dma_wait3A_108] : memref<2560x128xi32, #tpu.memory_space<hbm>> -> memref<48x128xi32, #tpu.memory_space<hbm>>
        %dma_wait3A_110 = arith.constant 0 : i32
        %dma_wait3A_111 = arith.constant 0 : i32
        %dma_wait3A_112 = tpu.memref_slice %arg7[%dma_wait3A_110, %dma_wait3A_111] : memref<48x128xi32, #tpu.memory_space<vmem>> -> memref<48x128xi32, #tpu.memory_space<vmem>>
        %dma_wait3A_113 = arith.constant 0 : i32
        %dma_wait3A_114 = tpu.memref_slice %arg3[%add3A_76, %dma_wait3A_113] : memref<2560x128xi32, #tpu.memory_space<hbm>> -> memref<48x128xi32, #tpu.memory_space<hbm>>
        tpu.wait_dma2 semaphore(%run_scoped3A_95 : memref<!tpu.dma_semaphore, #tpu.memory_space<semaphore_mem>>) src(%dma_wait3A_114 : memref<48x128xi32, #tpu.memory_space<hbm>>) dst(%dma_wait3A_112 : memref<48x128xi32, #tpu.memory_space<vmem>>)
        tpu.yield
      }) : () -> ()
      "tpu.region"() ({
        %run_scoped3A_95 = tpu.sem_alloc : memref<!tpu.dma_semaphore, #tpu.memory_space<semaphore_mem>>
        %dma_start3A_96 = arith.constant 0 : i32
        %dma_start3A_97 = arith.constant 0 : i32
        %dma_start3A_98 = tpu.memref_slice %arg8[%dma_start3A_96, %dma_start3A_97] : memref<48x128xi32, #tpu.memory_space<vmem>> -> memref<48x128xi32, #tpu.memory_space<vmem>>
        %dma_start3A_99 = arith.constant 0 : i32
        %dma_start3A_100 = tpu.memref_slice %arg4[%add3A_76, %dma_start3A_99] : memref<2560x128xi32, #tpu.memory_space<hbm>> -> memref<48x128xi32, #tpu.memory_space<hbm>>
        %dma_start3A_101 = arith.constant 0 : i32
        %dma_start3A_102 = arith.constant 0 : i32
        %dma_start3A_103 = tpu.memref_slice %arg8[%dma_start3A_101, %dma_start3A_102] : memref<48x128xi32, #tpu.memory_space<vmem>> -> memref<48x128xi32, #tpu.memory_space<vmem>>
        %dma_start3A_104 = arith.constant 0 : i32
        %dma_start3A_105 = tpu.memref_slice %arg4[%add3A_76, %dma_start3A_104] : memref<2560x128xi32, #tpu.memory_space<hbm>> -> memref<48x128xi32, #tpu.memory_space<hbm>>
        tpu.enqueue_dma source(%dma_start3A_105 : memref<48x128xi32, #tpu.memory_space<hbm>>) target(%dma_start3A_103 : memref<48x128xi32, #tpu.memory_space<vmem>>) target_semaphore(%run_scoped3A_95 : memref<!tpu.dma_semaphore, #tpu.memory_space<semaphore_mem>>)
        %dma_wait3A = arith.constant 0 : i32
        %dma_wait3A_106 = arith.constant 0 : i32
        %dma_wait3A_107 = tpu.memref_slice %arg8[%dma_wait3A, %dma_wait3A_106] : memref<48x128xi32, #tpu.memory_space<vmem>> -> memref<48x128xi32, #tpu.memory_space<vmem>>
        %dma_wait3A_108 = arith.constant 0 : i32
        %dma_wait3A_109 = tpu.memref_slice %arg4[%add3A_76, %dma_wait3A_108] : memref<2560x128xi32, #tpu.memory_space<hbm>> -> memref<48x128xi32, #tpu.memory_space<hbm>>
        %dma_wait3A_110 = arith.constant 0 : i32
        %dma_wait3A_111 = arith.constant 0 : i32
        %dma_wait3A_112 = tpu.memref_slice %arg8[%dma_wait3A_110, %dma_wait3A_111] : memref<48x128xi32, #tpu.memory_space<vmem>> -> memref<48x128xi32, #tpu.memory_space<vmem>>
        %dma_wait3A_113 = arith.constant 0 : i32
        %dma_wait3A_114 = tpu.memref_slice %arg4[%add3A_76, %dma_wait3A_113] : memref<2560x128xi32, #tpu.memory_space<hbm>> -> memref<48x128xi32, #tpu.memory_space<hbm>>
        tpu.wait_dma2 semaphore(%run_scoped3A_95 : memref<!tpu.dma_semaphore, #tpu.memory_space<semaphore_mem>>) src(%dma_wait3A_114 : memref<48x128xi32, #tpu.memory_space<hbm>>) dst(%dma_wait3A_112 : memref<48x128xi32, #tpu.memory_space<vmem>>)
        tpu.yield
      }) : () -> ()
      %dma_start3A_77 = arith.constant 0 : i32
      %dma_start3A_78 = arith.constant 0 : i32
      %dma_start3A_79 = arith.constant 0 : i32
      %dma_start3A_80 = arith.constant 0 : i32
      %dma_start3A_81 = tpu.memref_slice %arg9[%dma_start3A_78, %dma_start3A_79, %dma_start3A_80] : memref<2x128x128xf32, #tpu.memory_space<vmem>> -> memref<1x128x128xf32, #tpu.memory_space<vmem>>
      %dma_start3A_82 = tpu.memref_squeeze %dma_start3A_81 : memref<1x128x128xf32, #tpu.memory_space<vmem>> -> memref<128x128xf32, #tpu.memory_space<vmem>>
      %dma_start3A_83 = arith.constant 0 : i32
      %dma_start3A_84 = tpu.memref_slice %arg7[%dma_start3A_77, %dma_start3A_83] : memref<48x128xi32, #tpu.memory_space<vmem>> -> memref<1x128xi32, #tpu.memory_space<vmem>>
      %dma_start3A_85 = tpu.memref_squeeze %dma_start3A_84 : memref<1x128xi32, #tpu.memory_space<vmem>> -> memref<128xi32, #tpu.memory_space<vmem>>
      %dma_start3A_86 = arith.constant 0 : i32
      %dma_start3A_87 = arith.constant 0 : i32
      %dma_start3A_88 = tpu.memref_slice %arg2[%dma_start3A_86, %dma_start3A_87] : memref<10000x128xf32, #tpu.memory_space<hbm>> -> memref<10000x128xf32, #tpu.memory_space<hbm>>
      tpu.enqueue_indirect_dma source(%dma_start3A_88 : memref<10000x128xf32, #tpu.memory_space<hbm>>) target(%dma_start3A_82 : memref<128x128xf32, #tpu.memory_space<vmem>>) offsets(%dma_start3A_85 : memref<128xi32, #tpu.memory_space<vmem>>) semaphore(%arg11 : memref<!tpu.dma_semaphore, #tpu.memory_space<semaphore_mem>>)
      %scan3A_89 = arith.constant 0 : i32
      %scan3A_90 = arith.constant 0 : i32
      %scan3A_91 = arith.constant 48 : i32
      %scan3A_92 = arith.addi %scan3A_90, %scan3A_91 : i32
      %scan3A_93 = arith.constant 1 : i32
      scf.for %scan3A_95 = %scan3A_90 to %scan3A_92 step %scan3A_93  : i32 {
        %rem3A = arith.constant 2 : i32
        %rem3A_96 = arith.remsi %scan3A_95, %rem3A : i32
        %dma_wait3A = arith.constant 0 : i32
        %dma_wait3A_97 = arith.constant 0 : i32
        %dma_wait3A_98 = tpu.memref_slice %arg9[%rem3A_96, %dma_wait3A, %dma_wait3A_97] : memref<2x128x128xf32, #tpu.memory_space<vmem>> -> memref<1x128x128xf32, #tpu.memory_space<vmem>>
        %dma_wait3A_99 = tpu.memref_squeeze %dma_wait3A_98 : memref<1x128x128xf32, #tpu.memory_space<vmem>> -> memref<128x128xf32, #tpu.memory_space<vmem>>
        %dma_wait3A_100 = arith.constant 0 : i32
        %dma_wait3A_101 = tpu.memref_slice %arg7[%scan3A_95, %dma_wait3A_100] : memref<48x128xi32, #tpu.memory_space<vmem>> -> memref<1x128xi32, #tpu.memory_space<vmem>>
        %dma_wait3A_102 = tpu.memref_squeeze %dma_wait3A_101 : memref<1x128xi32, #tpu.memory_space<vmem>> -> memref<128xi32, #tpu.memory_space<vmem>>
        %dma_wait3A_103 = arith.constant 0 : i32
        %dma_wait3A_104 = arith.constant 0 : i32
        %dma_wait3A_105 = tpu.memref_slice %arg2[%dma_wait3A_103, %dma_wait3A_104] : memref<10000x128xf32, #tpu.memory_space<hbm>> -> memref<10000x128xf32, #tpu.memory_space<hbm>>
        tpu.wait_indirect_dma semaphore(%arg11 : memref<!tpu.dma_semaphore, #tpu.memory_space<semaphore_mem>>) src(%dma_wait3A_105 : memref<10000x128xf32, #tpu.memory_space<hbm>>) dst(%dma_wait3A_99 : memref<128x128xf32, #tpu.memory_space<vmem>>)
        %lt3A = arith.constant 47 : i32
        %lt3A_106 = arith.cmpi slt, %scan3A_95, %lt3A : i32
        %convert_element_type3A_107 = arith.extui %lt3A_106 : i1 to i32
        %cond3A_108 = arith.constant 0 : i32
        %cond3A_109 = arith.cmpi ne, %convert_element_type3A_107, %cond3A_108 : i32
        scf.if %cond3A_109 {
          %add3A_110 = arith.constant 1 : i32
          %add3A_111 = arith.addi %scan3A_95, %add3A_110 : i32
          %sub3A = arith.constant 1 : i32
          %sub3A_112 = arith.subi %sub3A, %rem3A_96 : i32
          %dma_start3A_113 = arith.constant 0 : i32
          %dma_start3A_114 = arith.constant 0 : i32
          %dma_start3A_115 = tpu.memref_slice %arg9[%sub3A_112, %dma_start3A_113, %dma_start3A_114] : memref<2x128x128xf32, #tpu.memory_space<vmem>> -> memref<1x128x128xf32, #tpu.memory_space<vmem>>
          %dma_start3A_116 = tpu.memref_squeeze %dma_start3A_115 : memref<1x128x128xf32, #tpu.memory_space<vmem>> -> memref<128x128xf32, #tpu.memory_space<vmem>>
          %dma_start3A_117 = arith.constant 0 : i32
          %dma_start3A_118 = tpu.memref_slice %arg7[%add3A_111, %dma_start3A_117] : memref<48x128xi32, #tpu.memory_space<vmem>> -> memref<1x128xi32, #tpu.memory_space<vmem>>
          %dma_start3A_119 = tpu.memref_squeeze %dma_start3A_118 : memref<1x128xi32, #tpu.memory_space<vmem>> -> memref<128xi32, #tpu.memory_space<vmem>>
          %dma_start3A_120 = arith.constant 0 : i32
          %dma_start3A_121 = arith.constant 0 : i32
          %dma_start3A_122 = tpu.memref_slice %arg2[%dma_start3A_120, %dma_start3A_121] : memref<10000x128xf32, #tpu.memory_space<hbm>> -> memref<10000x128xf32, #tpu.memory_space<hbm>>
          tpu.enqueue_indirect_dma source(%dma_start3A_122 : memref<10000x128xf32, #tpu.memory_space<hbm>>) target(%dma_start3A_116 : memref<128x128xf32, #tpu.memory_space<vmem>>) offsets(%dma_start3A_119 : memref<128xi32, #tpu.memory_space<vmem>>) semaphore(%arg11 : memref<!tpu.dma_semaphore, #tpu.memory_space<semaphore_mem>>)
        } else {
        }
        "tpu.region"() ({
          %run_scoped3A_110 = tpu.sem_alloc : memref<!tpu.dma_semaphore, #tpu.memory_space<semaphore_mem>>
          %dma_start3A_111 = arith.constant 0 : i32
          %dma_start3A_112 = arith.constant 0 : i32
          %dma_start3A_113 = tpu.memref_slice %arg9[%rem3A_96, %dma_start3A_111, %dma_start3A_112] : memref<2x128x128xf32, #tpu.memory_space<vmem>> -> memref<1x128x128xf32, #tpu.memory_space<vmem>>
          %dma_start3A_114 = tpu.memref_squeeze %dma_start3A_113 : memref<1x128x128xf32, #tpu.memory_space<vmem>> -> memref<128x128xf32, #tpu.memory_space<vmem>>
          %dma_start3A_115 = arith.constant 0 : i32
          %dma_start3A_116 = tpu.memref_slice %arg8[%scan3A_95, %dma_start3A_115] : memref<48x128xi32, #tpu.memory_space<vmem>> -> memref<1x128xi32, #tpu.memory_space<vmem>>
          %dma_start3A_117 = tpu.memref_squeeze %dma_start3A_116 : memref<1x128xi32, #tpu.memory_space<vmem>> -> memref<128xi32, #tpu.memory_space<vmem>>
          %dma_start3A_118 = arith.constant 0 : i32
          %dma_start3A_119 = arith.constant 0 : i32
          %dma_start3A_120 = tpu.memref_slice %arg10[%dma_start3A_118, %dma_start3A_119] : memref<10240x128xf32, #tpu.memory_space<vmem_shared>> -> memref<10240x128xf32, #tpu.memory_space<vmem_shared>>
          tpu.enqueue_indirect_dma source(%dma_start3A_114 : memref<128x128xf32, #tpu.memory_space<vmem>>) target(%dma_start3A_120 : memref<10240x128xf32, #tpu.memory_space<vmem_shared>>) offsets(%dma_start3A_117 : memref<128xi32, #tpu.memory_space<vmem>>) semaphore(%run_scoped3A_110 : memref<!tpu.dma_semaphore, #tpu.memory_space<semaphore_mem>>) {add = true}
          %dma_wait3A_121 = arith.constant 0 : i32
          %dma_wait3A_122 = arith.constant 0 : i32
          %dma_wait3A_123 = tpu.memref_slice %arg9[%rem3A_96, %dma_wait3A_121, %dma_wait3A_122] : memref<2x128x128xf32, #tpu.memory_space<vmem>> -> memref<1x128x128xf32, #tpu.memory_space<vmem>>
          %dma_wait3A_124 = tpu.memref_squeeze %dma_wait3A_123 : memref<1x128x128xf32, #tpu.memory_space<vmem>> -> memref<128x128xf32, #tpu.memory_space<vmem>>
          %dma_wait3A_125 = arith.constant 0 : i32
          %dma_wait3A_126 = tpu.memref_slice %arg8[%scan3A_95, %dma_wait3A_125] : memref<48x128xi32, #tpu.memory_space<vmem>> -> memref<1x128xi32, #tpu.memory_space<vmem>>
          %dma_wait3A_127 = tpu.memref_squeeze %dma_wait3A_126 : memref<1x128xi32, #tpu.memory_space<vmem>> -> memref<128xi32, #tpu.memory_space<vmem>>
          %dma_wait3A_128 = arith.constant 0 : i32
          %dma_wait3A_129 = arith.constant 0 : i32
          %dma_wait3A_130 = tpu.memref_slice %arg10[%dma_wait3A_128, %dma_wait3A_129] : memref<10240x128xf32, #tpu.memory_space<vmem_shared>> -> memref<10240x128xf32, #tpu.memory_space<vmem_shared>>
          tpu.wait_indirect_dma semaphore(%run_scoped3A_110 : memref<!tpu.dma_semaphore, #tpu.memory_space<semaphore_mem>>) src(%dma_wait3A_124 : memref<128x128xf32, #tpu.memory_space<vmem>>) dst(%dma_wait3A_130 : memref<10240x128xf32, #tpu.memory_space<vmem_shared>>)
          tpu.yield
        }) : () -> ()
      }
      %scan3A_94 = arith.constant 48 : i32
    } else {
    }
    %eq3A_27 = arith.constant 1 : i32
    %eq3A_28 = arith.cmpi eq, %arg0, %eq3A_27 : i32
    %convert_element_type3A_29 = arith.extui %eq3A_28 : i1 to i32
    %cond3A_30 = arith.constant 0 : i32
    %cond3A_31 = arith.cmpi ne, %convert_element_type3A_29, %cond3A_30 : i32
    scf.if %cond3A_31 {
      %mul3A_33 = arith.constant 16 : i32
      %mul3A_34 = arith.muli %arg1, %mul3A_33 : i32
      %add3A_35 = arith.constant 2304 : i32
      %add3A_36 = arith.addi %add3A_35, %mul3A_34 : i32
      %add3A_37 = arith.constant 0 : i32
      %add3A_38 = arith.addi %add3A_36, %add3A_37 : i32
      "tpu.region"() ({
        %run_scoped3A_55 = tpu.sem_alloc : memref<!tpu.dma_semaphore, #tpu.memory_space<semaphore_mem>>
        %dma_start3A_56 = arith.constant 0 : i32
        %dma_start3A_57 = arith.constant 0 : i32
        %dma_start3A_58 = tpu.memref_slice %arg7[%dma_start3A_56, %dma_start3A_57] : memref<48x128xi32, #tpu.memory_space<vmem>> -> memref<16x128xi32, #tpu.memory_space<vmem>>
        %dma_start3A_59 = arith.constant 0 : i32
        %dma_start3A_60 = tpu.memref_slice %arg3[%add3A_38, %dma_start3A_59] : memref<2560x128xi32, #tpu.memory_space<hbm>> -> memref<16x128xi32, #tpu.memory_space<hbm>>
        %dma_start3A_61 = arith.constant 0 : i32
        %dma_start3A_62 = arith.constant 0 : i32
        %dma_start3A_63 = tpu.memref_slice %arg7[%dma_start3A_61, %dma_start3A_62] : memref<48x128xi32, #tpu.memory_space<vmem>> -> memref<16x128xi32, #tpu.memory_space<vmem>>
        %dma_start3A_64 = arith.constant 0 : i32
        %dma_start3A_65 = tpu.memref_slice %arg3[%add3A_38, %dma_start3A_64] : memref<2560x128xi32, #tpu.memory_space<hbm>> -> memref<16x128xi32, #tpu.memory_space<hbm>>
        tpu.enqueue_dma source(%dma_start3A_65 : memref<16x128xi32, #tpu.memory_space<hbm>>) target(%dma_start3A_63 : memref<16x128xi32, #tpu.memory_space<vmem>>) target_semaphore(%run_scoped3A_55 : memref<!tpu.dma_semaphore, #tpu.memory_space<semaphore_mem>>)
        %dma_wait3A = arith.constant 0 : i32
        %dma_wait3A_66 = arith.constant 0 : i32
        %dma_wait3A_67 = tpu.memref_slice %arg7[%dma_wait3A, %dma_wait3A_66] : memref<48x128xi32, #tpu.memory_space<vmem>> -> memref<16x128xi32, #tpu.memory_space<vmem>>
        %dma_wait3A_68 = arith.constant 0 : i32
        %dma_wait3A_69 = tpu.memref_slice %arg3[%add3A_38, %dma_wait3A_68] : memref<2560x128xi32, #tpu.memory_space<hbm>> -> memref<16x128xi32, #tpu.memory_space<hbm>>
        %dma_wait3A_70 = arith.constant 0 : i32
        %dma_wait3A_71 = arith.constant 0 : i32
        %dma_wait3A_72 = tpu.memref_slice %arg7[%dma_wait3A_70, %dma_wait3A_71] : memref<48x128xi32, #tpu.memory_space<vmem>> -> memref<16x128xi32, #tpu.memory_space<vmem>>
        %dma_wait3A_73 = arith.constant 0 : i32
        %dma_wait3A_74 = tpu.memref_slice %arg3[%add3A_38, %dma_wait3A_73] : memref<2560x128xi32, #tpu.memory_space<hbm>> -> memref<16x128xi32, #tpu.memory_space<hbm>>
        tpu.wait_dma2 semaphore(%run_scoped3A_55 : memref<!tpu.dma_semaphore, #tpu.memory_space<semaphore_mem>>) src(%dma_wait3A_74 : memref<16x128xi32, #tpu.memory_space<hbm>>) dst(%dma_wait3A_72 : memref<16x128xi32, #tpu.memory_space<vmem>>)
        tpu.yield
      }) : () -> ()
      "tpu.region"() ({
        %run_scoped3A_55 = tpu.sem_alloc : memref<!tpu.dma_semaphore, #tpu.memory_space<semaphore_mem>>
        %dma_start3A_56 = arith.constant 0 : i32
        %dma_start3A_57 = arith.constant 0 : i32
        %dma_start3A_58 = tpu.memref_slice %arg8[%dma_start3A_56, %dma_start3A_57] : memref<48x128xi32, #tpu.memory_space<vmem>> -> memref<16x128xi32, #tpu.memory_space<vmem>>
        %dma_start3A_59 = arith.constant 0 : i32
        %dma_start3A_60 = tpu.memref_slice %arg4[%add3A_38, %dma_start3A_59] : memref<2560x128xi32, #tpu.memory_space<hbm>> -> memref<16x128xi32, #tpu.memory_space<hbm>>
        %dma_start3A_61 = arith.constant 0 : i32
        %dma_start3A_62 = arith.constant 0 : i32
        %dma_start3A_63 = tpu.memref_slice %arg8[%dma_start3A_61, %dma_start3A_62] : memref<48x128xi32, #tpu.memory_space<vmem>> -> memref<16x128xi32, #tpu.memory_space<vmem>>
        %dma_start3A_64 = arith.constant 0 : i32
        %dma_start3A_65 = tpu.memref_slice %arg4[%add3A_38, %dma_start3A_64] : memref<2560x128xi32, #tpu.memory_space<hbm>> -> memref<16x128xi32, #tpu.memory_space<hbm>>
        tpu.enqueue_dma source(%dma_start3A_65 : memref<16x128xi32, #tpu.memory_space<hbm>>) target(%dma_start3A_63 : memref<16x128xi32, #tpu.memory_space<vmem>>) target_semaphore(%run_scoped3A_55 : memref<!tpu.dma_semaphore, #tpu.memory_space<semaphore_mem>>)
        %dma_wait3A = arith.constant 0 : i32
        %dma_wait3A_66 = arith.constant 0 : i32
        %dma_wait3A_67 = tpu.memref_slice %arg8[%dma_wait3A, %dma_wait3A_66] : memref<48x128xi32, #tpu.memory_space<vmem>> -> memref<16x128xi32, #tpu.memory_space<vmem>>
        %dma_wait3A_68 = arith.constant 0 : i32
        %dma_wait3A_69 = tpu.memref_slice %arg4[%add3A_38, %dma_wait3A_68] : memref<2560x128xi32, #tpu.memory_space<hbm>> -> memref<16x128xi32, #tpu.memory_space<hbm>>
        %dma_wait3A_70 = arith.constant 0 : i32
        %dma_wait3A_71 = arith.constant 0 : i32
        %dma_wait3A_72 = tpu.memref_slice %arg8[%dma_wait3A_70, %dma_wait3A_71] : memref<48x128xi32, #tpu.memory_space<vmem>> -> memref<16x128xi32, #tpu.memory_space<vmem>>
        %dma_wait3A_73 = arith.constant 0 : i32
        %dma_wait3A_74 = tpu.memref_slice %arg4[%add3A_38, %dma_wait3A_73] : memref<2560x128xi32, #tpu.memory_space<hbm>> -> memref<16x128xi32, #tpu.memory_space<hbm>>
        tpu.wait_dma2 semaphore(%run_scoped3A_55 : memref<!tpu.dma_semaphore, #tpu.memory_space<semaphore_mem>>) src(%dma_wait3A_74 : memref<16x128xi32, #tpu.memory_space<hbm>>) dst(%dma_wait3A_72 : memref<16x128xi32, #tpu.memory_space<vmem>>)
        tpu.yield
      }) : () -> ()
      %dma_start3A = arith.constant 0 : i32
      %dma_start3A_39 = arith.constant 0 : i32
      %dma_start3A_40 = arith.constant 0 : i32
      %dma_start3A_41 = arith.constant 0 : i32
      %dma_start3A_42 = tpu.memref_slice %arg9[%dma_start3A_39, %dma_start3A_40, %dma_start3A_41] : memref<2x128x128xf32, #tpu.memory_space<vmem>> -> memref<1x128x128xf32, #tpu.memory_space<vmem>>
      %dma_start3A_43 = tpu.memref_squeeze %dma_start3A_42 : memref<1x128x128xf32, #tpu.memory_space<vmem>> -> memref<128x128xf32, #tpu.memory_space<vmem>>
      %dma_start3A_44 = arith.constant 0 : i32
      %dma_start3A_45 = tpu.memref_slice %arg7[%dma_start3A, %dma_start3A_44] : memref<48x128xi32, #tpu.memory_space<vmem>> -> memref<1x128xi32, #tpu.memory_space<vmem>>
      %dma_start3A_46 = tpu.memref_squeeze %dma_start3A_45 : memref<1x128xi32, #tpu.memory_space<vmem>> -> memref<128xi32, #tpu.memory_space<vmem>>
      %dma_start3A_47 = arith.constant 0 : i32
      %dma_start3A_48 = arith.constant 0 : i32
      %dma_start3A_49 = tpu.memref_slice %arg2[%dma_start3A_47, %dma_start3A_48] : memref<10000x128xf32, #tpu.memory_space<hbm>> -> memref<10000x128xf32, #tpu.memory_space<hbm>>
      tpu.enqueue_indirect_dma source(%dma_start3A_49 : memref<10000x128xf32, #tpu.memory_space<hbm>>) target(%dma_start3A_43 : memref<128x128xf32, #tpu.memory_space<vmem>>) offsets(%dma_start3A_46 : memref<128xi32, #tpu.memory_space<vmem>>) semaphore(%arg11 : memref<!tpu.dma_semaphore, #tpu.memory_space<semaphore_mem>>)
      %scan3A = arith.constant 0 : i32
      %scan3A_50 = arith.constant 0 : i32
      %scan3A_51 = arith.constant 16 : i32
      %scan3A_52 = arith.addi %scan3A_50, %scan3A_51 : i32
      %scan3A_53 = arith.constant 1 : i32
      scf.for %scan3A_55 = %scan3A_50 to %scan3A_52 step %scan3A_53  : i32 {
        %rem3A = arith.constant 2 : i32
        %rem3A_56 = arith.remsi %scan3A_55, %rem3A : i32
        %dma_wait3A = arith.constant 0 : i32
        %dma_wait3A_57 = arith.constant 0 : i32
        %dma_wait3A_58 = tpu.memref_slice %arg9[%rem3A_56, %dma_wait3A, %dma_wait3A_57] : memref<2x128x128xf32, #tpu.memory_space<vmem>> -> memref<1x128x128xf32, #tpu.memory_space<vmem>>
        %dma_wait3A_59 = tpu.memref_squeeze %dma_wait3A_58 : memref<1x128x128xf32, #tpu.memory_space<vmem>> -> memref<128x128xf32, #tpu.memory_space<vmem>>
        %dma_wait3A_60 = arith.constant 0 : i32
        %dma_wait3A_61 = tpu.memref_slice %arg7[%scan3A_55, %dma_wait3A_60] : memref<48x128xi32, #tpu.memory_space<vmem>> -> memref<1x128xi32, #tpu.memory_space<vmem>>
        %dma_wait3A_62 = tpu.memref_squeeze %dma_wait3A_61 : memref<1x128xi32, #tpu.memory_space<vmem>> -> memref<128xi32, #tpu.memory_space<vmem>>
        %dma_wait3A_63 = arith.constant 0 : i32
        %dma_wait3A_64 = arith.constant 0 : i32
        %dma_wait3A_65 = tpu.memref_slice %arg2[%dma_wait3A_63, %dma_wait3A_64] : memref<10000x128xf32, #tpu.memory_space<hbm>> -> memref<10000x128xf32, #tpu.memory_space<hbm>>
        tpu.wait_indirect_dma semaphore(%arg11 : memref<!tpu.dma_semaphore, #tpu.memory_space<semaphore_mem>>) src(%dma_wait3A_65 : memref<10000x128xf32, #tpu.memory_space<hbm>>) dst(%dma_wait3A_59 : memref<128x128xf32, #tpu.memory_space<vmem>>)
        %lt3A = arith.constant 15 : i32
        %lt3A_66 = arith.cmpi slt, %scan3A_55, %lt3A : i32
        %convert_element_type3A_67 = arith.extui %lt3A_66 : i1 to i32
        %cond3A_68 = arith.constant 0 : i32
        %cond3A_69 = arith.cmpi ne, %convert_element_type3A_67, %cond3A_68 : i32
        scf.if %cond3A_69 {
          %add3A_70 = arith.constant 1 : i32
          %add3A_71 = arith.addi %scan3A_55, %add3A_70 : i32
          %sub3A = arith.constant 1 : i32
          %sub3A_72 = arith.subi %sub3A, %rem3A_56 : i32
          %dma_start3A_73 = arith.constant 0 : i32
          %dma_start3A_74 = arith.constant 0 : i32
          %dma_start3A_75 = tpu.memref_slice %arg9[%sub3A_72, %dma_start3A_73, %dma_start3A_74] : memref<2x128x128xf32, #tpu.memory_space<vmem>> -> memref<1x128x128xf32, #tpu.memory_space<vmem>>
          %dma_start3A_76 = tpu.memref_squeeze %dma_start3A_75 : memref<1x128x128xf32, #tpu.memory_space<vmem>> -> memref<128x128xf32, #tpu.memory_space<vmem>>
          %dma_start3A_77 = arith.constant 0 : i32
          %dma_start3A_78 = tpu.memref_slice %arg7[%add3A_71, %dma_start3A_77] : memref<48x128xi32, #tpu.memory_space<vmem>> -> memref<1x128xi32, #tpu.memory_space<vmem>>
          %dma_start3A_79 = tpu.memref_squeeze %dma_start3A_78 : memref<1x128xi32, #tpu.memory_space<vmem>> -> memref<128xi32, #tpu.memory_space<vmem>>
          %dma_start3A_80 = arith.constant 0 : i32
          %dma_start3A_81 = arith.constant 0 : i32
          %dma_start3A_82 = tpu.memref_slice %arg2[%dma_start3A_80, %dma_start3A_81] : memref<10000x128xf32, #tpu.memory_space<hbm>> -> memref<10000x128xf32, #tpu.memory_space<hbm>>
          tpu.enqueue_indirect_dma source(%dma_start3A_82 : memref<10000x128xf32, #tpu.memory_space<hbm>>) target(%dma_start3A_76 : memref<128x128xf32, #tpu.memory_space<vmem>>) offsets(%dma_start3A_79 : memref<128xi32, #tpu.memory_space<vmem>>) semaphore(%arg11 : memref<!tpu.dma_semaphore, #tpu.memory_space<semaphore_mem>>)
        } else {
        }
        "tpu.region"() ({
          %run_scoped3A_70 = tpu.sem_alloc : memref<!tpu.dma_semaphore, #tpu.memory_space<semaphore_mem>>
          %dma_start3A_71 = arith.constant 0 : i32
          %dma_start3A_72 = arith.constant 0 : i32
          %dma_start3A_73 = tpu.memref_slice %arg9[%rem3A_56, %dma_start3A_71, %dma_start3A_72] : memref<2x128x128xf32, #tpu.memory_space<vmem>> -> memref<1x128x128xf32, #tpu.memory_space<vmem>>
          %dma_start3A_74 = tpu.memref_squeeze %dma_start3A_73 : memref<1x128x128xf32, #tpu.memory_space<vmem>> -> memref<128x128xf32, #tpu.memory_space<vmem>>
          %dma_start3A_75 = arith.constant 0 : i32
          %dma_start3A_76 = tpu.memref_slice %arg8[%scan3A_55, %dma_start3A_75] : memref<48x128xi32, #tpu.memory_space<vmem>> -> memref<1x128xi32, #tpu.memory_space<vmem>>
          %dma_start3A_77 = tpu.memref_squeeze %dma_start3A_76 : memref<1x128xi32, #tpu.memory_space<vmem>> -> memref<128xi32, #tpu.memory_space<vmem>>
          %dma_start3A_78 = arith.constant 0 : i32
          %dma_start3A_79 = arith.constant 0 : i32
          %dma_start3A_80 = tpu.memref_slice %arg10[%dma_start3A_78, %dma_start3A_79] : memref<10240x128xf32, #tpu.memory_space<vmem_shared>> -> memref<10240x128xf32, #tpu.memory_space<vmem_shared>>
          tpu.enqueue_indirect_dma source(%dma_start3A_74 : memref<128x128xf32, #tpu.memory_space<vmem>>) target(%dma_start3A_80 : memref<10240x128xf32, #tpu.memory_space<vmem_shared>>) offsets(%dma_start3A_77 : memref<128xi32, #tpu.memory_space<vmem>>) semaphore(%run_scoped3A_70 : memref<!tpu.dma_semaphore, #tpu.memory_space<semaphore_mem>>) {add = true}
          %dma_wait3A_81 = arith.constant 0 : i32
          %dma_wait3A_82 = arith.constant 0 : i32
          %dma_wait3A_83 = tpu.memref_slice %arg9[%rem3A_56, %dma_wait3A_81, %dma_wait3A_82] : memref<2x128x128xf32, #tpu.memory_space<vmem>> -> memref<1x128x128xf32, #tpu.memory_space<vmem>>
          %dma_wait3A_84 = tpu.memref_squeeze %dma_wait3A_83 : memref<1x128x128xf32, #tpu.memory_space<vmem>> -> memref<128x128xf32, #tpu.memory_space<vmem>>
          %dma_wait3A_85 = arith.constant 0 : i32
          %dma_wait3A_86 = tpu.memref_slice %arg8[%scan3A_55, %dma_wait3A_85] : memref<48x128xi32, #tpu.memory_space<vmem>> -> memref<1x128xi32, #tpu.memory_space<vmem>>
          %dma_wait3A_87 = tpu.memref_squeeze %dma_wait3A_86 : memref<1x128xi32, #tpu.memory_space<vmem>> -> memref<128xi32, #tpu.memory_space<vmem>>
          %dma_wait3A_88 = arith.constant 0 : i32
          %dma_wait3A_89 = arith.constant 0 : i32
          %dma_wait3A_90 = tpu.memref_slice %arg10[%dma_wait3A_88, %dma_wait3A_89] : memref<10240x128xf32, #tpu.memory_space<vmem_shared>> -> memref<10240x128xf32, #tpu.memory_space<vmem_shared>>
          tpu.wait_indirect_dma semaphore(%run_scoped3A_70 : memref<!tpu.dma_semaphore, #tpu.memory_space<semaphore_mem>>) src(%dma_wait3A_84 : memref<128x128xf32, #tpu.memory_space<vmem>>) dst(%dma_wait3A_90 : memref<10240x128xf32, #tpu.memory_space<vmem_shared>>)
          tpu.yield
        }) : () -> ()
      }
      %scan3A_54 = arith.constant 16 : i32
    } else {
    }
    %barrier3A_32 = arith.constant 0 : index
    tpu.barrier barrier_id(%barrier3A_32)
    "tpu.region"() ({
      %run_scoped3A_33 = tpu.sem_alloc : memref<!tpu.dma_semaphore, #tpu.memory_space<semaphore_mem>>
      %dma_start3A = arith.constant 0 : i32
      %dma_start3A_34 = arith.constant 0 : i32
      %dma_start3A_35 = tpu.memref_slice %arg6[%arg0, %dma_start3A, %dma_start3A_34] : memref<2x10240x128xf32, #tpu.memory_space<hbm>> -> memref<1x10240x128xf32, #tpu.memory_space<hbm>>
      %dma_start3A_36 = tpu.memref_squeeze %dma_start3A_35 : memref<1x10240x128xf32, #tpu.memory_space<hbm>> -> memref<10240x128xf32, #tpu.memory_space<hbm>>
      %dma_start3A_37 = arith.constant 0 : i32
      %dma_start3A_38 = tpu.memref_slice %dma_start3A_36[%mul3A_0, %dma_start3A_37] : memref<10240x128xf32, #tpu.memory_space<hbm>> -> memref<640x128xf32, #tpu.memory_space<hbm>>
      %dma_start3A_39 = arith.constant 0 : i32
      %dma_start3A_40 = tpu.memref_slice %arg10[%mul3A_0, %dma_start3A_39] : memref<10240x128xf32, #tpu.memory_space<vmem_shared>> -> memref<640x128xf32, #tpu.memory_space<vmem_shared>>
      tpu.enqueue_dma source(%dma_start3A_40 : memref<640x128xf32, #tpu.memory_space<vmem_shared>>) target(%dma_start3A_38 : memref<640x128xf32, #tpu.memory_space<hbm>>) target_semaphore(%run_scoped3A_33 : memref<!tpu.dma_semaphore, #tpu.memory_space<semaphore_mem>>)
      %dma_wait3A = arith.constant 0 : i32
      %dma_wait3A_41 = arith.constant 0 : i32
      %dma_wait3A_42 = tpu.memref_slice %arg6[%arg0, %dma_wait3A, %dma_wait3A_41] : memref<2x10240x128xf32, #tpu.memory_space<hbm>> -> memref<1x10240x128xf32, #tpu.memory_space<hbm>>
      %dma_wait3A_43 = tpu.memref_squeeze %dma_wait3A_42 : memref<1x10240x128xf32, #tpu.memory_space<hbm>> -> memref<10240x128xf32, #tpu.memory_space<hbm>>
      %dma_wait3A_44 = arith.constant 0 : i32
      %dma_wait3A_45 = tpu.memref_slice %dma_wait3A_43[%mul3A_0, %dma_wait3A_44] : memref<10240x128xf32, #tpu.memory_space<hbm>> -> memref<640x128xf32, #tpu.memory_space<hbm>>
      %dma_wait3A_46 = arith.constant 0 : i32
      %dma_wait3A_47 = tpu.memref_slice %arg10[%mul3A_0, %dma_wait3A_46] : memref<10240x128xf32, #tpu.memory_space<vmem_shared>> -> memref<640x128xf32, #tpu.memory_space<vmem_shared>>
      tpu.wait_dma2 semaphore(%run_scoped3A_33 : memref<!tpu.dma_semaphore, #tpu.memory_space<semaphore_mem>>) src(%dma_wait3A_47 : memref<640x128xf32, #tpu.memory_space<vmem_shared>>) dst(%dma_wait3A_45 : memref<640x128xf32, #tpu.memory_space<hbm>>)
      tpu.yield
    }) : () -> ()
    return
  }
}

#map = affine_map<(d0, d1) -> (0, 0)>
#map1 = affine_map<(d0, d1) -> (0)>
module attributes {stable_mosaic.version = 14 : i64} {
  func.func @_deg_kernel(%arg0: i32, %arg1: i32, %arg2: memref<2560x128xi32, #tpu.memory_space<hbm>>, %arg3: memref<128xf32, #tpu.memory_space<hbm>>, %arg4: memref<10240xf32, #tpu.memory_space<hbm>>, %arg5: memref<2x10240xf32, #tpu.memory_space<hbm>>, %arg6: memref<80x128xi32, #tpu.memory_space<vmem>>, %arg7: memref<128xf32, #tpu.memory_space<vmem>>, %arg8: memref<10240xf32, #tpu.memory_space<vmem_shared>>) attributes {dimension_semantics = [#tpu.dimension_semantics<core_parallel>, #tpu.dimension_semantics<subcore_parallel>], iteration_bounds = array<i64: 2, 16>, scalar_prefetch = 0 : i64, scratch_operands = 3 : i64, tpu.core_type = #tpu.core_type<sc_vector_subcore>, window_params = [{transform_indices = #map}, {transform_indices = #map1}, {transform_indices = #map1}, {transform_indices = #map}]} {
    %mul3A = arith.constant 16 : i32
    %mul3A_0 = arith.muli %arg0, %mul3A : i32
    %add3A = arith.addi %mul3A_0, %arg1 : i32
    %mul3A_1 = arith.constant 640 : i32
    %mul3A_2 = arith.muli %arg1, %mul3A_1 : i32
    %mul3A_3 = arith.constant 80 : i32
    %mul3A_4 = arith.muli %add3A, %mul3A_3 : i32
    "tpu.region"() ({
      %run_scoped3A = tpu.sem_alloc : memref<!tpu.dma_semaphore, #tpu.memory_space<semaphore_mem>>
      %dma_start3A = arith.constant 0 : i32
      %dma_start3A_11 = tpu.memref_slice %arg2[%mul3A_4, %dma_start3A] : memref<2560x128xi32, #tpu.memory_space<hbm>> -> memref<80x128xi32, #tpu.memory_space<hbm>>
      %dma_start3A_12 = arith.constant 0 : i32
      %dma_start3A_13 = tpu.memref_slice %arg2[%mul3A_4, %dma_start3A_12] : memref<2560x128xi32, #tpu.memory_space<hbm>> -> memref<80x128xi32, #tpu.memory_space<hbm>>
      tpu.enqueue_dma source(%dma_start3A_13 : memref<80x128xi32, #tpu.memory_space<hbm>>) target(%arg6 : memref<80x128xi32, #tpu.memory_space<vmem>>) target_semaphore(%run_scoped3A : memref<!tpu.dma_semaphore, #tpu.memory_space<semaphore_mem>>)
      %dma_wait3A = arith.constant 0 : i32
      %dma_wait3A_14 = tpu.memref_slice %arg2[%mul3A_4, %dma_wait3A] : memref<2560x128xi32, #tpu.memory_space<hbm>> -> memref<80x128xi32, #tpu.memory_space<hbm>>
      %dma_wait3A_15 = arith.constant 0 : i32
      %dma_wait3A_16 = tpu.memref_slice %arg2[%mul3A_4, %dma_wait3A_15] : memref<2560x128xi32, #tpu.memory_space<hbm>> -> memref<80x128xi32, #tpu.memory_space<hbm>>
      tpu.wait_dma2 semaphore(%run_scoped3A : memref<!tpu.dma_semaphore, #tpu.memory_space<semaphore_mem>>) src(%dma_wait3A_16 : memref<80x128xi32, #tpu.memory_space<hbm>>) dst(%arg6 : memref<80x128xi32, #tpu.memory_space<vmem>>)
      tpu.yield
    }) : () -> ()
    "tpu.region"() ({
      %run_scoped3A = tpu.sem_alloc : memref<!tpu.dma_semaphore, #tpu.memory_space<semaphore_mem>>
      tpu.enqueue_dma source(%arg3 : memref<128xf32, #tpu.memory_space<hbm>>) target(%arg7 : memref<128xf32, #tpu.memory_space<vmem>>) target_semaphore(%run_scoped3A : memref<!tpu.dma_semaphore, #tpu.memory_space<semaphore_mem>>)
      tpu.wait_dma2 semaphore(%run_scoped3A : memref<!tpu.dma_semaphore, #tpu.memory_space<semaphore_mem>>) src(%arg3 : memref<128xf32, #tpu.memory_space<hbm>>) dst(%arg7 : memref<128xf32, #tpu.memory_space<vmem>>)
      tpu.yield
    }) : () -> ()
    "tpu.region"() ({
      %run_scoped3A = tpu.sem_alloc : memref<!tpu.dma_semaphore, #tpu.memory_space<semaphore_mem>>
      %dma_start3A = tpu.memref_slice %arg8[%mul3A_2] : memref<10240xf32, #tpu.memory_space<vmem_shared>> -> memref<640xf32, #tpu.memory_space<vmem_shared>>
      %dma_start3A_11 = tpu.memref_slice %arg4[%mul3A_2] : memref<10240xf32, #tpu.memory_space<hbm>> -> memref<640xf32, #tpu.memory_space<hbm>>
      tpu.enqueue_dma source(%dma_start3A_11 : memref<640xf32, #tpu.memory_space<hbm>>) target(%dma_start3A : memref<640xf32, #tpu.memory_space<vmem_shared>>) target_semaphore(%run_scoped3A : memref<!tpu.dma_semaphore, #tpu.memory_space<semaphore_mem>>)
      %dma_wait3A = tpu.memref_slice %arg8[%mul3A_2] : memref<10240xf32, #tpu.memory_space<vmem_shared>> -> memref<640xf32, #tpu.memory_space<vmem_shared>>
      %dma_wait3A_12 = tpu.memref_slice %arg4[%mul3A_2] : memref<10240xf32, #tpu.memory_space<hbm>> -> memref<640xf32, #tpu.memory_space<hbm>>
      tpu.wait_dma2 semaphore(%run_scoped3A : memref<!tpu.dma_semaphore, #tpu.memory_space<semaphore_mem>>) src(%dma_wait3A_12 : memref<640xf32, #tpu.memory_space<hbm>>) dst(%dma_wait3A : memref<640xf32, #tpu.memory_space<vmem_shared>>)
      tpu.yield
    }) : () -> ()
    %barrier3A = arith.constant 0 : index
    tpu.barrier barrier_id(%barrier3A)
    %scan3A = arith.constant 0 : i32
    %scan3A_5 = arith.constant 0 : i32
    %scan3A_6 = arith.constant 80 : i32
    %scan3A_7 = arith.addi %scan3A_5, %scan3A_6 : i32
    %scan3A_8 = arith.constant 1 : i32
    scf.for %scan3A_11 = %scan3A_5 to %scan3A_7 step %scan3A_8  : i32 {
      "tpu.region"() ({
        %run_scoped3A = tpu.sem_alloc : memref<!tpu.dma_semaphore, #tpu.memory_space<semaphore_mem>>
        %dma_start3A = arith.constant 0 : i32
        %dma_start3A_12 = tpu.memref_slice %arg6[%scan3A_11, %dma_start3A] : memref<80x128xi32, #tpu.memory_space<vmem>> -> memref<1x128xi32, #tpu.memory_space<vmem>>
        %dma_start3A_13 = tpu.memref_squeeze %dma_start3A_12 : memref<1x128xi32, #tpu.memory_space<vmem>> -> memref<128xi32, #tpu.memory_space<vmem>>
        %dma_start3A_14 = arith.constant 0 : i32
        %dma_start3A_15 = tpu.memref_slice %arg8[%dma_start3A_14] : memref<10240xf32, #tpu.memory_space<vmem_shared>> -> memref<10240xf32, #tpu.memory_space<vmem_shared>>
        tpu.enqueue_indirect_dma source(%arg7 : memref<128xf32, #tpu.memory_space<vmem>>) target(%dma_start3A_15 : memref<10240xf32, #tpu.memory_space<vmem_shared>>) offsets(%dma_start3A_13 : memref<128xi32, #tpu.memory_space<vmem>>) semaphore(%run_scoped3A : memref<!tpu.dma_semaphore, #tpu.memory_space<semaphore_mem>>) {add = true}
        %dma_wait3A = arith.constant 0 : i32
        %dma_wait3A_16 = tpu.memref_slice %arg6[%scan3A_11, %dma_wait3A] : memref<80x128xi32, #tpu.memory_space<vmem>> -> memref<1x128xi32, #tpu.memory_space<vmem>>
        %dma_wait3A_17 = tpu.memref_squeeze %dma_wait3A_16 : memref<1x128xi32, #tpu.memory_space<vmem>> -> memref<128xi32, #tpu.memory_space<vmem>>
        %dma_wait3A_18 = arith.constant 0 : i32
        %dma_wait3A_19 = tpu.memref_slice %arg8[%dma_wait3A_18] : memref<10240xf32, #tpu.memory_space<vmem_shared>> -> memref<10240xf32, #tpu.memory_space<vmem_shared>>
        tpu.wait_indirect_dma semaphore(%run_scoped3A : memref<!tpu.dma_semaphore, #tpu.memory_space<semaphore_mem>>) src(%arg7 : memref<128xf32, #tpu.memory_space<vmem>>) dst(%dma_wait3A_19 : memref<10240xf32, #tpu.memory_space<vmem_shared>>)
        tpu.yield
      }) : () -> ()
    }
    %scan3A_9 = arith.constant 80 : i32
    %barrier3A_10 = arith.constant 0 : index
    tpu.barrier barrier_id(%barrier3A_10)
    "tpu.region"() ({
      %run_scoped3A = tpu.sem_alloc : memref<!tpu.dma_semaphore, #tpu.memory_space<semaphore_mem>>
      %dma_start3A = arith.constant 0 : i32
      %dma_start3A_11 = tpu.memref_slice %arg5[%arg0, %dma_start3A] : memref<2x10240xf32, #tpu.memory_space<hbm>> -> memref<1x10240xf32, #tpu.memory_space<hbm>>
      %dma_start3A_12 = tpu.memref_squeeze %dma_start3A_11 : memref<1x10240xf32, #tpu.memory_space<hbm>> -> memref<10240xf32, #tpu.memory_space<hbm>>
      %dma_start3A_13 = tpu.memref_slice %dma_start3A_12[%mul3A_2] : memref<10240xf32, #tpu.memory_space<hbm>> -> memref<640xf32, #tpu.memory_space<hbm>>
      %dma_start3A_14 = tpu.memref_slice %arg8[%mul3A_2] : memref<10240xf32, #tpu.memory_space<vmem_shared>> -> memref<640xf32, #tpu.memory_space<vmem_shared>>
      tpu.enqueue_dma source(%dma_start3A_14 : memref<640xf32, #tpu.memory_space<vmem_shared>>) target(%dma_start3A_13 : memref<640xf32, #tpu.memory_space<hbm>>) target_semaphore(%run_scoped3A : memref<!tpu.dma_semaphore, #tpu.memory_space<semaphore_mem>>)
      %dma_wait3A = arith.constant 0 : i32
      %dma_wait3A_15 = tpu.memref_slice %arg5[%arg0, %dma_wait3A] : memref<2x10240xf32, #tpu.memory_space<hbm>> -> memref<1x10240xf32, #tpu.memory_space<hbm>>
      %dma_wait3A_16 = tpu.memref_squeeze %dma_wait3A_15 : memref<1x10240xf32, #tpu.memory_space<hbm>> -> memref<10240xf32, #tpu.memory_space<hbm>>
      %dma_wait3A_17 = tpu.memref_slice %dma_wait3A_16[%mul3A_2] : memref<10240xf32, #tpu.memory_space<hbm>> -> memref<640xf32, #tpu.memory_space<hbm>>
      %dma_wait3A_18 = tpu.memref_slice %arg8[%mul3A_2] : memref<10240xf32, #tpu.memory_space<vmem_shared>> -> memref<640xf32, #tpu.memory_space<vmem_shared>>
      tpu.wait_dma2 semaphore(%run_scoped3A : memref<!tpu.dma_semaphore, #tpu.memory_space<semaphore_mem>>) src(%dma_wait3A_18 : memref<640xf32, #tpu.memory_space<vmem_shared>>) dst(%dma_wait3A_17 : memref<640xf32, #tpu.memory_space<hbm>>)
      tpu.yield
    }) : () -> ()
    return
  }
}

module attributes {stable_mosaic.version = 14 : i64} {
  func.func @_prep_body(%arg0: i32, %arg1: memref<2x400x1xf32, #tpu.memory_space<vmem>>, %arg2: memref<400x128xf32, #tpu.memory_space<vmem>>, %arg3: memref<128x128xf32, #tpu.memory_space<vmem>>, %arg4: memref<400x128xf32, #tpu.memory_space<vmem>>) attributes {dimension_semantics = [#tpu.dimension_semantics<arbitrary>], iteration_bounds = array<i64: 25>, scalar_prefetch = 0 : i64, scratch_operands = 0 : i64, tpu.core_type = #tpu.core_type<tc>, window_params = [{transform_indices = @transform_0, window_bounds = array<i64: 2, 400, 1>}, {transform_indices = @transform_1, window_bounds = array<i64: 400, 128>}, {pipeline_mode = #tpu.pipeline_mode<synchronous>, transform_indices = @transform_2, window_bounds = array<i64: 128, 128>}, {transform_indices = @transform_3, window_bounds = array<i64: 400, 128>}]} {
    %get3A = arith.constant 0 : index
    %get3A_0 = arith.constant 0 : index
    %get3A_1 = arith.constant 0 : index
    %get3A_2 = vector.load %arg1[%get3A, %get3A_0, %get3A_1] : memref<2x400x1xf32, #tpu.memory_space<vmem>>, vector<2x400x1xf32>
    %slice3A = vector.extract_strided_slice %get3A_2 {offsets = [0, 0, 0], sizes = [1, 400, 1], strides = [1, 1, 1]} : vector<2x400x1xf32> to vector<1x400x1xf32>
    %squeeze3A = vector.shape_cast %slice3A : vector<1x400x1xf32> to vector<400x1xf32>
    %slice3A_3 = vector.extract_strided_slice %get3A_2 {offsets = [1, 0, 0], sizes = [1, 400, 1], strides = [1, 1, 1]} : vector<2x400x1xf32> to vector<1x400x1xf32>
    %squeeze3A_4 = vector.shape_cast %slice3A_3 : vector<1x400x1xf32> to vector<400x1xf32>
    %add3A = arith.addf %squeeze3A, %squeeze3A_4 : vector<400x1xf32>
    %add3A_5 = arith.constant 1.000000e+00 : f32
    %add3A_6 = vector.broadcast %add3A_5 : f32 to vector<400x1xf32>
    %add3A_7 = arith.addf %add3A, %add3A_6 : vector<400x1xf32>
    %rsqrt3A = math.rsqrt %add3A_7 : vector<400x1xf32>
    %get3A_8 = arith.constant 0 : index
    %get3A_9 = arith.constant 0 : index
    %get3A_10 = vector.load %arg2[%get3A_8, %get3A_9] : memref<400x128xf32, #tpu.memory_space<vmem>>, vector<400x128xf32>
    %get3A_11 = arith.constant 0 : index
    %get3A_12 = arith.constant 0 : index
    %get3A_13 = vector.load %arg3[%get3A_11, %get3A_12] : memref<128x128xf32, #tpu.memory_space<vmem>>, vector<128x128xf32>
    %dot_general3A = arith.constant dense<0.000000e+00> : vector<400x128xf32>
    %dot_general3A_14 = tpu.matmul %get3A_10, %get3A_13, %dot_general3A {dimension_numbers = #tpu.dot_dimension_numbers<[1], [0], [0], [1], [0, 0, 1, 1], [], []>, transpose_lhs_hint = false} : vector<400x128xf32>, vector<128x128xf32>, vector<400x128xf32> -> vector<400x128xf32>
    %mul3A = vector.broadcast %rsqrt3A : vector<400x1xf32> to vector<400x128xf32>
    %mul3A_15 = arith.mulf %dot_general3A_14, %mul3A : vector<400x128xf32>
    %swap3A = arith.constant 0 : index
    %swap3A_16 = arith.constant 0 : index
    %swap3A_17 = vector.load %arg4[%swap3A, %swap3A_16] : memref<400x128xf32, #tpu.memory_space<vmem>>, vector<400x128xf32>
    tpu.vector_store %arg4[%swap3A, %swap3A_16], %mul3A_15 {strides = array<i32>} : memref<400x128xf32, #tpu.memory_space<vmem>>, vector<400x128xf32>,
    return
  }
  func.func @transform_0(%arg0: i32) -> (i32, i32, i32) {
    %c0_i32 = arith.constant 0 : i32
    %c0_i32_0 = arith.constant 0 : i32
    %c0_i32_1 = arith.constant 0 : i32
    return %c0_i32, %arg0, %c0_i32_0 : i32, i32, i32
  }
  func.func @transform_1(%arg0: i32) -> (i32, i32) {
    %c0_i32 = arith.constant 0 : i32
    %c0_i32_0 = arith.constant 0 : i32
    return %arg0, %c0_i32 : i32, i32
  }
  func.func @transform_2(%arg0: i32) -> (i32, i32) {
    %c0_i32 = arith.constant 0 : i32
    %c0_i32_0 = arith.constant 0 : i32
    %c0_i32_1 = arith.constant 0 : i32
    return %c0_i32, %c0_i32_0 : i32, i32
  }
  func.func @transform_3(%arg0: i32) -> (i32, i32) {
    %c0_i32 = arith.constant 0 : i32
    %c0_i32_0 = arith.constant 0 : i32
    return %arg0, %c0_i32 : i32, i32
  }
}

module attributes {stable_mosaic.version = 14 : i64} {
  func.func @_final_body(%arg0: i32, %arg1: memref<2x400x1xf32, #tpu.memory_space<vmem>>, %arg2: memref<2x400x128xf32, #tpu.memory_space<vmem>>, %arg3: memref<400x128xf32, #tpu.memory_space<vmem>>, %arg4: memref<1x128xf32, #tpu.memory_space<vmem>>, %arg5: memref<400x128xf32, #tpu.memory_space<vmem>>) attributes {dimension_semantics = [#tpu.dimension_semantics<arbitrary>], iteration_bounds = array<i64: 25>, scalar_prefetch = 0 : i64, scratch_operands = 0 : i64, tpu.core_type = #tpu.core_type<tc>, window_params = [{transform_indices = @transform_0, window_bounds = array<i64: 2, 400, 1>}, {transform_indices = @transform_1, window_bounds = array<i64: 2, 400, 128>}, {transform_indices = @transform_2, window_bounds = array<i64: 400, 128>}, {pipeline_mode = #tpu.pipeline_mode<synchronous>, transform_indices = @transform_3, window_bounds = array<i64: 1, 128>}, {transform_indices = @transform_4, window_bounds = array<i64: 400, 128>}]} {
    %get3A = arith.constant 0 : index
    %get3A_0 = arith.constant 0 : index
    %get3A_1 = arith.constant 0 : index
    %get3A_2 = vector.load %arg1[%get3A, %get3A_0, %get3A_1] : memref<2x400x1xf32, #tpu.memory_space<vmem>>, vector<2x400x1xf32>
    %slice3A = vector.extract_strided_slice %get3A_2 {offsets = [0, 0, 0], sizes = [1, 400, 1], strides = [1, 1, 1]} : vector<2x400x1xf32> to vector<1x400x1xf32>
    %squeeze3A = vector.shape_cast %slice3A : vector<1x400x1xf32> to vector<400x1xf32>
    %slice3A_3 = vector.extract_strided_slice %get3A_2 {offsets = [1, 0, 0], sizes = [1, 400, 1], strides = [1, 1, 1]} : vector<2x400x1xf32> to vector<1x400x1xf32>
    %squeeze3A_4 = vector.shape_cast %slice3A_3 : vector<1x400x1xf32> to vector<400x1xf32>
    %add3A = arith.addf %squeeze3A, %squeeze3A_4 : vector<400x1xf32>
    %add3A_5 = arith.constant 1.000000e+00 : f32
    %add3A_6 = vector.broadcast %add3A_5 : f32 to vector<400x1xf32>
    %add3A_7 = arith.addf %add3A, %add3A_6 : vector<400x1xf32>
    %rsqrt3A = math.rsqrt %add3A_7 : vector<400x1xf32>
    %get3A_8 = arith.constant 0 : index
    %get3A_9 = arith.constant 0 : index
    %get3A_10 = arith.constant 0 : index
    %get3A_11 = vector.load %arg2[%get3A_8, %get3A_9, %get3A_10] : memref<2x400x128xf32, #tpu.memory_space<vmem>>, vector<2x400x128xf32>
    %slice3A_12 = vector.extract_strided_slice %get3A_11 {offsets = [0, 0, 0], sizes = [1, 400, 128], strides = [1, 1, 1]} : vector<2x400x128xf32> to vector<1x400x128xf32>
    %squeeze3A_13 = vector.shape_cast %slice3A_12 : vector<1x400x128xf32> to vector<400x128xf32>
    %slice3A_14 = vector.extract_strided_slice %get3A_11 {offsets = [1, 0, 0], sizes = [1, 400, 128], strides = [1, 1, 1]} : vector<2x400x128xf32> to vector<1x400x128xf32>
    %squeeze3A_15 = vector.shape_cast %slice3A_14 : vector<1x400x128xf32> to vector<400x128xf32>
    %add3A_16 = arith.addf %squeeze3A_13, %squeeze3A_15 : vector<400x128xf32>
    %get3A_17 = arith.constant 0 : index
    %get3A_18 = arith.constant 0 : index
    %get3A_19 = vector.load %arg3[%get3A_17, %get3A_18] : memref<400x128xf32, #tpu.memory_space<vmem>>, vector<400x128xf32>
    %add3A_20 = arith.addf %add3A_16, %get3A_19 : vector<400x128xf32>
    %mul3A = vector.broadcast %rsqrt3A : vector<400x1xf32> to vector<400x128xf32>
    %mul3A_21 = arith.mulf %mul3A, %add3A_20 : vector<400x128xf32>
    %get3A_22 = arith.constant 0 : index
    %get3A_23 = arith.constant 0 : index
    %get3A_24 = vector.load %arg4[%get3A_22, %get3A_23] : memref<1x128xf32, #tpu.memory_space<vmem>>, vector<1x128xf32>
    %add3A_25 = vector.broadcast %get3A_24 : vector<1x128xf32> to vector<400x128xf32>
    %add3A_26 = arith.addf %mul3A_21, %add3A_25 : vector<400x128xf32>
    %max3A = arith.constant 0.000000e+00 : f32
    %max3A_27 = vector.broadcast %max3A : f32 to vector<400x128xf32>
    %max3A_28 = arith.maximumf %add3A_26, %max3A_27 : vector<400x128xf32>
    %swap3A = arith.constant 0 : index
    %swap3A_29 = arith.constant 0 : index
    %swap3A_30 = vector.load %arg5[%swap3A, %swap3A_29] : memref<400x128xf32, #tpu.memory_space<vmem>>, vector<400x128xf32>
    tpu.vector_store %arg5[%swap3A, %swap3A_29], %max3A_28 {strides = array<i32>} : memref<400x128xf32, #tpu.memory_space<vmem>>, vector<400x128xf32>,
    return
  }
  func.func @transform_0(%arg0: i32) -> (i32, i32, i32) {
    %c0_i32 = arith.constant 0 : i32
    %c0_i32_0 = arith.constant 0 : i32
    %c0_i32_1 = arith.constant 0 : i32
    return %c0_i32, %arg0, %c0_i32_0 : i32, i32, i32
  }
  func.func @transform_1(%arg0: i32) -> (i32, i32, i32) {
    %c0_i32 = arith.constant 0 : i32
    %c0_i32_0 = arith.constant 0 : i32
    %c0_i32_1 = arith.constant 0 : i32
    return %c0_i32, %arg0, %c0_i32_0 : i32, i32, i32
  }
  func.func @transform_2(%arg0: i32) -> (i32, i32) {
    %c0_i32 = arith.constant 0 : i32
    %c0_i32_0 = arith.constant 0 : i32
    return %arg0, %c0_i32 : i32, i32
  }
  func.func @transform_3(%arg0: i32) -> (i32, i32) {
    %c0_i32 = arith.constant 0 : i32
    %c0_i32_0 = arith.constant 0 : i32
    %c0_i32_1 = arith.constant 0 : i32
    return %c0_i32, %c0_i32_0 : i32, i32
  }
  func.func @transform_4(%arg0: i32) -> (i32, i32) {
    %c0_i32 = arith.constant 0 : i32
    %c0_i32_0 = arith.constant 0 : i32
    return %arg0, %c0_i32 : i32, i32
  }
}

module attributes {stable_mosaic.version = 14 : i64} {
  func.func @_mid_body(%arg0: i32, %arg1: memref<2x400x1xf32, #tpu.memory_space<vmem>>, %arg2: memref<2x400x128xf32, #tpu.memory_space<vmem>>, %arg3: memref<400x128xf32, #tpu.memory_space<vmem>>, %arg4: memref<1x128xf32, #tpu.memory_space<vmem>>, %arg5: memref<128x128xf32, #tpu.memory_space<vmem>>, %arg6: memref<400x128xf32, #tpu.memory_space<vmem>>) attributes {dimension_semantics = [#tpu.dimension_semantics<arbitrary>], iteration_bounds = array<i64: 25>, scalar_prefetch = 0 : i64, scratch_operands = 0 : i64, tpu.core_type = #tpu.core_type<tc>, window_params = [{transform_indices = @transform_0, window_bounds = array<i64: 2, 400, 1>}, {transform_indices = @transform_1, window_bounds = array<i64: 2, 400, 128>}, {transform_indices = @transform_2, window_bounds = array<i64: 400, 128>}, {pipeline_mode = #tpu.pipeline_mode<synchronous>, transform_indices = @transform_3, window_bounds = array<i64: 1, 128>}, {pipeline_mode = #tpu.pipeline_mode<synchronous>, transform_indices = @transform_4, window_bounds = array<i64: 128, 128>}, {transform_indices = @transform_5, window_bounds = array<i64: 400, 128>}]} {
    %get3A = arith.constant 0 : index
    %get3A_0 = arith.constant 0 : index
    %get3A_1 = arith.constant 0 : index
    %get3A_2 = vector.load %arg1[%get3A, %get3A_0, %get3A_1] : memref<2x400x1xf32, #tpu.memory_space<vmem>>, vector<2x400x1xf32>
    %slice3A = vector.extract_strided_slice %get3A_2 {offsets = [0, 0, 0], sizes = [1, 400, 1], strides = [1, 1, 1]} : vector<2x400x1xf32> to vector<1x400x1xf32>
    %squeeze3A = vector.shape_cast %slice3A : vector<1x400x1xf32> to vector<400x1xf32>
    %slice3A_3 = vector.extract_strided_slice %get3A_2 {offsets = [1, 0, 0], sizes = [1, 400, 1], strides = [1, 1, 1]} : vector<2x400x1xf32> to vector<1x400x1xf32>
    %squeeze3A_4 = vector.shape_cast %slice3A_3 : vector<1x400x1xf32> to vector<400x1xf32>
    %add3A = arith.addf %squeeze3A, %squeeze3A_4 : vector<400x1xf32>
    %add3A_5 = arith.constant 1.000000e+00 : f32
    %add3A_6 = vector.broadcast %add3A_5 : f32 to vector<400x1xf32>
    %add3A_7 = arith.addf %add3A, %add3A_6 : vector<400x1xf32>
    %rsqrt3A = math.rsqrt %add3A_7 : vector<400x1xf32>
    %get3A_8 = arith.constant 0 : index
    %get3A_9 = arith.constant 0 : index
    %get3A_10 = arith.constant 0 : index
    %get3A_11 = vector.load %arg2[%get3A_8, %get3A_9, %get3A_10] : memref<2x400x128xf32, #tpu.memory_space<vmem>>, vector<2x400x128xf32>
    %slice3A_12 = vector.extract_strided_slice %get3A_11 {offsets = [0, 0, 0], sizes = [1, 400, 128], strides = [1, 1, 1]} : vector<2x400x128xf32> to vector<1x400x128xf32>
    %squeeze3A_13 = vector.shape_cast %slice3A_12 : vector<1x400x128xf32> to vector<400x128xf32>
    %slice3A_14 = vector.extract_strided_slice %get3A_11 {offsets = [1, 0, 0], sizes = [1, 400, 128], strides = [1, 1, 1]} : vector<2x400x128xf32> to vector<1x400x128xf32>
    %squeeze3A_15 = vector.shape_cast %slice3A_14 : vector<1x400x128xf32> to vector<400x128xf32>
    %add3A_16 = arith.addf %squeeze3A_13, %squeeze3A_15 : vector<400x128xf32>
    %get3A_17 = arith.constant 0 : index
    %get3A_18 = arith.constant 0 : index
    %get3A_19 = vector.load %arg3[%get3A_17, %get3A_18] : memref<400x128xf32, #tpu.memory_space<vmem>>, vector<400x128xf32>
    %add3A_20 = arith.addf %add3A_16, %get3A_19 : vector<400x128xf32>
    %mul3A = vector.broadcast %rsqrt3A : vector<400x1xf32> to vector<400x128xf32>
    %mul3A_21 = arith.mulf %mul3A, %add3A_20 : vector<400x128xf32>
    %get3A_22 = arith.constant 0 : index
    %get3A_23 = arith.constant 0 : index
    %get3A_24 = vector.load %arg4[%get3A_22, %get3A_23] : memref<1x128xf32, #tpu.memory_space<vmem>>, vector<1x128xf32>
    %add3A_25 = vector.broadcast %get3A_24 : vector<1x128xf32> to vector<400x128xf32>
    %add3A_26 = arith.addf %mul3A_21, %add3A_25 : vector<400x128xf32>
    %max3A = arith.constant 0.000000e+00 : f32
    %max3A_27 = vector.broadcast %max3A : f32 to vector<400x128xf32>
    %max3A_28 = arith.maximumf %add3A_26, %max3A_27 : vector<400x128xf32>
    %get3A_29 = arith.constant 0 : index
    %get3A_30 = arith.constant 0 : index
    %get3A_31 = vector.load %arg5[%get3A_29, %get3A_30] : memref<128x128xf32, #tpu.memory_space<vmem>>, vector<128x128xf32>
    %dot_general3A = arith.constant dense<0.000000e+00> : vector<400x128xf32>
    %dot_general3A_32 = tpu.matmul %max3A_28, %get3A_31, %dot_general3A {dimension_numbers = #tpu.dot_dimension_numbers<[1], [0], [0], [1], [0, 0, 1, 1], [], []>, transpose_lhs_hint = false} : vector<400x128xf32>, vector<128x128xf32>, vector<400x128xf32> -> vector<400x128xf32>
    %mul3A_33 = vector.broadcast %rsqrt3A : vector<400x1xf32> to vector<400x128xf32>
    %mul3A_34 = arith.mulf %dot_general3A_32, %mul3A_33 : vector<400x128xf32>
    %swap3A = arith.constant 0 : index
    %swap3A_35 = arith.constant 0 : index
    %swap3A_36 = vector.load %arg6[%swap3A, %swap3A_35] : memref<400x128xf32, #tpu.memory_space<vmem>>, vector<400x128xf32>
    tpu.vector_store %arg6[%swap3A, %swap3A_35], %mul3A_34 {strides = array<i32>} : memref<400x128xf32, #tpu.memory_space<vmem>>, vector<400x128xf32>,
    return
  }
  func.func @transform_0(%arg0: i32) -> (i32, i32, i32) {
    %c0_i32 = arith.constant 0 : i32
    %c0_i32_0 = arith.constant 0 : i32
    %c0_i32_1 = arith.constant 0 : i32
    return %c0_i32, %arg0, %c0_i32_0 : i32, i32, i32
  }
  func.func @transform_1(%arg0: i32) -> (i32, i32, i32) {
    %c0_i32 = arith.constant 0 : i32
    %c0_i32_0 = arith.constant 0 : i32
    %c0_i32_1 = arith.constant 0 : i32
    return %c0_i32, %arg0, %c0_i32_0 : i32, i32, i32
  }
  func.func @transform_2(%arg0: i32) -> (i32, i32) {
    %c0_i32 = arith.constant 0 : i32
    %c0_i32_0 = arith.constant 0 : i32
    return %arg0, %c0_i32 : i32, i32
  }
  func.func @transform_3(%arg0: i32) -> (i32, i32) {
    %c0_i32 = arith.constant 0 : i32
    %c0_i32_0 = arith.constant 0 : i32
    %c0_i32_1 = arith.constant 0 : i32
    return %c0_i32, %c0_i32_0 : i32, i32
  }
  func.func @transform_4(%arg0: i32) -> (i32, i32) {
    %c0_i32 = arith.constant 0 : i32
    %c0_i32_0 = arith.constant 0 : i32
    %c0_i32_1 = arith.constant 0 : i32
    return %c0_i32, %c0_i32_0 : i32, i32
  }
  func.func @transform_5(%arg0: i32) -> (i32, i32) {
    %c0_i32 = arith.constant 0 : i32
    %c0_i32_0 = arith.constant 0 : i32
    return %arg0, %c0_i32 : i32, i32
  }
}

</mosaic_0001>

<sc_bundles>
// kernel: _gcn.11.cloned.1.call-start
scs
__scs_entry_jumppad:
0x0: {  	(pc) =	sbr.rel $0x88, $3  }
0x1: {  	(tag) =	ssettag $0x0;
	lr =	simm.s32 $0x1  }
0x2: {  	[smem:$0x3F9B] =	sst lr;
	_ =	strace $0xD0000000  }
0x3: {  	_ = 	snop  }
0x4: {  	_ = 	snop  }
0x5: {  	_ = 	snop  }
0x6: {  	_ = 	snop  }
0x7: {  	_ = 	snop  }
__scs_overlays_trampoline_lowered:
0x8: {  	[smem:$0x3FAA] =	sst s0  }
0x9: {  	[smem:$0x3FAB] =	sst s1  }
0xa: {  	[smem:$0x3FAC] =	sst s2  }
0xb: {  	[smem:$0x3FAD] =	sst s3  }
0xc: {  	[smem:$0x3FAE] =	sst s4  }
0xd: {  	[smem:$0x3FAF] =	sst s5  }
0xe: {  	[smem:$0x3FB0] =	sst s6  }
0xf: {  	[smem:$0x3FB1] =	sst s7  }
0x10: {  	[smem:$0x3FB2] =	sst s8  }
0x11: {  	[smem:$0x3FB3] =	sst s9;
	s0 =	simm.s32 @!p0 $0x0  }
0x12: {  	s1 =	sld [smem:$0x3F99];
	s0 =	simm.s32 @p0 $0x1  }
0x13: {  	[smem:$0x3FB4] =	sst s0;
	s0 =	simm.s32 @!p1 $0x0  }
0x14: {  	s2 =	sld [smem:$0x3F98];
	s0 =	simm.s32 @p1 $0x1  }
0x15: {  	[smem:$0x3FB5] =	sst s0;
	s0 =	simm.s32 @!p2 $0x0  }
0x16: {  	s3 =	sld [smem:$0x3FDB];
	s0 =	simm.s32 @p2 $0x1  }
0x17: {  	s4 =	simm.s32 $0x1BF5;
	[smem:$0x3FB7] =	sst s0  }
0x18: {  	s0 =	sld [smem:$0x3F9A];
	_ =	swait.ge [sflag:s4], $0x0  }
0x19: {  	s7 =	sld [smem:$0x3F9B]  }
0x1a: {  	s8 =	sadd.s32 $0xFFFFE003, lr  }
0x1b: {  	s9 =	sadd.s32 $0xFFFFFEF7, lr;
	s5 =	simm.s32 $0xFFFFFFFF;
	p2 =	slt.u32 s8, $0xFFFFF086  }
0x1c: {  	p1 =	slt.u32 s9, $0xF7A;
	s5 =	simm.s32 @!p2 $0x0  }
0x1d: {  	s5 =	simm.s32 @p1 $0x1;
	p0 =	seq.s32 s7, s2  }
0x1e: {  	s7 =	smul.u32 @!p0 $0xF7A, s2;
	p2 =	seq.s32 @!p0 s5, $0x0  }
0x1f: {  	s9 =	smul.u32 $0xF7A, s1;
	s8 =	simm.s32 @!p0 $0x1BF5;
	p2 =	por !p2, p0  }
0x20: {  	[sflag:s8] =	ssyncset.s32 @!p0 $0xFFFFF086;
	s6 =	sadd.s32 @!p0 s3, s7;
	s7 =	simm.s32 @!p0 $0x108  }
0x21: {  	s3 =	sadd.s32 s3, s9;
	s6 =	sadd.s32 @!p0 $0x88, s6;
	s7 =	simm.s32 @p2 $0x1082  }
0x22: {  	[simem:s7], [sflag:s8] =	dma.local @!p0 [hbm:s6], $0xF7A  }
0x23: {  	s9 =	sor.u32 $0xD0000000, s2;
	s6 =	simm.s32 $0x108;
	_ =	swait.ge @!p0 [sflag:s8], $0x0  }
0x24: {  	s3 =	sadd.s32 $0x88, s3;
	s6 =	simm.s32 @!p1 $0x1082;
	[sflag:s4] =	ssyncset.s32 $0xFFFFF086  }
0x25: {  	[simem:s6], [sflag:s4] =	dma.local [hbm:s3], $0xF7A  }
0x26: {  	[smem:$0x3F9B] =	sst s1;
	(tag) =	ssettag s2;
	_ =	strace s9  }
0x27: {  	s1 =	sld [smem:$0x3FAB]  }
0x28: {  	s2 =	sld [smem:$0x3FAC]  }
0x29: {  	s4 =	sld [smem:$0x3FAE]  }
0x2a: {  	p0 =	seq.s32 s5, $0x0;
	s5 =	sld [smem:$0x3FAF]  }
0x2b: {  	s6 =	sld [smem:$0x3FB0]  }
0x2c: {  	s7 =	sld [smem:$0x3FB1]  }
0x2d: {  	s3 =	simm.s32 $0x108;
	s8 =	sld [smem:$0x3FB2]  }
0x2e: {  	s3 =	simm.s32 @!p0 $0x1082;
	s9 =	sld [smem:$0x3FB3]  }
0x2f: {  	lr =	sadd.s32 s0, s3;
	s0 =	sld [smem:$0x3FAA]  }
0x30: {  	s3 =	sld [smem:$0x3FAD]  }
0x31: {  	[smem:$0x3FB6] =	sst s10  }
0x32: {  	s10 =	sld [smem:$0x3FB4];
	_ =	sdelay $0x3  }
0x33: {  	p0 =	seq.s32 s10, $0x1;
	s10 =	sld [smem:$0x3FB6];
	_ =	sdelay $0x3  }
0x34: {  	[smem:$0x3FB6] =	sst s10  }
0x35: {  	s10 =	sld [smem:$0x3FB5];
	_ =	sdelay $0x3  }
0x36: {  	p1 =	seq.s32 s10, $0x1;
	s10 =	sld [smem:$0x3FB6];
	_ =	sdelay $0x3  }
0x37: {  	[smem:$0x3FB6] =	sst s10  }
0x38: {  	s10 =	sld [smem:$0x3FB7]  }
0x39: {  	_ = 	snop;
	(pc) =	sbr.ind lr, $3  }
0x3a: {  	_ = 	snop  }
0x3b: {  	_ = 	snop  }
0x3c: {  	p2 =	seq.s32 s10, $0x1;
	s10 =	sld [smem:$0x3FB6]  }
0x3d: {  	_ =	shalt  }
0x3e: {  	_ =	shalt  }
0x3f: {  	_ =	shalt  }
0x40: {  	_ =	shalt  }
0x41: {  	_ =	shalt  }
0x42: {  	_ =	shalt  }
0x43: {  	_ =	shalt  }
0x44: {  	_ =	shalt  }
0x45: {  	_ =	shalt  }
0x46: {  	_ =	shalt  }
0x47: {  	_ =	shalt  }
0x48: {  	_ =	shalt  }
0x49: {  	_ =	shalt  }
0x4a: {  	_ =	shalt  }
0x4b: {  	_ =	shalt  }
0x4c: {  	_ =	shalt  }
0x4d: {  	_ =	shalt  }
0x4e: {  	_ =	shalt  }
0x4f: {  	_ =	shalt  }
0x50: {  	_ =	shalt  }
0x51: {  	_ =	shalt  }
0x52: {  	_ =	shalt  }
0x53: {  	_ =	shalt  }
0x54: {  	_ =	shalt  }
0x55: {  	_ =	shalt  }
0x56: {  	_ =	shalt  }
0x57: {  	_ =	shalt  }
0x58: {  	_ =	shalt  }
0x59: {  	_ =	shalt  }
0x5a: {  	_ =	shalt  }
0x5b: {  	_ =	shalt  }
0x5c: {  	_ =	shalt  }
0x5d: {  	_ =	shalt  }
0x5e: {  	_ =	shalt  }
0x5f: {  	_ =	shalt  }
0x60: {  	_ =	shalt  }
0x61: {  	_ =	shalt  }
0x62: {  	_ =	shalt  }
0x63: {  	_ =	shalt  }
0x64: {  	_ =	shalt  }
0x65: {  	_ =	shalt  }
0x66: {  	_ =	shalt  }
0x67: {  	_ =	shalt  }
0x68: {  	_ =	shalt  }
0x69: {  	_ =	shalt  }
0x6a: {  	_ =	shalt  }
0x6b: {  	_ =	shalt  }
0x6c: {  	_ =	shalt  }
0x6d: {  	_ =	shalt  }
0x6e: {  	_ =	shalt  }
0x6f: {  	_ =	shalt  }
0x70: {  	_ =	shalt  }
0x71: {  	_ =	shalt  }
0x72: {  	_ =	shalt  }
0x73: {  	_ =	shalt  }
0x74: {  	_ =	shalt  }
0x75: {  	_ =	shalt  }
0x76: {  	_ =	shalt  }
0x77: {  	_ =	shalt  }
0x78: {  	_ =	shalt  }
0x79: {  	_ =	shalt  }
0x7a: {  	_ =	shalt  }
0x7b: {  	_ =	shalt  }
0x7c: {  	_ =	shalt  }
0x7d: {  	_ =	shalt  }
0x7e: {  	_ =	shalt  }
0x7f: {  	_ =	shalt  }
0x80: {  	_ =	shalt  }
0x81: {  	_ =	shalt  }
0x82: {  	_ =	shalt  }
0x83: {  	_ =	shalt  }
0x84: {  	_ =	shalt  }
0x85: {  	_ =	shalt  }
0x86: {  	_ =	shalt  }
0x87: {  	_ =	shalt  }
.Lfunc_end0:
.L_simem_size_0:
called_computation.1_lowered:
.L_overlay_start_0:
0x88: {  	s2 =	sld [smem:$0x3FD9]  }
0x89: {  	s3 =	sld [smem:$0x3FFE];
	_ =	sdelay $0x1  }
0x8a: {  	s1 =	srdreg.scid  }
0x8b: {  	s0 =	sand.u32 $0x1, s1  }
0x8c: {  	s17 =	sshll.u32 s0, $0xA;
	s2 =	sadd.s32 s3, s2  }
0x8d: {  	s2 =	sadd.s32 s2, s17  }
0x8e: {  	[smem:$0x3FC2] =	sst s2  }
0x8f: {  	_ = 	snop  }
0x90: {  	s2 =	sld [smem:$0x3FD0];
	(tm) =	ssettm $0x1  }
0x91: {  	s18 =	sld [smem:$0x3FFB];
	_ =	sdelay $0x3  }
0x92: {  	_ =	strace s18  }
0x93: {  	s3 =	sld [smem:$0x3FFC];
	_ =	sdelay $0x3  }
0x94: {  	_ =	strace s3  }
0x95: {  	s3 =	sld [smem:$0x3FFD];
	_ =	sdelay $0x3  }
0x96: {  	_ =	strace s3  }
0x97: {  	_ =	strace $0x8FFFFFFF  }
0x98: {  	s19 =	sld [smem:$0x3FDB];
	_ =	sdelay $0x1  }
0x99: {  	s4 =	simm.s32 $_scs_section_size  }
0x9a: {  	s5 =	simm.s32 $_size__tile_overlayer_lowered;
	s6 =	simm.s32 $_tile_overlayer_lowered  }
0x9b: {  	s22 =	simm.s32 $0x1BFF;
	s21 =	sshll.u32 s6, $0x1;
	s3 =	sadd.s32 s4, s19  }
0x9c: {  	s7 =	simm.s32 $0x0;
	s20 =	sshll.u32 s5, $0x1;
	s5 =	sadd.s32 s21, s3  }
0x9d: {  	[timem:s7], [sflag:s22] =	dma.local [hbm:s5], s20  }
0x9e: {  	_ =	swait.ge [sflag:s22], s20  }
0x9f: {  	s4 =	ssub.s32 $0x0, s20;
	[sflag:s22] =	ssyncset.done $0x0  }
0xa0: {  	[sflag:s22] =	ssyncadd.s32 s4;
	_ =	sdelay $0x1  }
0xa1: {  	s23 =	simm.s32 $0x1B8B  }
0xa2: {  	_ =	swait.ge [sflag:s23], $0x1  }
0xa3: {  	[sflag:s23] =	ssyncset.done $0x0  }
0xa4: {  	s25 =	simm.s32 $0x1B8E;
	s24 =	sld [smem:$0x3FFE];
	[sflag:s23] =	ssyncadd.s32 $0xFFFFFFFF  }
0xa5: {  	s26 =	simm.s32 $execute0_lowered;
	[smem:$0x3FD2] =	sst s25  }
0xa6: {  	s5 =	sshll.u32 s26, $0x1;
	_ =	strace $0x80000049;
	[dreg:$0x1] =	wrdreg $0xFFFFFFFF  }
0xa7: {  	s28 =	simm.s32 $_size_execute0_lowered;
	s3 =	sadd.s32 s3, s5;
	[dreg:$0x0] =	wrdreg $0x0  }
0xa8: {  	s5 =	sshll.u32 s28, $0x1;
	[dreg:$0x2] =	wrdreg s3  }
0xa9: {  	[dreg:$0x3] =	wrdreg s5  }
0xaa: {  	[dreg:$0x4] =	wrdreg $0xC0  }
0xab: {  	_ =	task [dreg:s7], $0x5FFFF  }
0xac: {  	[dreg:$0x1] =	wrdreg $0xFFFFFFFF  }
0xad: {  	[dreg:$0x0] =	wrdreg $0x60  }
0xae: {  	[dreg:$0x2] =	wrdreg s2  }
0xaf: {  	[dreg:$0x3] =	wrdreg s24  }
0xb0: {  	[dreg:$0x4] =	wrdreg $0xB0000  }
0xb1: {  	[dreg:$0x5] =	wrdreg $0x9  }
0xb2: {  	_ =	task.clear_ibuf [dreg:s7], $0x6FFFF;
	_ =	strace $0x90000049  }
0xb3: {  	s29 =	simm.s32 $0x9;
	_ =	strace $0x8000004B  }
0xb4: {  	_ =	swait.ge [sflag:s29], $0x1  }
0xb5: {  	[sflag:s29] =	ssyncadd.s32 $0xFFFFFFFF  }
0xb6: {  	_ =	strace $0x9000004B  }
0xb7: {  	_ =	sfence  }
0xb8: {  	s30 =	sld [smem:$0x0];
	_ =	sdelay $0x2  }
0xb9: {  	s31 =	sshll.u32 s1, $0xD;
	s1 =	sshrl.u32 s1, $0x2  }
0xba: {  	s3 =	sand.u32 $0x4000, s31;
	s1 =	sadd.s32 s1, s30  }
0xbb: {  	s0 =	sor.u32 s3, s0;
	s1 =	sshll.u32 s1, $0x11  }
0xbc: {  	s0 =	sor.u32 s1, s0  }
0xbd: {  	s0 =	sadd.s32 $0x8F2B, s0  }
0xbe: {  	[sflag:s0] =	ssyncadd.remote.s32 $0x1  }
0xbf: {  	_ =	sfence.sel $0xFFFF  }
0xc0: {  	[dreg:$0x0] =	wrdreg $0xFFFFFFFF;
	(pc) =	sbr.abs _section_cstart, $3  }
0xc1: {  	[dreg:$0x1] =	wrdreg $0xFFFFFFFF  }
0xc2: {  	_ =	task.clear_ibuf [dreg:s7], $0x2FFFF;
	_ =	strace $0x9FFFFFFF  }
0xc3: {  	(tm) =	ssettm $0x7FFFFFFF  }
tec
execute0_lowered:
.L_overlay_start_1:
0x0: {  	(tag) =	ssettag $0x1  }
0x1: {  	s1 =	rddreg [dreg:$0x0]  }
0x2: {  	s0 =	rddreg [dreg:$0x1]  }
0x3: {  	s2 =	rddreg [dreg:$0x2];
	s3 =	simm.s32 $0x0  }
0x4: {  	s5 =	srdreg.scid;
	s21 =	simm.s32 $0x2;
	s22 =	simm.s32 $0x1  }
0x5: {  	s23 =	simm.s32 $0x80;
	s26 =	simm.s32 $0x7000;
	s28 =	simm.s32 $0x2F80  }
0x6: {  	s29 =	simm.s32 $0x0;
	[smem:$0x7FF] =	sst s3;
	s3 =	stileid.u32  }
0x7: {  	s11 =	sand.u32 $0x1, s5;
	s17 =	sadd.s32 $0x2400, s0;
	s6 =	smul.u32 $0x50000, s3  }
0x8: {  	s18 =	sadd.s32 $0xC400, s0;
	s5 =	sadd.s32 $0x16400, s0;
	s7 =	smul.u32 $0x28000, s11  }
0x9: {  	_ =	strace $0x8000004A;
	s8 =	ssub.s32 $0x2, s11;
	s12 =	smul.u32 $0x4800, s3  }
0xa: {  	s13 =	smul.u32 $0x900, s3;
	p0 =	seq.s32 s11, $0x1;
	s20 =	sshll.u32 s3, $0x8  }
0xb: {  	s24 =	smul.u32 $0x2800, s3;
	s31 =	sshrl.u32 s8, $0x1;
	s20 =	sor.u32 $0x9000, s20  }
0xc: {  	s6 =	sshrl.u32 s6, $0x2;
	s0 =	sadd.s32 s7, s0;
	s19 =	ssub.s32 s8, s31  }
0xd: {  	s14 =	sshrl.u32 s12, $0x3;
	s11 =	sadd.s32 s17, s13;
	s12 =	sadd.s32 s18, s13  }
0xe: {  	s6 =	sadd.s32 s6, s2;
	s15 =	sadd.s32 $0x300, s14;
	s16 =	sadd.s32 $0x600, s14  }
.Ltmp0:
0xf: {  	s0 =	sadd.s32 $0x16C00, s0;
	s19 =	smax.u32 s19, $0x1;
	(pc) =	sbr.rel .LBB2_1-.Ltmp0, $4  }
0x10: {  	s7 =	sadd.s32 $0x4000, s6;
	s8 =	sadd.s32 $0x8000, s6;
	s9 =	sadd.s32 $0xC000, s6  }
0x11: {  	s10 =	sadd.s32 $0x10000, s6;
	s13 =	sadd.s32 s17, s15;
	s14 =	sadd.s32 s18, s15  }
0x12: {  	s15 =	sadd.s32 s17, s16;
	s16 =	sadd.s32 s18, s16;
	s17 =	sadd.s32 s17, s20  }
0x13: {  	s18 =	sadd.s32 s18, s20;
	s20 =	simm.s32 $0x3000;
	s24 =	sadd.s32 s24, s0  }
.LBB2_11:
0x14: {  	[sflag:s21] =	ssyncadd.s32 $0xFFFFC000  }
0x15: {  	_ =	swait.ge [sflag:s22], $0x4000  }
0x16: {  	[sflag:s22] =	ssyncset.done $0x0  }
0x17: {  	s0 =	simm.s32 $0x1F80;
	[sflag:s22] =	ssyncadd.s32 $0xFFFFC000  }
0x18: {  	[spmem:s2] =	stream.indirect.scatter.add.f32 [tilespmem:s26], [sflag:$0x2], $0x80, s0, s23, $0xb8;
	[tilespmem:$0x1F000] =	vst v63  }
.LBB2_12:
0x19: {  	_ =	swait.ge [sflag:s21], $0x4000  }
0x1a: {  	s0 =	sshll.u32 s3, $0x6;
	s29 =	sadd.s32 $0x1, s29;
	[sflag:s21] =	ssyncset.done $0x0  }
0x1b: {  	s4 =	sshrl.u32 s6, $0x3;
	p1 =	sne.s32 s29, s19;
	[sflag:s21] =	ssyncadd.s32 $0xFFFFC000  }
.Ltmp1:
0x1c: {  	s0 =	sor.u32 $0x1C02, s0;
	[bflag:$0x0] =	sbarrier.arrive $0xFFFF;
	(pc) =	sbr.rel @!p1 .LBB2_13-.Ltmp1, $4  }
0x1d: {  	[hbm:s24], [sflag:s0] =	dma.local [spmem:s4], $0x2800  }
0x1e: {  	_ =	swait.ge [sflag:s21], $0x2800  }
0x1f: {  	[sflag:s21] =	ssyncset.done $0x0  }
0x20: {  	[sflag:s21] =	ssyncadd.s32 $0xFFFFD800  }
.LBB2_1:
0x21: {  	s0 =	simm.s32 $0x0  }
0x22: {  	[tilespmem:s20], [sflag:$0x2] =	stream.linear.gather [hbm4b:s5+s0], $0x4000, $0x38;
	[tilespmem:$0x1F000] =	vst v63  }
0x23: {  	_ =	swait.ge [sflag:s21], $0x4000  }
0x24: {  	[sflag:s21] =	ssyncset.done $0x0  }
0x25: {  	[sflag:s21] =	ssyncadd.s32 $0xFFFFC000  }
0x26: {  	[spmem:s6] =	stream.linear.scatter [tilespmem:s20], [sflag:$0x2], $0x4000, $0x38;
	[tilespmem:$0x1F000] =	vst v63  }
0x27: {  	_ =	swait.ge [sflag:s21], $0x4000  }
0x28: {  	[sflag:s21] =	ssyncset.done $0x0  }
0x29: {  	[sflag:s21] =	ssyncadd.s32 $0xFFFFC000  }
0x2a: {  	[spmem:s7] =	stream.linear.scatter [tilespmem:s20], [sflag:$0x2], $0x4000, $0x38;
	[tilespmem:$0x1F000] =	vst v63  }
0x2b: {  	_ =	swait.ge [sflag:s21], $0x4000  }
0x2c: {  	[sflag:s21] =	ssyncset.done $0x0  }
0x2d: {  	[sflag:s21] =	ssyncadd.s32 $0xFFFFC000  }
0x2e: {  	[spmem:s8] =	stream.linear.scatter [tilespmem:s20], [sflag:$0x2], $0x4000, $0x38;
	[tilespmem:$0x1F000] =	vst v63  }
0x2f: {  	_ =	swait.ge [sflag:s21], $0x4000  }
0x30: {  	[sflag:s21] =	ssyncset.done $0x0  }
0x31: {  	[sflag:s21] =	ssyncadd.s32 $0xFFFFC000  }
0x32: {  	[spmem:s9] =	stream.linear.scatter [tilespmem:s20], [sflag:$0x2], $0x4000, $0x38;
	[tilespmem:$0x1F000] =	vst v63  }
0x33: {  	_ =	swait.ge [sflag:s21], $0x4000  }
0x34: {  	[sflag:s21] =	ssyncset.done $0x0  }
0x35: {  	[sflag:s21] =	ssyncadd.s32 $0xFFFFC000  }
0x36: {  	[spmem:s10] =	stream.linear.scatter [tilespmem:s20], [sflag:$0x2], $0x4000, $0x38;
	[tilespmem:$0x1F000] =	vst v63  }
.Ltmp2:
0x37: {  	_ =	swait.ge [sflag:s21], $0x4000;
	(pc) =	sbr.rel @!p0 .LBB2_2-.Ltmp2, $4  }
0x38: {  	[sflag:s21] =	ssyncset.done $0x0  }
0x39: {  	[sflag:s21] =	ssyncadd.s32 $0xFFFFC000  }
0x3a: {  	[bflag:$0x0] =	sbarrier.arrive $0xFFFF  }
0x3b: {  	s0 =	simm.s32 $0x0  }
0x3c: {  	[tilespmem:s0], [sflag:$0x2] =	stream.linear.gather [hbm4b:s17+s0], $0x800, $0x38;
	[tilespmem:$0x1F000] =	vst v63  }
0x3d: {  	_ =	swait.ge [sflag:s21], $0x800  }
0x3e: {  	[sflag:s21] =	ssyncset.done $0x0  }
0x3f: {  	s30 =	simm.s32 $0x1800;
	[sflag:s21] =	ssyncadd.s32 $0xFFFFF800  }
0x40: {  	[tilespmem:s30], [sflag:$0x2] =	stream.linear.gather [hbm4b:s18+s0], $0x800, $0x38;
	[tilespmem:$0x1F000] =	vst v63  }
0x41: {  	_ =	swait.ge [sflag:s21], $0x800  }
0x42: {  	[sflag:s21] =	ssyncset.done $0x0  }
0x43: {  	s31 =	simm.s32 $0x80;
	[sflag:s21] =	ssyncadd.s32 $0xFFFFF800  }
0x44: {  	[tilespmem:s20], [sflag:$0x1] =	stream.indirect.gather [hbm4b:s1+s31], $0x80, s0, s31, $0xb8;
	[tilespmem:$0x1F000] =	vst v63  }
0x45: {  	s25 =	simm.s32 $0x0;
	_ =	swait.ge [sflag:s22], $0x4000  }
0x46: {  	s0 =	sand.u32 $0x4000, s25;
	[sflag:s22] =	ssyncset.done $0x0  }
0x47: {  	s4 =	sxor.u32 $0x7000, s0;
	[sflag:s22] =	ssyncadd.s32 $0xFFFFC000  }
0x48: {  	[tilespmem:s4], [sflag:$0x1] =	stream.indirect.gather [hbm4b:s1+s23], $0x80, s31, s23, $0xb8;
	[tilespmem:$0x1F000] =	vst v63  }
0x49: {  	s0 =	sor.u32 $0x3000, s0  }
0x4a: {  	[spmem:s2] =	stream.indirect.scatter.add.f32 [tilespmem:s0], [sflag:$0x2], $0x80, s30, s23, $0xb8;
	[tilespmem:$0x1F000] =	vst v63  }
0x4b: {  	_ =	swait.ge [sflag:s21], $0x4000  }
0x4c: {  	s0 =	simm.s32 $0x1;
	[sflag:s21] =	ssyncset.done $0x0  }
.LBB2_10:
0x4d: {  	[sflag:s21] =	ssyncadd.s32 $0xFFFFC000;
	s30 =	sadd.s32 $0x80, s30;
	s31 =	sadd.s32 $0x80, s31  }
0x4e: {  	p1 =	sne.s32 s0, $0xE;
	s4 =	smov.u32 s0;
	s0 =	sadd.s32 $0x1, s0  }
0x4f: {  	s4 =	sshll.u32 s4, $0xE;
	_ =	swait.ge [sflag:s22], $0x4000  }
0x50: {  	s4 =	sand.u32 $0x4000, s4;
	[sflag:s22] =	ssyncset.done $0x0  }
0x51: {  	s25 =	sxor.u32 $0x7000, s4;
	[sflag:s22] =	ssyncadd.s32 $0xFFFFC000  }
0x52: {  	[tilespmem:s25], [sflag:$0x1] =	stream.indirect.gather [hbm4b:s1+s23], $0x80, s31, s23, $0xb8;
	[tilespmem:$0x1F000] =	vst v63  }
.Ltmp3:
0x53: {  	_ = 	snop;
	(pc) =	sbr.rel @p1 .LBB2_10-.Ltmp3, $4  }
0x54: {  	s4 =	sor.u32 $0x3000, s4  }
0x55: {  	[spmem:s2] =	stream.indirect.scatter.add.f32 [tilespmem:s4], [sflag:$0x2], $0x80, s30, s23, $0xb8;
	[tilespmem:$0x1F000] =	vst v63  }
0x56: {  	_ =	swait.ge [sflag:s21], $0x4000  }
0x57: {  	[sflag:s21] =	ssyncset.done $0x0  }
.Ltmp4:
0x58: {  	_ = 	snop;
	(pc) =	sbr.rel .LBB2_11-.Ltmp4, $1  }
0x59: {  	_ =	sdelay $0x3  }
.LBB2_2:
0x5a: {  	[tilespmem:s0], [sflag:$0x2] =	stream.linear.gather [hbm4b:s11+s0], $0x1800, $0x38;
	[tilespmem:$0x1F000] =	vst v63  }
0x5b: {  	_ =	swait.ge [sflag:s21], $0x1800  }
0x5c: {  	[sflag:s21] =	ssyncset.done $0x0  }
0x5d: {  	s30 =	simm.s32 $0x1800;
	[sflag:s21] =	ssyncadd.s32 $0xFFFFE800  }
0x5e: {  	[tilespmem:s30], [sflag:$0x2] =	stream.linear.gather [hbm4b:s12+s0], $0x1800, $0x38;
	[tilespmem:$0x1F000] =	vst v63  }
0x5f: {  	_ =	swait.ge [sflag:s21], $0x1800  }
0x60: {  	[sflag:s21] =	ssyncset.done $0x0  }
0x61: {  	s31 =	simm.s32 $0x80;
	[sflag:s21] =	ssyncadd.s32 $0xFFFFE800  }
0x62: {  	[tilespmem:s20], [sflag:$0x1] =	stream.indirect.gather [hbm4b:s1+s31], $0x80, s0, s31, $0xb8;
	[tilespmem:$0x1F000] =	vst v63  }
0x63: {  	s25 =	simm.s32 $0x0;
	_ =	swait.ge [sflag:s22], $0x4000  }
0x64: {  	s0 =	sand.u32 $0x4000, s25;
	[sflag:s22] =	ssyncset.done $0x0  }
0x65: {  	s25 =	sxor.u32 $0x7000, s0;
	[sflag:s22] =	ssyncadd.s32 $0xFFFFC000  }
0x66: {  	[tilespmem:s25], [sflag:$0x1] =	stream.indirect.gather [hbm4b:s1+s23], $0x80, s31, s23, $0xb8;
	[tilespmem:$0x1F000] =	vst v63  }
0x67: {  	s0 =	sor.u32 $0x3000, s0  }
0x68: {  	[spmem:s2] =	stream.indirect.scatter.add.f32 [tilespmem:s0], [sflag:$0x2], $0x80, s30, s23, $0xb8;
	[tilespmem:$0x1F000] =	vst v63  }
0x69: {  	_ =	swait.ge [sflag:s21], $0x4000  }
0x6a: {  	s0 =	simm.s32 $0x1;
	[sflag:s21] =	ssyncset.done $0x0  }
.LBB2_3:
0x6b: {  	[sflag:s21] =	ssyncadd.s32 $0xFFFFC000;
	s30 =	sadd.s32 $0x80, s30;
	s31 =	sadd.s32 $0x80, s31  }
0x6c: {  	p1 =	sne.s32 s0, $0x2E;
	s25 =	smov.u32 s0;
	s0 =	sadd.s32 $0x1, s0  }
0x6d: {  	s25 =	sshll.u32 s25, $0xE;
	_ =	swait.ge [sflag:s22], $0x4000  }
0x6e: {  	s25 =	sand.u32 $0x4000, s25;
	[sflag:s22] =	ssyncset.done $0x0  }
0x6f: {  	s4 =	sxor.u32 $0x7000, s25;
	[sflag:s22] =	ssyncadd.s32 $0xFFFFC000  }
0x70: {  	[tilespmem:s4], [sflag:$0x1] =	stream.indirect.gather [hbm4b:s1+s23], $0x80, s31, s23, $0xb8;
	[tilespmem:$0x1F000] =	vst v63  }
.Ltmp5:
0x71: {  	_ = 	snop;
	(pc) =	sbr.rel @p1 .LBB2_3-.Ltmp5, $4  }
0x72: {  	s4 =	sor.u32 $0x3000, s25  }
0x73: {  	[spmem:s2] =	stream.indirect.scatter.add.f32 [tilespmem:s4], [sflag:$0x2], $0x80, s30, s23, $0xb8;
	[tilespmem:$0x1F000] =	vst v63  }
0x74: {  	_ =	swait.ge [sflag:s21], $0x4000  }
0x75: {  	[sflag:s21] =	ssyncset.done $0x0  }
0x76: {  	[sflag:s21] =	ssyncadd.s32 $0xFFFFC000  }
0x77: {  	_ =	swait.ge [sflag:s22], $0x4000  }
0x78: {  	[sflag:s22] =	ssyncset.done $0x0  }
0x79: {  	s30 =	simm.s32 $0x80;
	[sflag:s22] =	ssyncadd.s32 $0xFFFFC000  }
0x7a: {  	[spmem:s2] =	stream.indirect.scatter.add.f32 [tilespmem:s26], [sflag:$0x2], $0x80, s28, s30, $0xb8;
	[tilespmem:$0x1F000] =	vst v63  }
0x7b: {  	_ =	swait.ge [sflag:s21], $0x4000  }
0x7c: {  	[sflag:s21] =	ssyncset.done $0x0  }
0x7d: {  	s0 =	simm.s32 $0x0;
	[sflag:s21] =	ssyncadd.s32 $0xFFFFC000  }
0x7e: {  	[tilespmem:s0], [sflag:$0x2] =	stream.linear.gather [hbm4b:s13+s0], $0x1800, $0x38;
	[tilespmem:$0x1F000] =	vst v63  }
0x7f: {  	_ =	swait.ge [sflag:s21], $0x1800  }
0x80: {  	[sflag:s21] =	ssyncset.done $0x0  }
0x81: {  	s31 =	simm.s32 $0x1800;
	[sflag:s21] =	ssyncadd.s32 $0xFFFFE800  }
0x82: {  	[tilespmem:s31], [sflag:$0x2] =	stream.linear.gather [hbm4b:s14+s0], $0x1800, $0x38;
	[tilespmem:$0x1F000] =	vst v63  }
0x83: {  	_ =	swait.ge [sflag:s21], $0x1800  }
0x84: {  	[sflag:s21] =	ssyncset.done $0x0  }
0x85: {  	[sflag:s21] =	ssyncadd.s32 $0xFFFFE800  }
0x86: {  	[tilespmem:s20], [sflag:$0x1] =	stream.indirect.gather [hbm4b:s1+s30], $0x80, s0, s30, $0xb8;
	[tilespmem:$0x1F000] =	vst v63  }
0x87: {  	s25 =	simm.s32 $0x0;
	_ =	swait.ge [sflag:s22], $0x4000  }
0x88: {  	s0 =	sand.u32 $0x4000, s25;
	[sflag:s22] =	ssyncset.done $0x0  }
0x89: {  	s4 =	sxor.u32 $0x7000, s0;
	[sflag:s22] =	ssyncadd.s32 $0xFFFFC000  }
0x8a: {  	[tilespmem:s4], [sflag:$0x1] =	stream.indirect.gather [hbm4b:s1+s23], $0x80, s30, s23, $0xb8;
	[tilespmem:$0x1F000] =	vst v63  }
0x8b: {  	s0 =	sor.u32 $0x3000, s0  }
0x8c: {  	[spmem:s2] =	stream.indirect.scatter.add.f32 [tilespmem:s0], [sflag:$0x2], $0x80, s31, s23, $0xb8;
	[tilespmem:$0x1F000] =	vst v63  }
0x8d: {  	_ =	swait.ge [sflag:s21], $0x4000  }
0x8e: {  	s0 =	simm.s32 $0x1;
	[sflag:s21] =	ssyncset.done $0x0  }
.LBB2_5:
0x8f: {  	[sflag:s21] =	ssyncadd.s32 $0xFFFFC000;
	s31 =	sadd.s32 $0x80, s31;
	s30 =	sadd.s32 $0x80, s30  }
0x90: {  	p1 =	sne.s32 s0, $0x2E;
	s4 =	smov.u32 s0;
	s0 =	sadd.s32 $0x1, s0  }
0x91: {  	s4 =	sshll.u32 s4, $0xE;
	_ =	swait.ge [sflag:s22], $0x4000  }
0x92: {  	s4 =	sand.u32 $0x4000, s4;
	[sflag:s22] =	ssyncset.done $0x0  }
0x93: {  	s25 =	sxor.u32 $0x7000, s4;
	[sflag:s22] =	ssyncadd.s32 $0xFFFFC000  }
0x94: {  	[tilespmem:s25], [sflag:$0x1] =	stream.indirect.gather [hbm4b:s1+s23], $0x80, s30, s23, $0xb8;
	[tilespmem:$0x1F000] =	vst v63  }
.Ltmp6:
0x95: {  	_ = 	snop;
	(pc) =	sbr.rel @p1 .LBB2_5-.Ltmp6, $4  }
0x96: {  	s4 =	sor.u32 $0x3000, s4  }
0x97: {  	[spmem:s2] =	stream.indirect.scatter.add.f32 [tilespmem:s4], [sflag:$0x2], $0x80, s31, s23, $0xb8;
	[tilespmem:$0x1F000] =	vst v63  }
0x98: {  	_ =	swait.ge [sflag:s21], $0x4000  }
0x99: {  	[sflag:s21] =	ssyncset.done $0x0  }
0x9a: {  	[sflag:s21] =	ssyncadd.s32 $0xFFFFC000  }
0x9b: {  	_ =	swait.ge [sflag:s22], $0x4000  }
0x9c: {  	[sflag:s22] =	ssyncset.done $0x0  }
0x9d: {  	s30 =	simm.s32 $0x80;
	[sflag:s22] =	ssyncadd.s32 $0xFFFFC000  }
0x9e: {  	[spmem:s2] =	stream.indirect.scatter.add.f32 [tilespmem:s26], [sflag:$0x2], $0x80, s28, s30, $0xb8;
	[tilespmem:$0x1F000] =	vst v63  }
0x9f: {  	_ =	swait.ge [sflag:s21], $0x4000  }
0xa0: {  	[sflag:s21] =	ssyncset.done $0x0  }
0xa1: {  	s0 =	simm.s32 $0x0;
	[sflag:s21] =	ssyncadd.s32 $0xFFFFC000  }
0xa2: {  	[tilespmem:s0], [sflag:$0x2] =	stream.linear.gather [hbm4b:s15+s0], $0x1800, $0x38;
	[tilespmem:$0x1F000] =	vst v63  }
0xa3: {  	_ =	swait.ge [sflag:s21], $0x1800  }
0xa4: {  	[sflag:s21] =	ssyncset.done $0x0  }
0xa5: {  	s31 =	simm.s32 $0x1800;
	[sflag:s21] =	ssyncadd.s32 $0xFFFFE800  }
0xa6: {  	[tilespmem:s31], [sflag:$0x2] =	stream.linear.gather [hbm4b:s16+s0], $0x1800, $0x38;
	[tilespmem:$0x1F000] =	vst v63  }
0xa7: {  	_ =	swait.ge [sflag:s21], $0x1800  }
0xa8: {  	[sflag:s21] =	ssyncset.done $0x0  }
0xa9: {  	[sflag:s21] =	ssyncadd.s32 $0xFFFFE800  }
0xaa: {  	[tilespmem:s20], [sflag:$0x1] =	stream.indirect.gather [hbm4b:s1+s30], $0x80, s0, s30, $0xb8;
	[tilespmem:$0x1F000] =	vst v63  }
0xab: {  	s25 =	simm.s32 $0x0;
	_ =	swait.ge [sflag:s22], $0x4000  }
0xac: {  	s0 =	sand.u32 $0x4000, s25;
	[sflag:s22] =	ssyncset.done $0x0  }
0xad: {  	s4 =	sxor.u32 $0x7000, s0;
	[sflag:s22] =	ssyncadd.s32 $0xFFFFC000  }
0xae: {  	[tilespmem:s4], [sflag:$0x1] =	stream.indirect.gather [hbm4b:s1+s23], $0x80, s30, s23, $0xb8;
	[tilespmem:$0x1F000] =	vst v63  }
0xaf: {  	s0 =	sor.u32 $0x3000, s0  }
0xb0: {  	[spmem:s2] =	stream.indirect.scatter.add.f32 [tilespmem:s0], [sflag:$0x2], $0x80, s31, s23, $0xb8;
	[tilespmem:$0x1F000] =	vst v63  }
0xb1: {  	_ =	swait.ge [sflag:s21], $0x4000  }
0xb2: {  	s0 =	simm.s32 $0x1;
	[sflag:s21] =	ssyncset.done $0x0  }
.LBB2_7:
0xb3: {  	[sflag:s21] =	ssyncadd.s32 $0xFFFFC000;
	s31 =	sadd.s32 $0x80, s31;
	s30 =	sadd.s32 $0x80, s30  }
0xb4: {  	p1 =	seq.s32 s0, $0x2E;
	s4 =	smov.u32 s0;
	s0 =	sadd.s32 $0x1, s0  }
0xb5: {  	s4 =	sshll.u32 s4, $0xE;
	_ =	swait.ge [sflag:s22], $0x4000  }
0xb6: {  	s4 =	sand.u32 $0x4000, s4;
	[sflag:s22] =	ssyncset.done $0x0  }
0xb7: {  	s25 =	sxor.u32 $0x7000, s4;
	[sflag:s22] =	ssyncadd.s32 $0xFFFFC000  }
0xb8: {  	[tilespmem:s25], [sflag:$0x1] =	stream.indirect.gather [hbm4b:s1+s23], $0x80, s30, s23, $0xb8;
	[tilespmem:$0x1F000] =	vst v63  }
.Ltmp7:
0xb9: {  	_ = 	snop;
	(pc) =	sbr.rel @!p1 .LBB2_7-.Ltmp7, $4  }
0xba: {  	s4 =	sor.u32 $0x3000, s4  }
0xbb: {  	[spmem:s2] =	stream.indirect.scatter.add.f32 [tilespmem:s4], [sflag:$0x2], $0x80, s31, s23, $0xb8;
	[tilespmem:$0x1F000] =	vst v63  }
0xbc: {  	_ =	swait.ge [sflag:s21], $0x4000  }
0xbd: {  	[sflag:s21] =	ssyncset.done $0x0  }
.Ltmp8:
0xbe: {  	[sflag:s21] =	ssyncadd.s32 $0xFFFFC000;
	(pc) =	sbr.rel .LBB2_12-.Ltmp8, $4  }
0xbf: {  	_ =	swait.ge [sflag:s22], $0x4000  }
0xc0: {  	[sflag:s22] =	ssyncset.done $0x0  }
0xc1: {  	[sflag:s22] =	ssyncadd.s32 $0xFFFFC000  }
0xc2: {  	[spmem:s2] =	stream.indirect.scatter.add.f32 [tilespmem:s26], [sflag:$0x2], $0x80, s28, s23, $0xb8;
	[tilespmem:$0x1F000] =	vst v63  }
.LBB2_13:
0xc3: {  	_ =	sfence.sel $0x180000  }
0xc4: {  	[bflag:$0x0] =	sbarrier.arrive $0xFFFF  }
0xc5: {  	_ =	strace $0x9000004A  }
0xc6: {  	[bflag:$0x2] =	sbarrier.arrive $0xFFFF  }
0xc7: {  	p0 =	sne.s32 s3, $0x0;
	s0 =	rddreg [dreg:$0x3]  }
0xc8: {  	s0 =	sadd.s32 @!p0 $0x100000, s0  }
0xc9: {  	[sflag:s0] =	ssyncadd.tile.s32 @!p0 $0x1;
	_ =	shalt  }
.Lfunc_end2:
_tile_overlayer_lowered:
.L_overlay_start_2:
0xca: {  	(tag) =	ssettag $0x2  }
0xcb: {  	s0 =	rddreg [dreg:$0x0];
	s2 =	stileid.u32  }
0xcc: {  	s1 =	rddreg [dreg:$0x1];
	p0 =	sne.s32 s2, $0x0  }
0xcd: {  	s3 =	rddreg [dreg:$0x2];
	[bflag:$0x3] =	sbarrier.arrive $0xFFFF;
	s2 =	simm.s32 @!p0 $0x1C02  }
0xce: {  	[timem:s3], [sflag:s2] =	dma.local @!p0 [hbm:s0], s1  }
0xcf: {  	s0 =	simm.s32 @!p0 $0x2  }
0xd0: {  	_ =	swait.ge @!p0 [sflag:s0], s1  }
0xd1: {  	s1 =	ssub.s32 @!p0 $0x0, s1;
	[sflag:s0] =	ssyncset.done @!p0 $0x0  }
0xd2: {  	[sflag:s0] =	ssyncadd.s32 @!p0 s1  }
0xd3: {  	[bflag:$0x3] =	sbarrier.arrive $0xFFFF  }
0xd4: {  	_ =	shalt  }

// kernel: _gcn.14.cloned.1.call-start
scs
__scs_entry_jumppad:
0x0: {  	(pc) =	sbr.rel $0x88, $3  }
0x1: {  	(tag) =	ssettag $0x0;
	lr =	simm.s32 $0x1  }
0x2: {  	[smem:$0x3F9B] =	sst lr;
	_ =	strace $0xD0000000  }
0x3: {  	_ = 	snop  }
0x4: {  	_ = 	snop  }
0x5: {  	_ = 	snop  }
0x6: {  	_ = 	snop  }
0x7: {  	_ = 	snop  }
__scs_overlays_trampoline_lowered:
0x8: {  	[smem:$0x3FAA] =	sst s0  }
0x9: {  	[smem:$0x3FAB] =	sst s1  }
0xa: {  	[smem:$0x3FAC] =	sst s2  }
0xb: {  	[smem:$0x3FAD] =	sst s3  }
0xc: {  	[smem:$0x3FAE] =	sst s4  }
0xd: {  	[smem:$0x3FAF] =	sst s5  }
0xe: {  	[smem:$0x3FB0] =	sst s6  }
0xf: {  	[smem:$0x3FB1] =	sst s7  }
0x10: {  	[smem:$0x3FB2] =	sst s8  }
0x11: {  	[smem:$0x3FB3] =	sst s9;
	s0 =	simm.s32 @!p0 $0x0  }
0x12: {  	s1 =	sld [smem:$0x3F99];
	s0 =	simm.s32 @p0 $0x1  }
0x13: {  	[smem:$0x3FB4] =	sst s0;
	s0 =	simm.s32 @!p1 $0x0  }
0x14: {  	s2 =	sld [smem:$0x3F98];
	s0 =	simm.s32 @p1 $0x1  }
0x15: {  	[smem:$0x3FB5] =	sst s0;
	s0 =	simm.s32 @!p2 $0x0  }
0x16: {  	s3 =	sld [smem:$0x3FDB];
	s0 =	simm.s32 @p2 $0x1  }
0x17: {  	s4 =	simm.s32 $0x1BF5;
	[smem:$0x3FB7] =	sst s0  }
0x18: {  	s0 =	sld [smem:$0x3F9A];
	_ =	swait.ge [sflag:s4], $0x0  }
0x19: {  	s7 =	sld [smem:$0x3F9B]  }
0x1a: {  	s8 =	sadd.s32 $0xFFFFE003, lr  }
0x1b: {  	s9 =	sadd.s32 $0xFFFFFEF7, lr;
	s5 =	simm.s32 $0xFFFFFFFF;
	p2 =	slt.u32 s8, $0xFFFFF086  }
0x1c: {  	p1 =	slt.u32 s9, $0xF7A;
	s5 =	simm.s32 @!p2 $0x0  }
0x1d: {  	s5 =	simm.s32 @p1 $0x1;
	p0 =	seq.s32 s7, s2  }
0x1e: {  	s7 =	smul.u32 @!p0 $0xF7A, s2;
	p2 =	seq.s32 @!p0 s5, $0x0  }
0x1f: {  	s9 =	smul.u32 $0xF7A, s1;
	s8 =	simm.s32 @!p0 $0x1BF5;
	p2 =	por !p2, p0  }
0x20: {  	[sflag:s8] =	ssyncset.s32 @!p0 $0xFFFFF086;
	s6 =	sadd.s32 @!p0 s3, s7;
	s7 =	simm.s32 @!p0 $0x108  }
0x21: {  	s3 =	sadd.s32 s3, s9;
	s6 =	sadd.s32 @!p0 $0x88, s6;
	s7 =	simm.s32 @p2 $0x1082  }
0x22: {  	[simem:s7], [sflag:s8] =	dma.local @!p0 [hbm:s6], $0xF7A  }
0x23: {  	s9 =	sor.u32 $0xD0000000, s2;
	s6 =	simm.s32 $0x108;
	_ =	swait.ge @!p0 [sflag:s8], $0x0  }
0x24: {  	s3 =	sadd.s32 $0x88, s3;
	s6 =	simm.s32 @!p1 $0x1082;
	[sflag:s4] =	ssyncset.s32 $0xFFFFF086  }
0x25: {  	[simem:s6], [sflag:s4] =	dma.local [hbm:s3], $0xF7A  }
0x26: {  	[smem:$0x3F9B] =	sst s1;
	(tag) =	ssettag s2;
	_ =	strace s9  }
0x27: {  	s1 =	sld [smem:$0x3FAB]  }
0x28: {  	s2 =	sld [smem:$0x3FAC]  }
0x29: {  	s4 =	sld [smem:$0x3FAE]  }
0x2a: {  	p0 =	seq.s32 s5, $0x0;
	s5 =	sld [smem:$0x3FAF]  }
0x2b: {  	s6 =	sld [smem:$0x3FB0]  }
0x2c: {  	s7 =	sld [smem:$0x3FB1]  }
0x2d: {  	s3 =	simm.s32 $0x108;
	s8 =	sld [smem:$0x3FB2]  }
0x2e: {  	s3 =	simm.s32 @!p0 $0x1082;
	s9 =	sld [smem:$0x3FB3]  }
0x2f: {  	lr =	sadd.s32 s0, s3;
	s0 =	sld [smem:$0x3FAA]  }
0x30: {  	s3 =	sld [smem:$0x3FAD]  }
0x31: {  	[smem:$0x3FB6] =	sst s10  }
0x32: {  	s10 =	sld [smem:$0x3FB4];
	_ =	sdelay $0x3  }
0x33: {  	p0 =	seq.s32 s10, $0x1;
	s10 =	sld [smem:$0x3FB6];
	_ =	sdelay $0x3  }
0x34: {  	[smem:$0x3FB6] =	sst s10  }
0x35: {  	s10 =	sld [smem:$0x3FB5];
	_ =	sdelay $0x3  }
0x36: {  	p1 =	seq.s32 s10, $0x1;
	s10 =	sld [smem:$0x3FB6];
	_ =	sdelay $0x3  }
0x37: {  	[smem:$0x3FB6] =	sst s10  }
0x38: {  	s10 =	sld [smem:$0x3FB7]  }
0x39: {  	_ = 	snop;
	(pc) =	sbr.ind lr, $3  }
0x3a: {  	_ = 	snop  }
0x3b: {  	_ = 	snop  }
0x3c: {  	p2 =	seq.s32 s10, $0x1;
	s10 =	sld [smem:$0x3FB6]  }
0x3d: {  	_ =	shalt  }
0x3e: {  	_ =	shalt  }
0x3f: {  	_ =	shalt  }
0x40: {  	_ =	shalt  }
0x41: {  	_ =	shalt  }
0x42: {  	_ =	shalt  }
0x43: {  	_ =	shalt  }
0x44: {  	_ =	shalt  }
0x45: {  	_ =	shalt  }
0x46: {  	_ =	shalt  }
0x47: {  	_ =	shalt  }
0x48: {  	_ =	shalt  }
0x49: {  	_ =	shalt  }
0x4a: {  	_ =	shalt  }
0x4b: {  	_ =	shalt  }
0x4c: {  	_ =	shalt  }
0x4d: {  	_ =	shalt  }
0x4e: {  	_ =	shalt  }
0x4f: {  	_ =	shalt  }
0x50: {  	_ =	shalt  }
0x51: {  	_ =	shalt  }
0x52: {  	_ =	shalt  }
0x53: {  	_ =	shalt  }
0x54: {  	_ =	shalt  }
0x55: {  	_ =	shalt  }
0x56: {  	_ =	shalt  }
0x57: {  	_ =	shalt  }
0x58: {  	_ =	shalt  }
0x59: {  	_ =	shalt  }
0x5a: {  	_ =	shalt  }
0x5b: {  	_ =	shalt  }
0x5c: {  	_ =	shalt  }
0x5d: {  	_ =	shalt  }
0x5e: {  	_ =	shalt  }
0x5f: {  	_ =	shalt  }
0x60: {  	_ =	shalt  }
0x61: {  	_ =	shalt  }
0x62: {  	_ =	shalt  }
0x63: {  	_ =	shalt  }
0x64: {  	_ =	shalt  }
0x65: {  	_ =	shalt  }
0x66: {  	_ =	shalt  }
0x67: {  	_ =	shalt  }
0x68: {  	_ =	shalt  }
0x69: {  	_ =	shalt  }
0x6a: {  	_ =	shalt  }
0x6b: {  	_ =	shalt  }
0x6c: {  	_ =	shalt  }
0x6d: {  	_ =	shalt  }
0x6e: {  	_ =	shalt  }
0x6f: {  	_ =	shalt  }
0x70: {  	_ =	shalt  }
0x71: {  	_ =	shalt  }
0x72: {  	_ =	shalt  }
0x73: {  	_ =	shalt  }
0x74: {  	_ =	shalt  }
0x75: {  	_ =	shalt  }
0x76: {  	_ =	shalt  }
0x77: {  	_ =	shalt  }
0x78: {  	_ =	shalt  }
0x79: {  	_ =	shalt  }
0x7a: {  	_ =	shalt  }
0x7b: {  	_ =	shalt  }
0x7c: {  	_ =	shalt  }
0x7d: {  	_ =	shalt  }
0x7e: {  	_ =	shalt  }
0x7f: {  	_ =	shalt  }
0x80: {  	_ =	shalt  }
0x81: {  	_ =	shalt  }
0x82: {  	_ =	shalt  }
0x83: {  	_ =	shalt  }
0x84: {  	_ =	shalt  }
0x85: {  	_ =	shalt  }
0x86: {  	_ =	shalt  }
0x87: {  	_ =	shalt  }
.Lfunc_end0:
.L_simem_size_0:
called_computation.2_lowered:
.L_overlay_start_0:
0x88: {  	s2 =	sld [smem:$0x3FD9]  }
0x89: {  	s3 =	sld [smem:$0x3FFE];
	_ =	sdelay $0x1  }
0x8a: {  	s1 =	srdreg.scid  }
0x8b: {  	s0 =	sand.u32 $0x1, s1  }
0x8c: {  	s17 =	sshll.u32 s0, $0xA;
	s2 =	sadd.s32 s3, s2  }
0x8d: {  	s2 =	sadd.s32 s2, s17  }
0x8e: {  	[smem:$0x3FC2] =	sst s2  }
0x8f: {  	_ = 	snop  }
0x90: {  	s2 =	sld [smem:$0x3FD0];
	(tm) =	ssettm $0x1  }
0x91: {  	s18 =	sld [smem:$0x3FFB];
	_ =	sdelay $0x3  }
0x92: {  	_ =	strace s18  }
0x93: {  	s3 =	sld [smem:$0x3FFC];
	_ =	sdelay $0x3  }
0x94: {  	_ =	strace s3  }
0x95: {  	s3 =	sld [smem:$0x3FFD];
	_ =	sdelay $0x3  }
0x96: {  	_ =	strace s3  }
0x97: {  	_ =	strace $0x8FFFFFFF  }
0x98: {  	s19 =	sld [smem:$0x3FDB];
	_ =	sdelay $0x1  }
0x99: {  	s4 =	simm.s32 $_scs_section_size  }
0x9a: {  	s5 =	simm.s32 $_size__tile_overlayer_lowered;
	s6 =	simm.s32 $_tile_overlayer_lowered  }
0x9b: {  	s22 =	simm.s32 $0x1BFF;
	s21 =	sshll.u32 s6, $0x1;
	s3 =	sadd.s32 s4, s19  }
0x9c: {  	s7 =	simm.s32 $0x0;
	s20 =	sshll.u32 s5, $0x1;
	s5 =	sadd.s32 s21, s3  }
0x9d: {  	[timem:s7], [sflag:s22] =	dma.local [hbm:s5], s20  }
0x9e: {  	_ =	swait.ge [sflag:s22], s20  }
0x9f: {  	s4 =	ssub.s32 $0x0, s20;
	[sflag:s22] =	ssyncset.done $0x0  }
0xa0: {  	[sflag:s22] =	ssyncadd.s32 s4;
	_ =	sdelay $0x1  }
0xa1: {  	s23 =	simm.s32 $0x1B8B  }
0xa2: {  	_ =	swait.ge [sflag:s23], $0x1  }
0xa3: {  	[sflag:s23] =	ssyncset.done $0x0  }
0xa4: {  	s25 =	simm.s32 $0x1B8E;
	s24 =	sld [smem:$0x3FFE];
	[sflag:s23] =	ssyncadd.s32 $0xFFFFFFFF  }
0xa5: {  	s26 =	simm.s32 $execute0_lowered;
	[smem:$0x3FD2] =	sst s25  }
0xa6: {  	s5 =	sshll.u32 s26, $0x1;
	_ =	strace $0x8000004C;
	[dreg:$0x1] =	wrdreg $0xFFFFFFFF  }
0xa7: {  	s28 =	simm.s32 $_size_execute0_lowered;
	s3 =	sadd.s32 s3, s5;
	[dreg:$0x0] =	wrdreg $0x0  }
0xa8: {  	s5 =	sshll.u32 s28, $0x1;
	[dreg:$0x2] =	wrdreg s3  }
0xa9: {  	[dreg:$0x3] =	wrdreg s5  }
0xaa: {  	[dreg:$0x4] =	wrdreg $0xC0  }
0xab: {  	_ =	task [dreg:s7], $0x5FFFF  }
0xac: {  	[dreg:$0x1] =	wrdreg $0xFFFFFFFF  }
0xad: {  	[dreg:$0x0] =	wrdreg $0x60  }
0xae: {  	[dreg:$0x2] =	wrdreg s2  }
0xaf: {  	[dreg:$0x3] =	wrdreg s24  }
0xb0: {  	[dreg:$0x4] =	wrdreg $0xB0000  }
0xb1: {  	[dreg:$0x5] =	wrdreg $0x9  }
0xb2: {  	_ =	task.clear_ibuf [dreg:s7], $0x6FFFF;
	_ =	strace $0x9000004C  }
0xb3: {  	s29 =	simm.s32 $0x9;
	_ =	strace $0x8000004E  }
0xb4: {  	_ =	swait.ge [sflag:s29], $0x1  }
0xb5: {  	[sflag:s29] =	ssyncadd.s32 $0xFFFFFFFF  }
0xb6: {  	_ =	strace $0x9000004E  }
0xb7: {  	_ =	sfence  }
0xb8: {  	s30 =	sld [smem:$0x0];
	_ =	sdelay $0x2  }
0xb9: {  	s31 =	sshll.u32 s1, $0xD;
	s1 =	sshrl.u32 s1, $0x2  }
0xba: {  	s3 =	sand.u32 $0x4000, s31;
	s1 =	sadd.s32 s1, s30  }
0xbb: {  	s0 =	sor.u32 s3, s0;
	s1 =	sshll.u32 s1, $0x11  }
0xbc: {  	s0 =	sor.u32 s1, s0  }
0xbd: {  	s0 =	sadd.s32 $0x8F2B, s0  }
0xbe: {  	[sflag:s0] =	ssyncadd.remote.s32 $0x1  }
0xbf: {  	_ =	sfence.sel $0xFFFF  }
0xc0: {  	[dreg:$0x0] =	wrdreg $0xFFFFFFFF;
	(pc) =	sbr.abs _section_cstart, $3  }
0xc1: {  	[dreg:$0x1] =	wrdreg $0xFFFFFFFF  }
0xc2: {  	_ =	task.clear_ibuf [dreg:s7], $0x2FFFF;
	_ =	strace $0x9FFFFFFF  }
0xc3: {  	(tm) =	ssettm $0x7FFFFFFF  }
tec
execute0_lowered:
.L_overlay_start_1:
0x0: {  	(tag) =	ssettag $0x1  }
0x1: {  	s1 =	rddreg [dreg:$0x0]  }
0x2: {  	s0 =	rddreg [dreg:$0x1]  }
0x3: {  	s2 =	rddreg [dreg:$0x2];
	s3 =	simm.s32 $0x0  }
0x4: {  	s5 =	srdreg.scid;
	s21 =	simm.s32 $0x2;
	s22 =	simm.s32 $0x1  }
0x5: {  	s23 =	simm.s32 $0x80;
	s26 =	simm.s32 $0x7000;
	s28 =	simm.s32 $0x2F80  }
0x6: {  	s29 =	simm.s32 $0x0;
	[smem:$0x7FF] =	sst s3;
	s3 =	stileid.u32  }
0x7: {  	s11 =	sand.u32 $0x1, s5;
	s17 =	sadd.s32 $0x2400, s0;
	s6 =	smul.u32 $0x50000, s3  }
0x8: {  	s18 =	sadd.s32 $0xC400, s0;
	s5 =	sadd.s32 $0x16400, s0;
	s7 =	smul.u32 $0x28000, s11  }
0x9: {  	_ =	strace $0x8000004D;
	s8 =	ssub.s32 $0x2, s11;
	s12 =	smul.u32 $0x4800, s3  }
0xa: {  	s13 =	smul.u32 $0x900, s3;
	p0 =	seq.s32 s11, $0x1;
	s20 =	sshll.u32 s3, $0x8  }
0xb: {  	s24 =	smul.u32 $0x2800, s3;
	s31 =	sshrl.u32 s8, $0x1;
	s20 =	sor.u32 $0x9000, s20  }
0xc: {  	s6 =	sshrl.u32 s6, $0x2;
	s0 =	sadd.s32 s7, s0;
	s19 =	ssub.s32 s8, s31  }
0xd: {  	s14 =	sshrl.u32 s12, $0x3;
	s11 =	sadd.s32 s17, s13;
	s12 =	sadd.s32 s18, s13  }
0xe: {  	s6 =	sadd.s32 s6, s2;
	s15 =	sadd.s32 $0x300, s14;
	s16 =	sadd.s32 $0x600, s14  }
.Ltmp0:
0xf: {  	s0 =	sadd.s32 $0x16C00, s0;
	s19 =	smax.u32 s19, $0x1;
	(pc) =	sbr.rel .LBB2_1-.Ltmp0, $4  }
0x10: {  	s7 =	sadd.s32 $0x4000, s6;
	s8 =	sadd.s32 $0x8000, s6;
	s9 =	sadd.s32 $0xC000, s6  }
0x11: {  	s10 =	sadd.s32 $0x10000, s6;
	s13 =	sadd.s32 s17, s15;
	s14 =	sadd.s32 s18, s15  }
0x12: {  	s15 =	sadd.s32 s17, s16;
	s16 =	sadd.s32 s18, s16;
	s17 =	sadd.s32 s17, s20  }
0x13: {  	s18 =	sadd.s32 s18, s20;
	s20 =	simm.s32 $0x3000;
	s24 =	sadd.s32 s24, s0  }
.LBB2_11:
0x14: {  	[sflag:s21] =	ssyncadd.s32 $0xFFFFC000  }
0x15: {  	_ =	swait.ge [sflag:s22], $0x4000  }
0x16: {  	[sflag:s22] =	ssyncset.done $0x0  }
0x17: {  	s0 =	simm.s32 $0x1F80;
	[sflag:s22] =	ssyncadd.s32 $0xFFFFC000  }
0x18: {  	[spmem:s2] =	stream.indirect.scatter.add.f32 [tilespmem:s26], [sflag:$0x2], $0x80, s0, s23, $0xb8;
	[tilespmem:$0x1F000] =	vst v63  }
.LBB2_12:
0x19: {  	_ =	swait.ge [sflag:s21], $0x4000  }
0x1a: {  	s0 =	sshll.u32 s3, $0x6;
	s29 =	sadd.s32 $0x1, s29;
	[sflag:s21] =	ssyncset.done $0x0  }
0x1b: {  	s4 =	sshrl.u32 s6, $0x3;
	p1 =	sne.s32 s29, s19;
	[sflag:s21] =	ssyncadd.s32 $0xFFFFC000  }
.Ltmp1:
0x1c: {  	s0 =	sor.u32 $0x1C02, s0;
	[bflag:$0x0] =	sbarrier.arrive $0xFFFF;
	(pc) =	sbr.rel @!p1 .LBB2_13-.Ltmp1, $4  }
0x1d: {  	[hbm:s24], [sflag:s0] =	dma.local [spmem:s4], $0x2800  }
0x1e: {  	_ =	swait.ge [sflag:s21], $0x2800  }
0x1f: {  	[sflag:s21] =	ssyncset.done $0x0  }
0x20: {  	[sflag:s21] =	ssyncadd.s32 $0xFFFFD800  }
.LBB2_1:
0x21: {  	s0 =	simm.s32 $0x0  }
0x22: {  	[tilespmem:s20], [sflag:$0x2] =	stream.linear.gather [hbm4b:s5+s0], $0x4000, $0x38;
	[tilespmem:$0x1F000] =	vst v63  }
0x23: {  	_ =	swait.ge [sflag:s21], $0x4000  }
0x24: {  	[sflag:s21] =	ssyncset.done $0x0  }
0x25: {  	[sflag:s21] =	ssyncadd.s32 $0xFFFFC000  }
0x26: {  	[spmem:s6] =	stream.linear.scatter [tilespmem:s20], [sflag:$0x2], $0x4000, $0x38;
	[tilespmem:$0x1F000] =	vst v63  }
0x27: {  	_ =	swait.ge [sflag:s21], $0x4000  }
0x28: {  	[sflag:s21] =	ssyncset.done $0x0  }
0x29: {  	[sflag:s21] =	ssyncadd.s32 $0xFFFFC000  }
0x2a: {  	[spmem:s7] =	stream.linear.scatter [tilespmem:s20], [sflag:$0x2], $0x4000, $0x38;
	[tilespmem:$0x1F000] =	vst v63  }
0x2b: {  	_ =	swait.ge [sflag:s21], $0x4000  }
0x2c: {  	[sflag:s21] =	ssyncset.done $0x0  }
0x2d: {  	[sflag:s21] =	ssyncadd.s32 $0xFFFFC000  }
0x2e: {  	[spmem:s8] =	stream.linear.scatter [tilespmem:s20], [sflag:$0x2], $0x4000, $0x38;
	[tilespmem:$0x1F000] =	vst v63  }
0x2f: {  	_ =	swait.ge [sflag:s21], $0x4000  }
0x30: {  	[sflag:s21] =	ssyncset.done $0x0  }
0x31: {  	[sflag:s21] =	ssyncadd.s32 $0xFFFFC000  }
0x32: {  	[spmem:s9] =	stream.linear.scatter [tilespmem:s20], [sflag:$0x2], $0x4000, $0x38;
	[tilespmem:$0x1F000] =	vst v63  }
0x33: {  	_ =	swait.ge [sflag:s21], $0x4000  }
0x34: {  	[sflag:s21] =	ssyncset.done $0x0  }
0x35: {  	[sflag:s21] =	ssyncadd.s32 $0xFFFFC000  }
0x36: {  	[spmem:s10] =	stream.linear.scatter [tilespmem:s20], [sflag:$0x2], $0x4000, $0x38;
	[tilespmem:$0x1F000] =	vst v63  }
.Ltmp2:
0x37: {  	_ =	swait.ge [sflag:s21], $0x4000;
	(pc) =	sbr.rel @!p0 .LBB2_2-.Ltmp2, $4  }
0x38: {  	[sflag:s21] =	ssyncset.done $0x0  }
0x39: {  	[sflag:s21] =	ssyncadd.s32 $0xFFFFC000  }
0x3a: {  	[bflag:$0x0] =	sbarrier.arrive $0xFFFF  }
0x3b: {  	s0 =	simm.s32 $0x0  }
0x3c: {  	[tilespmem:s0], [sflag:$0x2] =	stream.linear.gather [hbm4b:s17+s0], $0x800, $0x38;
	[tilespmem:$0x1F000] =	vst v63  }
0x3d: {  	_ =	swait.ge [sflag:s21], $0x800  }
0x3e: {  	[sflag:s21] =	ssyncset.done $0x0  }
0x3f: {  	s30 =	simm.s32 $0x1800;
	[sflag:s21] =	ssyncadd.s32 $0xFFFFF800  }
0x40: {  	[tilespmem:s30], [sflag:$0x2] =	stream.linear.gather [hbm4b:s18+s0], $0x800, $0x38;
	[tilespmem:$0x1F000] =	vst v63  }
0x41: {  	_ =	swait.ge [sflag:s21], $0x800  }
0x42: {  	[sflag:s21] =	ssyncset.done $0x0  }
0x43: {  	s31 =	simm.s32 $0x80;
	[sflag:s21] =	ssyncadd.s32 $0xFFFFF800  }
0x44: {  	[tilespmem:s20], [sflag:$0x1] =	stream.indirect.gather [hbm4b:s1+s31], $0x80, s0, s31, $0xb8;
	[tilespmem:$0x1F000] =	vst v63  }
0x45: {  	s25 =	simm.s32 $0x0;
	_ =	swait.ge [sflag:s22], $0x4000  }
0x46: {  	s0 =	sand.u32 $0x4000, s25;
	[sflag:s22] =	ssyncset.done $0x0  }
0x47: {  	s4 =	sxor.u32 $0x7000, s0;
	[sflag:s22] =	ssyncadd.s32 $0xFFFFC000  }
0x48: {  	[tilespmem:s4], [sflag:$0x1] =	stream.indirect.gather [hbm4b:s1+s23], $0x80, s31, s23, $0xb8;
	[tilespmem:$0x1F000] =	vst v63  }
0x49: {  	s0 =	sor.u32 $0x3000, s0  }
0x4a: {  	[spmem:s2] =	stream.indirect.scatter.add.f32 [tilespmem:s0], [sflag:$0x2], $0x80, s30, s23, $0xb8;
	[tilespmem:$0x1F000] =	vst v63  }
0x4b: {  	_ =	swait.ge [sflag:s21], $0x4000  }
0x4c: {  	s0 =	simm.s32 $0x1;
	[sflag:s21] =	ssyncset.done $0x0  }
.LBB2_10:
0x4d: {  	[sflag:s21] =	ssyncadd.s32 $0xFFFFC000;
	s30 =	sadd.s32 $0x80, s30;
	s31 =	sadd.s32 $0x80, s31  }
0x4e: {  	p1 =	sne.s32 s0, $0xE;
	s4 =	smov.u32 s0;
	s0 =	sadd.s32 $0x1, s0  }
0x4f: {  	s4 =	sshll.u32 s4, $0xE;
	_ =	swait.ge [sflag:s22], $0x4000  }
0x50: {  	s4 =	sand.u32 $0x4000, s4;
	[sflag:s22] =	ssyncset.done $0x0  }
0x51: {  	s25 =	sxor.u32 $0x7000, s4;
	[sflag:s22] =	ssyncadd.s32 $0xFFFFC000  }
0x52: {  	[tilespmem:s25], [sflag:$0x1] =	stream.indirect.gather [hbm4b:s1+s23], $0x80, s31, s23, $0xb8;
	[tilespmem:$0x1F000] =	vst v63  }
.Ltmp3:
0x53: {  	_ = 	snop;
	(pc) =	sbr.rel @p1 .LBB2_10-.Ltmp3, $4  }
0x54: {  	s4 =	sor.u32 $0x3000, s4  }
0x55: {  	[spmem:s2] =	stream.indirect.scatter.add.f32 [tilespmem:s4], [sflag:$0x2], $0x80, s30, s23, $0xb8;
	[tilespmem:$0x1F000] =	vst v63  }
0x56: {  	_ =	swait.ge [sflag:s21], $0x4000  }
0x57: {  	[sflag:s21] =	ssyncset.done $0x0  }
.Ltmp4:
0x58: {  	_ = 	snop;
	(pc) =	sbr.rel .LBB2_11-.Ltmp4, $1  }
0x59: {  	_ =	sdelay $0x3  }
.LBB2_2:
0x5a: {  	[tilespmem:s0], [sflag:$0x2] =	stream.linear.gather [hbm4b:s11+s0], $0x1800, $0x38;
	[tilespmem:$0x1F000] =	vst v63  }
0x5b: {  	_ =	swait.ge [sflag:s21], $0x1800  }
0x5c: {  	[sflag:s21] =	ssyncset.done $0x0  }
0x5d: {  	s30 =	simm.s32 $0x1800;
	[sflag:s21] =	ssyncadd.s32 $0xFFFFE800  }
0x5e: {  	[tilespmem:s30], [sflag:$0x2] =	stream.linear.gather [hbm4b:s12+s0], $0x1800, $0x38;
	[tilespmem:$0x1F000] =	vst v63  }
0x5f: {  	_ =	swait.ge [sflag:s21], $0x1800  }
0x60: {  	[sflag:s21] =	ssyncset.done $0x0  }
0x61: {  	s31 =	simm.s32 $0x80;
	[sflag:s21] =	ssyncadd.s32 $0xFFFFE800  }
0x62: {  	[tilespmem:s20], [sflag:$0x1] =	stream.indirect.gather [hbm4b:s1+s31], $0x80, s0, s31, $0xb8;
	[tilespmem:$0x1F000] =	vst v63  }
0x63: {  	s25 =	simm.s32 $0x0;
	_ =	swait.ge [sflag:s22], $0x4000  }
0x64: {  	s0 =	sand.u32 $0x4000, s25;
	[sflag:s22] =	ssyncset.done $0x0  }
0x65: {  	s25 =	sxor.u32 $0x7000, s0;
	[sflag:s22] =	ssyncadd.s32 $0xFFFFC000  }
0x66: {  	[tilespmem:s25], [sflag:$0x1] =	stream.indirect.gather [hbm4b:s1+s23], $0x80, s31, s23, $0xb8;
	[tilespmem:$0x1F000] =	vst v63  }
0x67: {  	s0 =	sor.u32 $0x3000, s0  }
0x68: {  	[spmem:s2] =	stream.indirect.scatter.add.f32 [tilespmem:s0], [sflag:$0x2], $0x80, s30, s23, $0xb8;
	[tilespmem:$0x1F000] =	vst v63  }
0x69: {  	_ =	swait.ge [sflag:s21], $0x4000  }
0x6a: {  	s0 =	simm.s32 $0x1;
	[sflag:s21] =	ssyncset.done $0x0  }
.LBB2_3:
0x6b: {  	[sflag:s21] =	ssyncadd.s32 $0xFFFFC000;
	s30 =	sadd.s32 $0x80, s30;
	s31 =	sadd.s32 $0x80, s31  }
0x6c: {  	p1 =	sne.s32 s0, $0x2E;
	s25 =	smov.u32 s0;
	s0 =	sadd.s32 $0x1, s0  }
0x6d: {  	s25 =	sshll.u32 s25, $0xE;
	_ =	swait.ge [sflag:s22], $0x4000  }
0x6e: {  	s25 =	sand.u32 $0x4000, s25;
	[sflag:s22] =	ssyncset.done $0x0  }
0x6f: {  	s4 =	sxor.u32 $0x7000, s25;
	[sflag:s22] =	ssyncadd.s32 $0xFFFFC000  }
0x70: {  	[tilespmem:s4], [sflag:$0x1] =	stream.indirect.gather [hbm4b:s1+s23], $0x80, s31, s23, $0xb8;
	[tilespmem:$0x1F000] =	vst v63  }
.Ltmp5:
0x71: {  	_ = 	snop;
	(pc) =	sbr.rel @p1 .LBB2_3-.Ltmp5, $4  }
0x72: {  	s4 =	sor.u32 $0x3000, s25  }
0x73: {  	[spmem:s2] =	stream.indirect.scatter.add.f32 [tilespmem:s4], [sflag:$0x2], $0x80, s30, s23, $0xb8;
	[tilespmem:$0x1F000] =	vst v63  }
0x74: {  	_ =	swait.ge [sflag:s21], $0x4000  }
0x75: {  	[sflag:s21] =	ssyncset.done $0x0  }
0x76: {  	[sflag:s21] =	ssyncadd.s32 $0xFFFFC000  }
0x77: {  	_ =	swait.ge [sflag:s22], $0x4000  }
0x78: {  	[sflag:s22] =	ssyncset.done $0x0  }
0x79: {  	s30 =	simm.s32 $0x80;
	[sflag:s22] =	ssyncadd.s32 $0xFFFFC000  }
0x7a: {  	[spmem:s2] =	stream.indirect.scatter.add.f32 [tilespmem:s26], [sflag:$0x2], $0x80, s28, s30, $0xb8;
	[tilespmem:$0x1F000] =	vst v63  }
0x7b: {  	_ =	swait.ge [sflag:s21], $0x4000  }
0x7c: {  	[sflag:s21] =	ssyncset.done $0x0  }
0x7d: {  	s0 =	simm.s32 $0x0;
	[sflag:s21] =	ssyncadd.s32 $0xFFFFC000  }
0x7e: {  	[tilespmem:s0], [sflag:$0x2] =	stream.linear.gather [hbm4b:s13+s0], $0x1800, $0x38;
	[tilespmem:$0x1F000] =	vst v63  }
0x7f: {  	_ =	swait.ge [sflag:s21], $0x1800  }
0x80: {  	[sflag:s21] =	ssyncset.done $0x0  }
0x81: {  	s31 =	simm.s32 $0x1800;
	[sflag:s21] =	ssyncadd.s32 $0xFFFFE800  }
0x82: {  	[tilespmem:s31], [sflag:$0x2] =	stream.linear.gather [hbm4b:s14+s0], $0x1800, $0x38;
	[tilespmem:$0x1F000] =	vst v63  }
0x83: {  	_ =	swait.ge [sflag:s21], $0x1800  }
0x84: {  	[sflag:s21] =	ssyncset.done $0x0  }
0x85: {  	[sflag:s21] =	ssyncadd.s32 $0xFFFFE800  }
0x86: {  	[tilespmem:s20], [sflag:$0x1] =	stream.indirect.gather [hbm4b:s1+s30], $0x80, s0, s30, $0xb8;
	[tilespmem:$0x1F000] =	vst v63  }
0x87: {  	s25 =	simm.s32 $0x0;
	_ =	swait.ge [sflag:s22], $0x4000  }
0x88: {  	s0 =	sand.u32 $0x4000, s25;
	[sflag:s22] =	ssyncset.done $0x0  }
0x89: {  	s4 =	sxor.u32 $0x7000, s0;
	[sflag:s22] =	ssyncadd.s32 $0xFFFFC000  }
0x8a: {  	[tilespmem:s4], [sflag:$0x1] =	stream.indirect.gather [hbm4b:s1+s23], $0x80, s30, s23, $0xb8;
	[tilespmem:$0x1F000] =	vst v63  }
0x8b: {  	s0 =	sor.u32 $0x3000, s0  }
0x8c: {  	[spmem:s2] =	stream.indirect.scatter.add.f32 [tilespmem:s0], [sflag:$0x2], $0x80, s31, s23, $0xb8;
	[tilespmem:$0x1F000] =	vst v63  }
0x8d: {  	_ =	swait.ge [sflag:s21], $0x4000  }
0x8e: {  	s0 =	simm.s32 $0x1;
	[sflag:s21] =	ssyncset.done $0x0  }
.LBB2_5:
0x8f: {  	[sflag:s21] =	ssyncadd.s32 $0xFFFFC000;
	s31 =	sadd.s32 $0x80, s31;
	s30 =	sadd.s32 $0x80, s30  }
0x90: {  	p1 =	sne.s32 s0, $0x2E;
	s4 =	smov.u32 s0;
	s0 =	sadd.s32 $0x1, s0  }
0x91: {  	s4 =	sshll.u32 s4, $0xE;
	_ =	swait.ge [sflag:s22], $0x4000  }
0x92: {  	s4 =	sand.u32 $0x4000, s4;
	[sflag:s22] =	ssyncset.done $0x0  }
0x93: {  	s25 =	sxor.u32 $0x7000, s4;
	[sflag:s22] =	ssyncadd.s32 $0xFFFFC000  }
0x94: {  	[tilespmem:s25], [sflag:$0x1] =	stream.indirect.gather [hbm4b:s1+s23], $0x80, s30, s23, $0xb8;
	[tilespmem:$0x1F000] =	vst v63  }
.Ltmp6:
0x95: {  	_ = 	snop;
	(pc) =	sbr.rel @p1 .LBB2_5-.Ltmp6, $4  }
0x96: {  	s4 =	sor.u32 $0x3000, s4  }
0x97: {  	[spmem:s2] =	stream.indirect.scatter.add.f32 [tilespmem:s4], [sflag:$0x2], $0x80, s31, s23, $0xb8;
	[tilespmem:$0x1F000] =	vst v63  }
0x98: {  	_ =	swait.ge [sflag:s21], $0x4000  }
0x99: {  	[sflag:s21] =	ssyncset.done $0x0  }
0x9a: {  	[sflag:s21] =	ssyncadd.s32 $0xFFFFC000  }
0x9b: {  	_ =	swait.ge [sflag:s22], $0x4000  }
0x9c: {  	[sflag:s22] =	ssyncset.done $0x0  }
0x9d: {  	s30 =	simm.s32 $0x80;
	[sflag:s22] =	ssyncadd.s32 $0xFFFFC000  }
0x9e: {  	[spmem:s2] =	stream.indirect.scatter.add.f32 [tilespmem:s26], [sflag:$0x2], $0x80, s28, s30, $0xb8;
	[tilespmem:$0x1F000] =	vst v63  }
0x9f: {  	_ =	swait.ge [sflag:s21], $0x4000  }
0xa0: {  	[sflag:s21] =	ssyncset.done $0x0  }
0xa1: {  	s0 =	simm.s32 $0x0;
	[sflag:s21] =	ssyncadd.s32 $0xFFFFC000  }
0xa2: {  	[tilespmem:s0], [sflag:$0x2] =	stream.linear.gather [hbm4b:s15+s0], $0x1800, $0x38;
	[tilespmem:$0x1F000] =	vst v63  }
0xa3: {  	_ =	swait.ge [sflag:s21], $0x1800  }
0xa4: {  	[sflag:s21] =	ssyncset.done $0x0  }
0xa5: {  	s31 =	simm.s32 $0x1800;
	[sflag:s21] =	ssyncadd.s32 $0xFFFFE800  }
0xa6: {  	[tilespmem:s31], [sflag:$0x2] =	stream.linear.gather [hbm4b:s16+s0], $0x1800, $0x38;
	[tilespmem:$0x1F000] =	vst v63  }
0xa7: {  	_ =	swait.ge [sflag:s21], $0x1800  }
0xa8: {  	[sflag:s21] =	ssyncset.done $0x0  }
0xa9: {  	[sflag:s21] =	ssyncadd.s32 $0xFFFFE800  }
0xaa: {  	[tilespmem:s20], [sflag:$0x1] =	stream.indirect.gather [hbm4b:s1+s30], $0x80, s0, s30, $0xb8;
	[tilespmem:$0x1F000] =	vst v63  }
0xab: {  	s25 =	simm.s32 $0x0;
	_ =	swait.ge [sflag:s22], $0x4000  }
0xac: {  	s0 =	sand.u32 $0x4000, s25;
	[sflag:s22] =	ssyncset.done $0x0  }
0xad: {  	s4 =	sxor.u32 $0x7000, s0;
	[sflag:s22] =	ssyncadd.s32 $0xFFFFC000  }
0xae: {  	[tilespmem:s4], [sflag:$0x1] =	stream.indirect.gather [hbm4b:s1+s23], $0x80, s30, s23, $0xb8;
	[tilespmem:$0x1F000] =	vst v63  }
0xaf: {  	s0 =	sor.u32 $0x3000, s0  }
0xb0: {  	[spmem:s2] =	stream.indirect.scatter.add.f32 [tilespmem:s0], [sflag:$0x2], $0x80, s31, s23, $0xb8;
	[tilespmem:$0x1F000] =	vst v63  }
0xb1: {  	_ =	swait.ge [sflag:s21], $0x4000  }
0xb2: {  	s0 =	simm.s32 $0x1;
	[sflag:s21] =	ssyncset.done $0x0  }
.LBB2_7:
0xb3: {  	[sflag:s21] =	ssyncadd.s32 $0xFFFFC000;
	s31 =	sadd.s32 $0x80, s31;
	s30 =	sadd.s32 $0x80, s30  }
0xb4: {  	p1 =	seq.s32 s0, $0x2E;
	s4 =	smov.u32 s0;
	s0 =	sadd.s32 $0x1, s0  }
0xb5: {  	s4 =	sshll.u32 s4, $0xE;
	_ =	swait.ge [sflag:s22], $0x4000  }
0xb6: {  	s4 =	sand.u32 $0x4000, s4;
	[sflag:s22] =	ssyncset.done $0x0  }
0xb7: {  	s25 =	sxor.u32 $0x7000, s4;
	[sflag:s22] =	ssyncadd.s32 $0xFFFFC000  }
0xb8: {  	[tilespmem:s25], [sflag:$0x1] =	stream.indirect.gather [hbm4b:s1+s23], $0x80, s30, s23, $0xb8;
	[tilespmem:$0x1F000] =	vst v63  }
.Ltmp7:
0xb9: {  	_ = 	snop;
	(pc) =	sbr.rel @!p1 .LBB2_7-.Ltmp7, $4  }
0xba: {  	s4 =	sor.u32 $0x3000, s4  }
0xbb: {  	[spmem:s2] =	stream.indirect.scatter.add.f32 [tilespmem:s4], [sflag:$0x2], $0x80, s31, s23, $0xb8;
	[tilespmem:$0x1F000] =	vst v63  }
0xbc: {  	_ =	swait.ge [sflag:s21], $0x4000  }
0xbd: {  	[sflag:s21] =	ssyncset.done $0x0  }
.Ltmp8:
0xbe: {  	[sflag:s21] =	ssyncadd.s32 $0xFFFFC000;
	(pc) =	sbr.rel .LBB2_12-.Ltmp8, $4  }
0xbf: {  	_ =	swait.ge [sflag:s22], $0x4000  }
0xc0: {  	[sflag:s22] =	ssyncset.done $0x0  }
0xc1: {  	[sflag:s22] =	ssyncadd.s32 $0xFFFFC000  }
0xc2: {  	[spmem:s2] =	stream.indirect.scatter.add.f32 [tilespmem:s26], [sflag:$0x2], $0x80, s28, s23, $0xb8;
	[tilespmem:$0x1F000] =	vst v63  }
.LBB2_13:
0xc3: {  	_ =	sfence.sel $0x180000  }
0xc4: {  	[bflag:$0x0] =	sbarrier.arrive $0xFFFF  }
0xc5: {  	_ =	strace $0x9000004D  }
0xc6: {  	[bflag:$0x2] =	sbarrier.arrive $0xFFFF  }
0xc7: {  	p0 =	sne.s32 s3, $0x0;
	s0 =	rddreg [dreg:$0x3]  }
0xc8: {  	s0 =	sadd.s32 @!p0 $0x100000, s0  }
0xc9: {  	[sflag:s0] =	ssyncadd.tile.s32 @!p0 $0x1;
	_ =	shalt  }
.Lfunc_end2:
_tile_overlayer_lowered:
.L_overlay_start_2:
0xca: {  	(tag) =	ssettag $0x2  }
0xcb: {  	s0 =	rddreg [dreg:$0x0];
	s2 =	stileid.u32  }
0xcc: {  	s1 =	rddreg [dreg:$0x1];
	p0 =	sne.s32 s2, $0x0  }
0xcd: {  	s3 =	rddreg [dreg:$0x2];
	[bflag:$0x3] =	sbarrier.arrive $0xFFFF;
	s2 =	simm.s32 @!p0 $0x1C02  }
0xce: {  	[timem:s3], [sflag:s2] =	dma.local @!p0 [hbm:s0], s1  }
0xcf: {  	s0 =	simm.s32 @!p0 $0x2  }
0xd0: {  	_ =	swait.ge @!p0 [sflag:s0], s1  }
0xd1: {  	s1 =	ssub.s32 @!p0 $0x0, s1;
	[sflag:s0] =	ssyncset.done @!p0 $0x0  }
0xd2: {  	[sflag:s0] =	ssyncadd.s32 @!p0 s1  }
0xd3: {  	[bflag:$0x3] =	sbarrier.arrive $0xFFFF  }
0xd4: {  	_ =	shalt  }

// kernel: _gcn.8.cloned.1.call-start
scs
__scs_entry_jumppad:
0x0: {  	(pc) =	sbr.rel $0x88, $3  }
0x1: {  	(tag) =	ssettag $0x0;
	lr =	simm.s32 $0x1  }
0x2: {  	[smem:$0x3F9B] =	sst lr;
	_ =	strace $0xD0000000  }
0x3: {  	_ = 	snop  }
0x4: {  	_ = 	snop  }
0x5: {  	_ = 	snop  }
0x6: {  	_ = 	snop  }
0x7: {  	_ = 	snop  }
__scs_overlays_trampoline_lowered:
0x8: {  	[smem:$0x3FAA] =	sst s0  }
0x9: {  	[smem:$0x3FAB] =	sst s1  }
0xa: {  	[smem:$0x3FAC] =	sst s2  }
0xb: {  	[smem:$0x3FAD] =	sst s3  }
0xc: {  	[smem:$0x3FAE] =	sst s4  }
0xd: {  	[smem:$0x3FAF] =	sst s5  }
0xe: {  	[smem:$0x3FB0] =	sst s6  }
0xf: {  	[smem:$0x3FB1] =	sst s7  }
0x10: {  	[smem:$0x3FB2] =	sst s8  }
0x11: {  	[smem:$0x3FB3] =	sst s9;
	s0 =	simm.s32 @!p0 $0x0  }
0x12: {  	s1 =	sld [smem:$0x3F99];
	s0 =	simm.s32 @p0 $0x1  }
0x13: {  	[smem:$0x3FB4] =	sst s0;
	s0 =	simm.s32 @!p1 $0x0  }
0x14: {  	s2 =	sld [smem:$0x3F98];
	s0 =	simm.s32 @p1 $0x1  }
0x15: {  	[smem:$0x3FB5] =	sst s0;
	s0 =	simm.s32 @!p2 $0x0  }
0x16: {  	s3 =	sld [smem:$0x3FDB];
	s0 =	simm.s32 @p2 $0x1  }
0x17: {  	s4 =	simm.s32 $0x1BF5;
	[smem:$0x3FB7] =	sst s0  }
0x18: {  	s0 =	sld [smem:$0x3F9A];
	_ =	swait.ge [sflag:s4], $0x0  }
0x19: {  	s7 =	sld [smem:$0x3F9B]  }
0x1a: {  	s8 =	sadd.s32 $0xFFFFE003, lr  }
0x1b: {  	s9 =	sadd.s32 $0xFFFFFEF7, lr;
	s5 =	simm.s32 $0xFFFFFFFF;
	p2 =	slt.u32 s8, $0xFFFFF086  }
0x1c: {  	p1 =	slt.u32 s9, $0xF7A;
	s5 =	simm.s32 @!p2 $0x0  }
0x1d: {  	s5 =	simm.s32 @p1 $0x1;
	p0 =	seq.s32 s7, s2  }
0x1e: {  	s7 =	smul.u32 @!p0 $0xF7A, s2;
	p2 =	seq.s32 @!p0 s5, $0x0  }
0x1f: {  	s9 =	smul.u32 $0xF7A, s1;
	s8 =	simm.s32 @!p0 $0x1BF5;
	p2 =	por !p2, p0  }
0x20: {  	[sflag:s8] =	ssyncset.s32 @!p0 $0xFFFFF086;
	s6 =	sadd.s32 @!p0 s3, s7;
	s7 =	simm.s32 @!p0 $0x108  }
0x21: {  	s3 =	sadd.s32 s3, s9;
	s6 =	sadd.s32 @!p0 $0x88, s6;
	s7 =	simm.s32 @p2 $0x1082  }
0x22: {  	[simem:s7], [sflag:s8] =	dma.local @!p0 [hbm:s6], $0xF7A  }
0x23: {  	s9 =	sor.u32 $0xD0000000, s2;
	s6 =	simm.s32 $0x108;
	_ =	swait.ge @!p0 [sflag:s8], $0x0  }
0x24: {  	s3 =	sadd.s32 $0x88, s3;
	s6 =	simm.s32 @!p1 $0x1082;
	[sflag:s4] =	ssyncset.s32 $0xFFFFF086  }
0x25: {  	[simem:s6], [sflag:s4] =	dma.local [hbm:s3], $0xF7A  }
0x26: {  	[smem:$0x3F9B] =	sst s1;
	(tag) =	ssettag s2;
	_ =	strace s9  }
0x27: {  	s1 =	sld [smem:$0x3FAB]  }
0x28: {  	s2 =	sld [smem:$0x3FAC]  }
0x29: {  	s4 =	sld [smem:$0x3FAE]  }
0x2a: {  	p0 =	seq.s32 s5, $0x0;
	s5 =	sld [smem:$0x3FAF]  }
0x2b: {  	s6 =	sld [smem:$0x3FB0]  }
0x2c: {  	s7 =	sld [smem:$0x3FB1]  }
0x2d: {  	s3 =	simm.s32 $0x108;
	s8 =	sld [smem:$0x3FB2]  }
0x2e: {  	s3 =	simm.s32 @!p0 $0x1082;
	s9 =	sld [smem:$0x3FB3]  }
0x2f: {  	lr =	sadd.s32 s0, s3;
	s0 =	sld [smem:$0x3FAA]  }
0x30: {  	s3 =	sld [smem:$0x3FAD]  }
0x31: {  	[smem:$0x3FB6] =	sst s10  }
0x32: {  	s10 =	sld [smem:$0x3FB4];
	_ =	sdelay $0x3  }
0x33: {  	p0 =	seq.s32 s10, $0x1;
	s10 =	sld [smem:$0x3FB6];
	_ =	sdelay $0x3  }
0x34: {  	[smem:$0x3FB6] =	sst s10  }
0x35: {  	s10 =	sld [smem:$0x3FB5];
	_ =	sdelay $0x3  }
0x36: {  	p1 =	seq.s32 s10, $0x1;
	s10 =	sld [smem:$0x3FB6];
	_ =	sdelay $0x3  }
0x37: {  	[smem:$0x3FB6] =	sst s10  }
0x38: {  	s10 =	sld [smem:$0x3FB7]  }
0x39: {  	_ = 	snop;
	(pc) =	sbr.ind lr, $3  }
0x3a: {  	_ = 	snop  }
0x3b: {  	_ = 	snop  }
0x3c: {  	p2 =	seq.s32 s10, $0x1;
	s10 =	sld [smem:$0x3FB6]  }
0x3d: {  	_ =	shalt  }
0x3e: {  	_ =	shalt  }
0x3f: {  	_ =	shalt  }
0x40: {  	_ =	shalt  }
0x41: {  	_ =	shalt  }
0x42: {  	_ =	shalt  }
0x43: {  	_ =	shalt  }
0x44: {  	_ =	shalt  }
0x45: {  	_ =	shalt  }
0x46: {  	_ =	shalt  }
0x47: {  	_ =	shalt  }
0x48: {  	_ =	shalt  }
0x49: {  	_ =	shalt  }
0x4a: {  	_ =	shalt  }
0x4b: {  	_ =	shalt  }
0x4c: {  	_ =	shalt  }
0x4d: {  	_ =	shalt  }
0x4e: {  	_ =	shalt  }
0x4f: {  	_ =	shalt  }
0x50: {  	_ =	shalt  }
0x51: {  	_ =	shalt  }
0x52: {  	_ =	shalt  }
0x53: {  	_ =	shalt  }
0x54: {  	_ =	shalt  }
0x55: {  	_ =	shalt  }
0x56: {  	_ =	shalt  }
0x57: {  	_ =	shalt  }
0x58: {  	_ =	shalt  }
0x59: {  	_ =	shalt  }
0x5a: {  	_ =	shalt  }
0x5b: {  	_ =	shalt  }
0x5c: {  	_ =	shalt  }
0x5d: {  	_ =	shalt  }
0x5e: {  	_ =	shalt  }
0x5f: {  	_ =	shalt  }
0x60: {  	_ =	shalt  }
0x61: {  	_ =	shalt  }
0x62: {  	_ =	shalt  }
0x63: {  	_ =	shalt  }
0x64: {  	_ =	shalt  }
0x65: {  	_ =	shalt  }
0x66: {  	_ =	shalt  }
0x67: {  	_ =	shalt  }
0x68: {  	_ =	shalt  }
0x69: {  	_ =	shalt  }
0x6a: {  	_ =	shalt  }
0x6b: {  	_ =	shalt  }
0x6c: {  	_ =	shalt  }
0x6d: {  	_ =	shalt  }
0x6e: {  	_ =	shalt  }
0x6f: {  	_ =	shalt  }
0x70: {  	_ =	shalt  }
0x71: {  	_ =	shalt  }
0x72: {  	_ =	shalt  }
0x73: {  	_ =	shalt  }
0x74: {  	_ =	shalt  }
0x75: {  	_ =	shalt  }
0x76: {  	_ =	shalt  }
0x77: {  	_ =	shalt  }
0x78: {  	_ =	shalt  }
0x79: {  	_ =	shalt  }
0x7a: {  	_ =	shalt  }
0x7b: {  	_ =	shalt  }
0x7c: {  	_ =	shalt  }
0x7d: {  	_ =	shalt  }
0x7e: {  	_ =	shalt  }
0x7f: {  	_ =	shalt  }
0x80: {  	_ =	shalt  }
0x81: {  	_ =	shalt  }
0x82: {  	_ =	shalt  }
0x83: {  	_ =	shalt  }
0x84: {  	_ =	shalt  }
0x85: {  	_ =	shalt  }
0x86: {  	_ =	shalt  }
0x87: {  	_ =	shalt  }
.Lfunc_end0:
.L_simem_size_0:
called_computation_lowered:
.L_overlay_start_0:
0x88: {  	s2 =	sld [smem:$0x3FD9]  }
0x89: {  	s3 =	sld [smem:$0x3FFE];
	_ =	sdelay $0x1  }
0x8a: {  	s1 =	srdreg.scid  }
0x8b: {  	s0 =	sand.u32 $0x1, s1  }
0x8c: {  	s17 =	sshll.u32 s0, $0xA;
	s2 =	sadd.s32 s3, s2  }
0x8d: {  	s2 =	sadd.s32 s2, s17  }
0x8e: {  	[smem:$0x3FC2] =	sst s2  }
0x8f: {  	_ = 	snop  }
0x90: {  	s2 =	sld [smem:$0x3FD0];
	(tm) =	ssettm $0x1  }
0x91: {  	s18 =	sld [smem:$0x3FFB];
	_ =	sdelay $0x3  }
0x92: {  	_ =	strace s18  }
0x93: {  	s3 =	sld [smem:$0x3FFC];
	_ =	sdelay $0x3  }
0x94: {  	_ =	strace s3  }
0x95: {  	s3 =	sld [smem:$0x3FFD];
	_ =	sdelay $0x3  }
0x96: {  	_ =	strace s3  }
0x97: {  	_ =	strace $0x8FFFFFFF  }
0x98: {  	s19 =	sld [smem:$0x3FDB];
	_ =	sdelay $0x1  }
0x99: {  	s4 =	simm.s32 $_scs_section_size  }
0x9a: {  	s5 =	simm.s32 $_size__tile_overlayer_lowered;
	s6 =	simm.s32 $_tile_overlayer_lowered  }
0x9b: {  	s22 =	simm.s32 $0x1BFF;
	s21 =	sshll.u32 s6, $0x1;
	s3 =	sadd.s32 s4, s19  }
0x9c: {  	s7 =	simm.s32 $0x0;
	s20 =	sshll.u32 s5, $0x1;
	s5 =	sadd.s32 s21, s3  }
0x9d: {  	[timem:s7], [sflag:s22] =	dma.local [hbm:s5], s20  }
0x9e: {  	_ =	swait.ge [sflag:s22], s20  }
0x9f: {  	s4 =	ssub.s32 $0x0, s20;
	[sflag:s22] =	ssyncset.done $0x0  }
0xa0: {  	[sflag:s22] =	ssyncadd.s32 s4;
	_ =	sdelay $0x1  }
0xa1: {  	s23 =	simm.s32 $0x1B8B  }
0xa2: {  	_ =	swait.ge [sflag:s23], $0x1  }
0xa3: {  	[sflag:s23] =	ssyncset.done $0x0  }
0xa4: {  	s25 =	simm.s32 $0x1B8E;
	s24 =	sld [smem:$0x3FFE];
	[sflag:s23] =	ssyncadd.s32 $0xFFFFFFFF  }
0xa5: {  	s26 =	simm.s32 $execute0_lowered;
	[smem:$0x3FD2] =	sst s25  }
0xa6: {  	s5 =	sshll.u32 s26, $0x1;
	_ =	strace $0x80000046;
	[dreg:$0x1] =	wrdreg $0xFFFFFFFF  }
0xa7: {  	s28 =	simm.s32 $_size_execute0_lowered;
	s3 =	sadd.s32 s3, s5;
	[dreg:$0x0] =	wrdreg $0x0  }
0xa8: {  	s5 =	sshll.u32 s28, $0x1;
	[dreg:$0x2] =	wrdreg s3  }
0xa9: {  	[dreg:$0x3] =	wrdreg s5  }
0xaa: {  	[dreg:$0x4] =	wrdreg $0xC0  }
0xab: {  	_ =	task [dreg:s7], $0x5FFFF  }
0xac: {  	[dreg:$0x1] =	wrdreg $0xFFFFFFFF  }
0xad: {  	[dreg:$0x0] =	wrdreg $0x60  }
0xae: {  	[dreg:$0x2] =	wrdreg s24  }
0xaf: {  	[dreg:$0x3] =	wrdreg s2  }
0xb0: {  	[dreg:$0x4] =	wrdreg $0x28800  }
0xb1: {  	[dreg:$0x5] =	wrdreg $0x9  }
0xb2: {  	_ =	task.clear_ibuf [dreg:s7], $0x6FFFF;
	_ =	strace $0x90000046  }
0xb3: {  	s29 =	simm.s32 $0x9;
	_ =	strace $0x80000048  }
0xb4: {  	_ =	swait.ge [sflag:s29], $0x1  }
0xb5: {  	[sflag:s29] =	ssyncadd.s32 $0xFFFFFFFF  }
0xb6: {  	_ =	strace $0x90000048  }
0xb7: {  	_ =	sfence  }
0xb8: {  	s30 =	sld [smem:$0x0];
	_ =	sdelay $0x2  }
0xb9: {  	s31 =	sshll.u32 s1, $0xD;
	s1 =	sshrl.u32 s1, $0x2  }
0xba: {  	s3 =	sand.u32 $0x4000, s31;
	s1 =	sadd.s32 s1, s30  }
0xbb: {  	s0 =	sor.u32 s3, s0;
	s1 =	sshll.u32 s1, $0x11  }
0xbc: {  	s0 =	sor.u32 s1, s0  }
0xbd: {  	s0 =	sadd.s32 $0x8F2B, s0  }
0xbe: {  	[sflag:s0] =	ssyncadd.remote.s32 $0x1  }
0xbf: {  	_ =	sfence.sel $0xFFFF  }
0xc0: {  	[dreg:$0x0] =	wrdreg $0xFFFFFFFF;
	(pc) =	sbr.abs _section_cstart, $3  }
0xc1: {  	[dreg:$0x1] =	wrdreg $0xFFFFFFFF  }
0xc2: {  	_ =	task.clear_ibuf [dreg:s7], $0x2FFFF;
	_ =	strace $0x9FFFFFFF  }
0xc3: {  	(tm) =	ssettm $0x7FFFFFFF  }
tec
execute0_lowered:
.L_overlay_start_1:
0x0: {  	(tag) =	ssettag $0x1  }
0x1: {  	s5 =	rddreg [dreg:$0x0]  }
0x2: {  	s7 =	rddreg [dreg:$0x1]  }
0x3: {  	s0 =	srdreg.scid;
	s2 =	rddreg [dreg:$0x2]  }
0x4: {  	s1 =	rddreg [dreg:$0x3];
	s3 =	simm.s32 $0x0;
	s15 =	simm.s32 $0x10  }
0x5: {  	s16 =	simm.s32 $0x0;
	s4 =	sand.u32 $0x1, s0;
	s0 =	stileid.u32  }
0x6: {  	[smem:$0x7FF] =	sst s3;
	s8 =	sshll.u32 s4, $0x4;
	s9 =	smul.u32 $0x280, s0  }
0x7: {  	_ =	strace $0x80000047;
	s10 =	ssub.s32 $0x2, s4;
	s4 =	sadd.s32 $0x16400, s5  }
0x8: {  	s14 =	smul.u32 $0xA0, s0;
	s31 =	sshll.u32 s0, $0x6;
	s6 =	sor.u32 s0, s8  }
0x9: {  	s12 =	sshrl.u32 s10, $0x1;
	s13 =	sadd.s32 s7, s8;
	s8 =	simm.s32 $0x1  }
0xa: {  	s6 =	smul.u32 $0x500, s6;
	s11 =	sshrl.u32 s9, $0x3;
	s10 =	ssub.s32 s10, s12  }
0xb: {  	s30 =	sadd.s32 s9, s2;
	s9 =	simm.s32 $0x2800;
	s12 =	simm.s32 $0x80  }
0xc: {  	s13 =	sadd.s32 s14, s13;
	s14 =	simm.s32 $0x20;
	s11 =	sadd.s32 s11, s5  }
0xd: {  	s7 =	smax.u32 s10, $0x1;
	s10 =	sor.u32 $0x1C01, s31;
	s6 =	sadd.s32 s6, s5  }
0xe: {  	s5 =	sadd.s32 $0xC400, s6;
	s6 =	sadd.s32 $0x16600, s11;
	s11 =	sshrl.u32 s30, $0x3  }
.LBB2_1:
0xf: {  	[tilespmem:s3], [sflag:$0x1] =	stream.linear.gather [hbm4b:s5+s3], $0x2800, $0x38;
	[tilespmem:$0x2B00] =	vst v63  }
0x10: {  	_ =	swait.ge [sflag:s8], $0x2800  }
0x11: {  	[sflag:s8] =	ssyncset.done $0x0  }
0x12: {  	[sflag:s8] =	ssyncadd.s32 $0xFFFFD800  }
0x13: {  	[tilespmem:s9], [sflag:$0x1] =	stream.linear.gather [hbm4b:s4+s3], $0x80, $0x38;
	[tilespmem:$0x2B00] =	vst v63  }
0x14: {  	_ =	swait.ge [sflag:s8], $0x80  }
0x15: {  	[sflag:s8] =	ssyncset.done $0x0  }
0x16: {  	[sflag:s8] =	ssyncadd.s32 $0xFFFFFF80  }
0x17: {  	[spmem:s11], [sflag:s10] =	dma.local [hbm:s6], $0x50  }
0x18: {  	_ =	swait.ge [sflag:s8], $0x50  }
0x19: {  	[sflag:s8] =	ssyncset.done $0x0  }
0x1a: {  	[sflag:s8] =	ssyncadd.s32 $0xFFFFFFB0  }
0x1b: {  	s17 =	simm.s32 $0x0;
	[bflag:$0x0] =	sbarrier.arrive $0xFFFF  }
0x1c: {  	[spmem:s2] =	stream.indirect.scatter.add.f32 [tilespmem:s9], [sflag:$0x1], $0x1, s17, s12, $0xb8;
	[tilespmem:$0x2B00] =	vst v63  }
0x1d: {  	_ =	swait.ge [sflag:s8], $0x80  }
0x1e: {  	s17 =	simm.s32 $0x200;
	[sflag:s8] =	ssyncset.done $0x0  }
.LBB2_2:
0x1f: {  	s18 =	sshra.s32 s17, $0x2;
	[sflag:s8] =	ssyncadd.s32 $0xFFFFFF80;
	p0 =	sne.s32 s17, $0x9E00  }
0x20: {  	[spmem:s2] =	stream.indirect.scatter.add.f32 [tilespmem:s9], [sflag:$0x1], $0x1, s18, s12, $0xb8;
	[tilespmem:$0x2B00] =	vst v63  }
.Ltmp0:
0x21: {  	_ = 	snop;
	(pc) =	sbr.rel @p0 .LBB2_2-.Ltmp0, $4  }
0x22: {  	_ = 	snop  }
0x23: {  	s17 =	sadd.s32 $0x200, s17  }
0x24: {  	_ =	swait.ge [sflag:s8], $0x80  }
0x25: {  	[sflag:s8] =	ssyncset.done $0x0  }
0x26: {  	s16 =	sadd.s32 $0x1, s16  }
0x27: {  	[sflag:s8] =	ssyncadd.s32 $0xFFFFFF80;
	p0 =	sne.s32 s16, s7  }
.Ltmp1:
0x28: {  	[bflag:$0x0] =	sbarrier.arrive $0xFFFF;
	(pc) =	sbr.rel @p0 .LBB2_1-.Ltmp1, $4  }
0x29: {  	[hbm:s13@s14], [sflag:s10] =	dma.strided [spmem:s11@s15], $0x50, s8, $0x10   }
0x2a: {  	_ =	swait.ge [sflag:s8], $0x50  }
0x2b: {  	[sflag:s8] =	ssyncset.done $0x0  }
0x2c: {  	[sflag:s8] =	ssyncadd.s32 $0xFFFFFFB0  }
0x2d: {  	_ =	sfence.sel $0x180000  }
0x2e: {  	[bflag:$0x0] =	sbarrier.arrive $0xFFFF  }
0x2f: {  	p0 =	sne.s32 s0, $0x0;
	_ =	strace $0x90000047  }
0x30: {  	s0 =	sadd.s32 @!p0 $0x100000, s1;
	[bflag:$0x2] =	sbarrier.arrive $0xFFFF  }
0x31: {  	[sflag:s0] =	ssyncadd.tile.s32 @!p0 $0x1;
	_ =	shalt  }
.Lfunc_end2:
_tile_overlayer_lowered:
.L_overlay_start_2:
0x32: {  	(tag) =	ssettag $0x2  }
0x33: {  	s0 =	rddreg [dreg:$0x0];
	s2 =	stileid.u32  }
0x34: {  	s1 =	rddreg [dreg:$0x1];
	p0 =	sne.s32 s2, $0x0  }
0x35: {  	s3 =	rddreg [dreg:$0x2];
	[bflag:$0x3] =	sbarrier.arrive $0xFFFF;
	s2 =	simm.s32 @!p0 $0x1C01  }
0x36: {  	[timem:s3], [sflag:s2] =	dma.local @!p0 [hbm:s0], s1  }
0x37: {  	s0 =	simm.s32 @!p0 $0x1  }
0x38: {  	_ =	swait.ge @!p0 [sflag:s0], s1  }
0x39: {  	s1 =	ssub.s32 @!p0 $0x0, s1;
	[sflag:s0] =	ssyncset.done @!p0 $0x0  }
0x3a: {  	[sflag:s0] =	ssyncadd.s32 @!p0 s1  }
0x3b: {  	[bflag:$0x3] =	sbarrier.arrive $0xFFFF  }
0x3c: {  	_ =	shalt  }

</sc_bundles>
